<compile_context>
chip_gen: v7x
topology: tpu7x:2x2x1
jax: 0.10.2.dev20260603
libtpu: 0.0.44.dev20260713+nightly
codegen_flags: <defaults>
</compile_context>

<pallas_src>
import functools

import jax
import jax.numpy as jnp
from jax import lax
from jax.experimental import pallas as pl
from jax.experimental.pallas import tpu as pltpu
from jax.experimental.pallas import tpu_sc as plsc

N = 10000
NPAD = 10240
E_RAW = 320000
E_LOOPS = E_RAW + N
EPAD = 331776
CHUNK = 96
GARBAGE = 10100
D_IN = 128
HID = 64
HEADS = 4
DH = HEADS * HID
NUM_CLASSES = 10
NUM_GRAPHS = 64

ROWS_PER_TILE = NPAD // 16
CHUNKS_L12 = EPAD // 16 // CHUNK
CHUNKS_L3 = EPAD // 32 // CHUNK



def _elu(x):
    return jnp.where(x > 0, x, jnp.exp(x) - 1.0)


def _tc_layer1(x_p, W1, As, Ad):
    bm = 512
    grid = (NPAD // bm,)

    def body(x_ref, w_ref, as_ref, ad_ref, lo_ref, hi_ref, s_ref, d_ref):
        h = jnp.dot(x_ref[...], w_ref[...], preferred_element_type=jnp.float32)
        lo_ref[...] = h[:, :128]
        hi_ref[...] = h[:, 128:]
        s_ref[...] = jnp.dot(h, as_ref[...], preferred_element_type=jnp.float32)
        d_ref[...] = jnp.dot(h, ad_ref[...], preferred_element_type=jnp.float32)

    return pl.pallas_call(
        body,
        grid=grid,
        in_specs=[
            pl.BlockSpec((bm, D_IN), lambda i: (i, 0)),
            pl.BlockSpec((D_IN, DH), lambda i: (0, 0)),
            pl.BlockSpec((DH, 16), lambda i: (0, 0)),
            pl.BlockSpec((DH, 16), lambda i: (0, 0)),
        ],
        out_specs=[
            pl.BlockSpec((bm, 128), lambda i: (i, 0)),
            pl.BlockSpec((bm, 128), lambda i: (i, 0)),
            pl.BlockSpec((bm, 16), lambda i: (i, 0)),
            pl.BlockSpec((bm, 16), lambda i: (i, 0)),
        ],
        out_shape=[
            jax.ShapeDtypeStruct((NPAD, 128), jnp.float32),
            jax.ShapeDtypeStruct((NPAD, 128), jnp.float32),
            jax.ShapeDtypeStruct((NPAD, 16), jnp.float32),
            jax.ShapeDtypeStruct((NPAD, 16), jnp.float32),
        ],
    )(x_p, W1, As, Ad)


def _tc_mid_layer(acc_lo, acc_hi, den, b_row, W, As, Ad, out_cols):
    bm = 512
    grid = (NPAD // bm,)
    split = out_cols == 256

    def body(lo_ref, hi_ref, d_ref, b_ref, w_ref, as_ref, ad_ref, *outs):
        d = d_ref[...]
        rep_lo = jnp.concatenate(
            [jnp.broadcast_to(d[:, h:h + 1], (bm, HID)) for h in (0, 1)], axis=1)
        rep_hi = jnp.concatenate(
            [jnp.broadcast_to(d[:, h:h + 1], (bm, HID)) for h in (2, 3)], axis=1)
        b = b_ref[...]
        x_lo = _elu(lo_ref[...] / (rep_lo + 1e-16) + b[0:1, :128])
        x_hi = _elu(hi_ref[...] / (rep_hi + 1e-16) + b[0:1, 128:])
        x = jnp.concatenate([x_lo, x_hi], axis=1)
        h = jnp.dot(x, w_ref[...], preferred_element_type=jnp.float32)
        if split:
            outs[0][...] = h[:, :128]
            outs[1][...] = h[:, 128:]
            k = 2
        else:
            outs[0][...] = h
            k = 1
        outs[k][...] = jnp.dot(h, as_ref[...], preferred_element_type=jnp.float32)
        outs[k + 1][...] = jnp.dot(h, ad_ref[...], preferred_element_type=jnp.float32)

    if split:
        out_specs = [pl.BlockSpec((bm, 128), lambda i: (i, 0)),
                     pl.BlockSpec((bm, 128), lambda i: (i, 0))]
        out_shape = [jax.ShapeDtypeStruct((NPAD, 128), jnp.float32),
                     jax.ShapeDtypeStruct((NPAD, 128), jnp.float32)]
    else:
        out_specs = [pl.BlockSpec((bm, out_cols), lambda i: (i, 0))]
        out_shape = [jax.ShapeDtypeStruct((NPAD, out_cols), jnp.float32)]
    out_specs += [pl.BlockSpec((bm, 16), lambda i: (i, 0)),
                  pl.BlockSpec((bm, 16), lambda i: (i, 0))]
    out_shape += [jax.ShapeDtypeStruct((NPAD, 16), jnp.float32),
                  jax.ShapeDtypeStruct((NPAD, 16), jnp.float32)]

    return pl.pallas_call(
        body,
        grid=grid,
        in_specs=[
            pl.BlockSpec((bm, 128), lambda i: (i, 0)),
            pl.BlockSpec((bm, 128), lambda i: (i, 0)),
            pl.BlockSpec((bm, 16), lambda i: (i, 0)),
            pl.BlockSpec((8, DH), lambda i: (0, 0)),
            pl.BlockSpec((DH, out_cols), lambda i: (0, 0)),
            pl.BlockSpec((out_cols, 16), lambda i: (0, 0)),
            pl.BlockSpec((out_cols, 16), lambda i: (0, 0)),
        ],
        out_specs=out_specs,
        out_shape=out_shape,
    )(acc_lo, acc_hi, den, b_row, W, As, Ad)


def _tc_final(acc_a, acc_b, den_a, den_b, b3_row, batch_bc, Wc_p, bc_row):
    bm = 400
    grid = (N // bm,)
    nsteps = N // bm

    def body(aa_ref, ab_ref, da_ref, db_ref, b3_ref, bb_ref, wc_ref, bc_ref,
             out_ref, psum, cnt):
        i = pl.program_id(0)

        @pl.when(i == 0)
        def _():
            psum[...] = jnp.zeros_like(psum)
            cnt[...] = jnp.zeros_like(cnt)

        a = aa_ref[...] + ab_ref[...]
        d = da_ref[...][:, 0:1] + db_ref[...][:, 0:1]
        h3 = _elu(a / (d + 1e-16) + b3_ref[...][0:1, :])
        gid = bb_ref[...][:, :NUM_GRAPHS]
        col = lax.broadcasted_iota(jnp.int32, (bm, NUM_GRAPHS), 1).astype(
            jnp.float32)
        oh = jnp.where(gid == col, 1.0, 0.0)
        psum[...] += lax.dot_general(oh, h3, (((0,), (0,)), ((), ())),
                                     preferred_element_type=jnp.float32)
        cnt[...] += lax.dot_general(oh, jnp.ones((bm, 8), jnp.float32),
                                    (((0,), (0,)), ((), ())),
                                    preferred_element_type=jnp.float32)

        @pl.when(i == nsteps - 1)
        def _():
            pooled = psum[...] / jnp.maximum(cnt[...][:, 0:1], 1.0)
            out_ref[...] = (jnp.dot(pooled, wc_ref[...],
                                    preferred_element_type=jnp.float32)
                            + bc_ref[...][0:1, :])

    return pl.pallas_call(
        body,
        grid=grid,
        in_specs=[
            pl.BlockSpec((bm, HID), lambda i: (i, 0)),
            pl.BlockSpec((bm, HID), lambda i: (i, 0)),
            pl.BlockSpec((bm, 16), lambda i: (i, 0)),
            pl.BlockSpec((bm, 16), lambda i: (i, 0)),
            pl.BlockSpec((8, HID), lambda i: (0, 0)),
            pl.BlockSpec((bm, 128), lambda i: (i, 0)),
            pl.BlockSpec((HID, 16), lambda i: (0, 0)),
            pl.BlockSpec((8, 16), lambda i: (0, 0)),
        ],
        out_specs=pl.BlockSpec((NUM_GRAPHS, 16), lambda i: (0, 0)),
        out_shape=jax.ShapeDtypeStruct((NUM_GRAPHS, 16), jnp.float32),
        scratch_shapes=[pltpu.VMEM((NUM_GRAPHS, NUM_GRAPHS), jnp.float32),
                        pltpu.VMEM((NUM_GRAPHS, 8), jnp.float32)],
    )(acc_a, acc_b, den_a, den_b, b3_row, batch_bc, Wc_p, bc_row)



def _zero_fill(ref, rows, width):
    z = jnp.zeros((16,), jnp.float32)

    def zb(e, _):
        for j in range(width // 16):
            ref[e, pl.ds(j * 16, 16)] = z
        return 0

    lax.fori_loop(0, rows, zb, 0)


def _edge_chunk_loop(h_tab, as_tab, ad_tab, src_hbm, dst_hbm, out_sp,
                     sidx, didx, asb, adb, hg, hrow, sem,
                     base_chunk, n_chunks, ncols, col_base):
    nv = ncols // 16

    def chunk_body(k, _):
        off = (base_chunk + k) * CHUNK
        pltpu.sync_copy(src_hbm.at[pl.ds(off, CHUNK)], sidx)
        pltpu.sync_copy(dst_hbm.at[pl.ds(off, CHUNK)], didx)
        pltpu.async_copy(as_tab.at[sidx], asb, sem).wait()
        pltpu.async_copy(ad_tab.at[didx], adb, sem).wait()
        pltpu.async_copy(h_tab.at[sidx], hg, sem).wait()

        def edge_body(e, _):
            v = asb[e, :] + adb[e, :]
            v = jnp.maximum(v, v * 0.2)
            ex = jnp.exp(v)
            hrow[e, pl.ds(ncols, 16)] = ex
            for j in range(nv):
                s = ex[col_base + j // 4]
                hrow[e, pl.ds(j * 16, 16)] = hg[e, pl.ds(j * 16, 16)] * s
            return 0

        lax.fori_loop(0, CHUNK, edge_body, 0)
        pltpu.async_copy(hrow, out_sp.at[didx], sem, add=True).wait()
        return 0

    lax.fori_loop(0, n_chunks, chunk_body, 0)


def _sc_edge_l12(h_lo, h_hi, as_tab, ad_tab, src_p, dst_p):
    mesh = plsc.VectorSubcoreMesh(core_axis_name="c", subcore_axis_name="s",
                                  num_cores=2, num_subcores=16)

    @functools.partial(
        pl.kernel, mesh=mesh,
        out_type=[jax.ShapeDtypeStruct((2 * NPAD, 144), jnp.float32)],
        scratch_types=[
            pltpu.VMEM((CHUNK,), jnp.int32),
            pltpu.VMEM((CHUNK,), jnp.int32),
            pltpu.VMEM((CHUNK, 16), jnp.float32),
            pltpu.VMEM((CHUNK, 16), jnp.float32),
            pltpu.VMEM((CHUNK, 128), jnp.float32),
            pltpu.VMEM((CHUNK, 144), jnp.float32),
            pltpu.VMEM_SHARED((NPAD, 144), jnp.float32),
            pltpu.SemaphoreType.DMA,
        ],
        compiler_params=pltpu.CompilerParams(use_tc_tiling_on_sc=False),
    )
    def k(hlo_hbm, hhi_hbm, as_hbm, ad_hbm, src_hbm, dst_hbm,
          out_hbm, sidx, didx, asb, adb, hg, hrow, out_sp, sem):
        c = lax.axis_index("c")
        s = lax.axis_index("s")
        _zero_fill(hrow, CHUNK, 144)
        r0 = s * ROWS_PER_TILE
        for t in range(ROWS_PER_TILE // CHUNK):
            pltpu.sync_copy(hrow, out_sp.at[pl.ds(r0 + t * CHUNK, CHUNK), :])
        rem = ROWS_PER_TILE % CHUNK
        if rem:
            pltpu.sync_copy(
                hrow.at[pl.ds(0, rem), :],
                out_sp.at[pl.ds(r0 + (ROWS_PER_TILE // CHUNK) * CHUNK, rem), :])
        plsc.subcore_barrier()

        base = s * CHUNKS_L12

        @pl.when(c == 0)
        def _():
            _edge_chunk_loop(hlo_hbm, as_hbm, ad_hbm, src_hbm, dst_hbm,
                             out_sp, sidx, didx, asb, adb, hg, hrow,
                             sem, base, CHUNKS_L12, 128, 0)

        @pl.when(c == 1)
        def _():
            _edge_chunk_loop(hhi_hbm, as_hbm, ad_hbm, src_hbm, dst_hbm,
                             out_sp, sidx, didx, asb, adb, hg, hrow,
                             sem, base, CHUNKS_L12, 128, 2)

        plsc.subcore_barrier()
        row_out = c * NPAD + r0
        pltpu.sync_copy(out_sp.at[pl.ds(r0, ROWS_PER_TILE), :],
                        out_hbm.at[pl.ds(row_out, ROWS_PER_TILE), :])

    return k(h_lo, h_hi, as_tab, ad_tab, src_p, dst_p)


def _sc_edge_l3(h3, as_tab, ad_tab, src_p, dst_p):
    mesh = plsc.VectorSubcoreMesh(core_axis_name="c", subcore_axis_name="s",
                                  num_cores=2, num_subcores=16)

    @functools.partial(
        pl.kernel, mesh=mesh,
        out_type=[jax.ShapeDtypeStruct((2 * NPAD, HID + 16), jnp.float32)],
        scratch_types=[
            pltpu.VMEM((CHUNK,), jnp.int32),
            pltpu.VMEM((CHUNK,), jnp.int32),
            pltpu.VMEM((CHUNK, 16), jnp.float32),
            pltpu.VMEM((CHUNK, 16), jnp.float32),
            pltpu.VMEM((CHUNK, HID), jnp.float32),
            pltpu.VMEM((CHUNK, HID + 16), jnp.float32),
            pltpu.VMEM_SHARED((NPAD, HID + 16), jnp.float32),
            pltpu.SemaphoreType.DMA,
        ],
        compiler_params=pltpu.CompilerParams(use_tc_tiling_on_sc=False),
    )
    def k(h_hbm, as_hbm, ad_hbm, src_hbm, dst_hbm,
          out_hbm, sidx, didx, asb, adb, hg, hrow, out_sp, sem):
        c = lax.axis_index("c")
        s = lax.axis_index("s")
        _zero_fill(hrow, CHUNK, HID + 16)
        r0 = s * ROWS_PER_TILE
        for t in range(ROWS_PER_TILE // CHUNK):
            pltpu.sync_copy(hrow, out_sp.at[pl.ds(r0 + t * CHUNK, CHUNK), :])
        rem = ROWS_PER_TILE % CHUNK
        if rem:
            pltpu.sync_copy(
                hrow.at[pl.ds(0, rem), :],
                out_sp.at[pl.ds(r0 + (ROWS_PER_TILE // CHUNK) * CHUNK, rem), :])
        plsc.subcore_barrier()

        w = c * 16 + s
        _edge_chunk_loop(h_hbm, as_hbm, ad_hbm, src_hbm, dst_hbm,
                         out_sp, sidx, didx, asb, adb, hg, hrow,
                         sem, w * CHUNKS_L3, CHUNKS_L3, HID, 0)

        plsc.subcore_barrier()
        row_out = c * NPAD + r0
        pltpu.sync_copy(out_sp.at[pl.ds(r0, ROWS_PER_TILE), :],
                        out_hbm.at[pl.ds(row_out, ROWS_PER_TILE), :])

    return k(h3, as_tab, ad_tab, src_p, dst_p)



def _att_table(a):
    heads = a.shape[0]
    eye = jnp.eye(heads, dtype=a.dtype)
    m = (a[:, :, None] * eye[:, None, :]).reshape(heads * HID, heads)
    return jnp.pad(m, ((0, 0), (0, 16 - heads)))


def kernel(x, edge_index, batch, W1, a_src1, a_dst1, b1, W2, a_src2, a_dst2,
           b2, W3, a_src3, a_dst3, b3, Wc, bc):
    x_p = jnp.pad(x, ((0, NPAD - N), (0, 0)))
    loops = jnp.arange(N, dtype=jnp.int32)
    src = jnp.concatenate([edge_index[0].astype(jnp.int32), loops])
    dst = jnp.concatenate([edge_index[1].astype(jnp.int32), loops])
    src_p = jnp.pad(src, (0, EPAD - E_LOOPS), constant_values=GARBAGE)
    dst_p = jnp.pad(dst, (0, EPAD - E_LOOPS), constant_values=GARBAGE)
    batch_bc = jnp.broadcast_to(batch.astype(jnp.float32)[:, None], (N, 128))

    As1, Ad1 = _att_table(a_src1), _att_table(a_dst1)
    As2, Ad2 = _att_table(a_src2), _att_table(a_dst2)
    As3, Ad3 = _att_table(a_src3), _att_table(a_dst3)
    b1r = jnp.broadcast_to(b1[None, :], (8, DH))
    b2r = jnp.broadcast_to(b2[None, :], (8, DH))
    b3r = jnp.broadcast_to(b3[None, :], (8, HID))
    Wc_p = jnp.pad(Wc, ((0, 0), (0, 16 - NUM_CLASSES)))
    bc_r = jnp.broadcast_to(jnp.pad(bc, (0, 16 - NUM_CLASSES))[None, :], (8, 16))

    h1lo, h1hi, as1, ad1 = _tc_layer1(x_p, W1, As1, Ad1)
    (acc1,) = _sc_edge_l12(h1lo, h1hi, as1, ad1, src_p, dst_p)
    h2lo, h2hi, as2, ad2 = _tc_mid_layer(
        acc1[:NPAD, :128], acc1[NPAD:, :128], acc1[:NPAD, 128:],
        b1r, W2, As2, Ad2, DH)
    (acc2,) = _sc_edge_l12(h2lo, h2hi, as2, ad2, src_p, dst_p)
    h3, as3, ad3 = _tc_mid_layer(
        acc2[:NPAD, :128], acc2[NPAD:, :128], acc2[:NPAD, 128:],
        b2r, W3, As3, Ad3, HID)
    (acc3,) = _sc_edge_l3(h3, as3, ad3, src_p, dst_p)
    logits = _tc_final(acc3[:NPAD, :HID], acc3[NPAD:, :HID],
                       acc3[:NPAD, HID:], acc3[NPAD:, HID:],
                       b3r, batch_bc, Wc_p, bc_r)
    return logits[:, :NUM_CLASSES]

# --- scband reference (transcript-rebuilt; emitter-appended) ---
"""Pipeline reference for scband-gatclassifier-9758165697215 (READ-ONLY COPY).

The authoritative reference and input builder live on the scoring server;
editing this copy changes nothing except your own understanding.
"""

import jax, jax.numpy as jnp
import numpy as np

N_NODES = 10000
N_EDGES = 320000
D_IN = 128
HID = 64
HEADS = 4
NUM_CLASSES = 10
NUM_GRAPHS = 64


def setup_inputs(seed: int = 0) -> dict:
    key = jax.random.key(seed)
    ks = jax.random.split(key, 20)
    x = jax.random.normal(ks[0], (N_NODES, D_IN), dtype=jnp.float32)
    edge_index = jax.random.randint(ks[1], (2, N_EDGES), 0, N_NODES, dtype=jnp.int64)
    batch = jnp.sort(jax.random.randint(ks[2], (N_NODES,), 0, NUM_GRAPHS, dtype=jnp.int64))
    s = 0.05
    # layer 1: in 128 -> 64 x 4 heads, concat
    W1 = jax.random.normal(ks[3], (D_IN, HEADS * HID), dtype=jnp.float32) * s
    a_src1 = jax.random.normal(ks[4], (HEADS, HID), dtype=jnp.float32) * s
    a_dst1 = jax.random.normal(ks[5], (HEADS, HID), dtype=jnp.float32) * s
    b1 = jnp.zeros((HEADS * HID,), dtype=jnp.float32)
    # layer 2: 256 -> 64 x 4 heads, concat
    W2 = jax.random.normal(ks[6], (HEADS * HID, HEADS * HID), dtype=jnp.float32) * s
    a_src2 = jax.random.normal(ks[7], (HEADS, HID), dtype=jnp.float32) * s
    a_dst2 = jax.random.normal(ks[8], (HEADS, HID), dtype=jnp.float32) * s
    b2 = jnp.zeros((HEADS * HID,), dtype=jnp.float32)
    # layer 3: 256 -> 64, 1 head, no concat
    W3 = jax.random.normal(ks[9], (HEADS * HID, HID), dtype=jnp.float32) * s
    a_src3 = jax.random.normal(ks[10], (1, HID), dtype=jnp.float32) * s
    a_dst3 = jax.random.normal(ks[11], (1, HID), dtype=jnp.float32) * s
    b3 = jnp.zeros((HID,), dtype=jnp.float32)
    # classifier
    Wc = jax.random.normal(ks[12], (HID, NUM_CLASSES), dtype=jnp.float32) * s
    bc = jnp.zeros((NUM_CLASSES,), dtype=jnp.float32)
    return {"x": x, "edge_index": edge_index, "batch": batch,
            "W1": W1, "a_src1": a_src1, "a_dst1": a_dst1, "b1": b1,
            "W2": W2, "a_src2": a_src2, "a_dst2": a_dst2, "b2": b2,
            "W3": W3, "a_src3": a_src3, "a_dst3": a_dst3, "b3": b3,
            "Wc": Wc, "bc": bc}


def _gat_conv(x, src, dst, W, a_src, a_dst, b, heads, out_ch, concat):
    n = x.shape[0]
    h = (x @ W).reshape(n, heads, out_ch)
    alpha_src = jnp.sum(h * a_src[None, :, :], axis=-1)  # [N, heads]
    alpha_dst = jnp.sum(h * a_dst[None, :, :], axis=-1)  # [N, heads]
    e = jax.nn.leaky_relu(alpha_src[src] + alpha_dst[dst], negative_slope=0.2)  # [E, heads]
    m = jax.ops.segment_max(e, dst, num_segments=n)
    m = jnp.where(jnp.isfinite(m), m, 0.0)
    ex = jnp.exp(e - m[dst])
    denom = jax.ops.segment_sum(ex, dst, num_segments=n)
    alpha = ex / (denom[dst] + 1e-16)
    out = jax.ops.segment_sum(alpha[:, :, None] * h[src], dst, num_segments=n)  # [N, heads, out_ch]
    if concat:
        out = out.reshape(n, heads * out_ch)
    else:
        out = out.mean(axis=1)
    return out + b


def reference(x, edge_index, batch, W1, a_src1, a_dst1, b1, W2, a_src2, a_dst2, b2, W3, a_src3, a_dst3, b3, Wc, bc):
    n = x.shape[0]
    # PyG GATConv default add_self_loops=True
    loops = jnp.arange(n, dtype=edge_index.dtype)
    src = jnp.concatenate([edge_index[0], loops])
    dst = jnp.concatenate([edge_index[1], loops])
    h = _gat_conv(x, src, dst, W1, a_src1, a_dst1, b1, HEADS, HID, True)
    h = jax.nn.elu(h)
    h = _gat_conv(h, src, dst, W2, a_src2, a_dst2, b2, HEADS, HID, True)
    h = jax.nn.elu(h)
    h = _gat_conv(h, src, dst, W3, a_src3, a_dst3, b3, 1, HID, False)
    h = jax.nn.elu(h)
    # global mean pool over batch assignment
    sums = jax.ops.segment_sum(h, batch, num_segments=NUM_GRAPHS)
    counts = jax.ops.segment_sum(jnp.ones((n,), dtype=h.dtype), batch, num_segments=NUM_GRAPHS)
    pooled = sums / jnp.maximum(counts, 1.0)[:, None]
    return pooled @ Wc + bc

if __name__ == "__main__":
    import jax
    _d = setup_inputs()
    print(jax.jit(kernel)(*tuple(_d.values())))

</pallas_src>

<mosaic_0001>
#map = affine_map<(d0, d1) -> (0, 0)>
#map1 = affine_map<(d0, d1) -> (0)>
module attributes {stable_mosaic.version = 14 : i64} {
  func.func @k(%arg0: i32, %arg1: i32, %arg2: memref<10240x128xf32, #tpu.memory_space<hbm>>, %arg3: memref<10240x128xf32, #tpu.memory_space<hbm>>, %arg4: memref<10240x16xf32, #tpu.memory_space<hbm>>, %arg5: memref<10240x16xf32, #tpu.memory_space<hbm>>, %arg6: memref<331776xi32, #tpu.memory_space<hbm>>, %arg7: memref<331776xi32, #tpu.memory_space<hbm>>, %arg8: memref<20480x144xf32, #tpu.memory_space<hbm>>, %arg9: memref<96xi32, #tpu.memory_space<vmem>>, %arg10: memref<96xi32, #tpu.memory_space<vmem>>, %arg11: memref<96x16xf32, #tpu.memory_space<vmem>>, %arg12: memref<96x16xf32, #tpu.memory_space<vmem>>, %arg13: memref<96x128xf32, #tpu.memory_space<vmem>>, %arg14: memref<96x144xf32, #tpu.memory_space<vmem>>, %arg15: memref<10240x144xf32, #tpu.memory_space<vmem_shared>>, %arg16: memref<!tpu.dma_semaphore, #tpu.memory_space<semaphore_mem>>) attributes {dimension_semantics = [#tpu.dimension_semantics<core_parallel>, #tpu.dimension_semantics<subcore_parallel>], iteration_bounds = array<i64: 2, 16>, scalar_prefetch = 0 : i64, scratch_operands = 8 : i64, tpu.core_type = #tpu.core_type<sc_vector_subcore>, window_params = [{transform_indices = #map}, {transform_indices = #map}, {transform_indices = #map}, {transform_indices = #map}, {transform_indices = #map1}, {transform_indices = #map1}, {transform_indices = #map}]} {
    %broadcast_in_dim3A = arith.constant 0.000000e+00 : f32
    %broadcast_in_dim3A_0 = vector.broadcast %broadcast_in_dim3A : f32 to vector<16xf32>
    %scan3A = arith.constant 0 : i32
    %scan3A_1 = arith.constant 0 : i32
    %scan3A_2 = arith.constant 96 : i32
    %scan3A_3 = arith.addi %scan3A_1, %scan3A_2 : i32
    %scan3A_4 = arith.constant 1 : i32
    %scan3A_5 = scf.for %scan3A_34 = %scan3A_1 to %scan3A_3 step %scan3A_4 iter_args(%scan3A_35 = %scan3A) -> (i32)  : i32 {
      %swap3A = arith.index_cast %scan3A_34 : i32 to index
      %swap3A_36 = arith.constant 0 : index
      %swap3A_37 = tpu.vector_load %arg14[%swap3A, %swap3A_36] {strides = array<i32>} : memref<96x144xf32, #tpu.memory_space<vmem>>, vector<1x16xf32>,
      %swap3A_38 = vector.shape_cast %swap3A_37 : vector<1x16xf32> to vector<16xf32>
      %swap3A_39 = vector.shape_cast %broadcast_in_dim3A_0 : vector<16xf32> to vector<1x16xf32>
      tpu.vector_store %arg14[%swap3A, %swap3A_36], %swap3A_39 {strides = array<i32>} : memref<96x144xf32, #tpu.memory_space<vmem>>, vector<1x16xf32>,
      %swap3A_40 = arith.index_cast %scan3A_34 : i32 to index
      %swap3A_41 = arith.constant 16 : index
      %swap3A_42 = tpu.vector_load %arg14[%swap3A_40, %swap3A_41] {strides = array<i32>} : memref<96x144xf32, #tpu.memory_space<vmem>>, vector<1x16xf32>,
      %swap3A_43 = vector.shape_cast %swap3A_42 : vector<1x16xf32> to vector<16xf32>
      %swap3A_44 = vector.shape_cast %broadcast_in_dim3A_0 : vector<16xf32> to vector<1x16xf32>
      tpu.vector_store %arg14[%swap3A_40, %swap3A_41], %swap3A_44 {strides = array<i32>} : memref<96x144xf32, #tpu.memory_space<vmem>>, vector<1x16xf32>,
      %swap3A_45 = arith.index_cast %scan3A_34 : i32 to index
      %swap3A_46 = arith.constant 32 : index
      %swap3A_47 = tpu.vector_load %arg14[%swap3A_45, %swap3A_46] {strides = array<i32>} : memref<96x144xf32, #tpu.memory_space<vmem>>, vector<1x16xf32>,
      %swap3A_48 = vector.shape_cast %swap3A_47 : vector<1x16xf32> to vector<16xf32>
      %swap3A_49 = vector.shape_cast %broadcast_in_dim3A_0 : vector<16xf32> to vector<1x16xf32>
      tpu.vector_store %arg14[%swap3A_45, %swap3A_46], %swap3A_49 {strides = array<i32>} : memref<96x144xf32, #tpu.memory_space<vmem>>, vector<1x16xf32>,
      %swap3A_50 = arith.index_cast %scan3A_34 : i32 to index
      %swap3A_51 = arith.constant 48 : index
      %swap3A_52 = tpu.vector_load %arg14[%swap3A_50, %swap3A_51] {strides = array<i32>} : memref<96x144xf32, #tpu.memory_space<vmem>>, vector<1x16xf32>,
      %swap3A_53 = vector.shape_cast %swap3A_52 : vector<1x16xf32> to vector<16xf32>
      %swap3A_54 = vector.shape_cast %broadcast_in_dim3A_0 : vector<16xf32> to vector<1x16xf32>
      tpu.vector_store %arg14[%swap3A_50, %swap3A_51], %swap3A_54 {strides = array<i32>} : memref<96x144xf32, #tpu.memory_space<vmem>>, vector<1x16xf32>,
      %swap3A_55 = arith.index_cast %scan3A_34 : i32 to index
      %swap3A_56 = arith.constant 64 : index
      %swap3A_57 = tpu.vector_load %arg14[%swap3A_55, %swap3A_56] {strides = array<i32>} : memref<96x144xf32, #tpu.memory_space<vmem>>, vector<1x16xf32>,
      %swap3A_58 = vector.shape_cast %swap3A_57 : vector<1x16xf32> to vector<16xf32>
      %swap3A_59 = vector.shape_cast %broadcast_in_dim3A_0 : vector<16xf32> to vector<1x16xf32>
      tpu.vector_store %arg14[%swap3A_55, %swap3A_56], %swap3A_59 {strides = array<i32>} : memref<96x144xf32, #tpu.memory_space<vmem>>, vector<1x16xf32>,
      %swap3A_60 = arith.index_cast %scan3A_34 : i32 to index
      %swap3A_61 = arith.constant 80 : index
      %swap3A_62 = tpu.vector_load %arg14[%swap3A_60, %swap3A_61] {strides = array<i32>} : memref<96x144xf32, #tpu.memory_space<vmem>>, vector<1x16xf32>,
      %swap3A_63 = vector.shape_cast %swap3A_62 : vector<1x16xf32> to vector<16xf32>
      %swap3A_64 = vector.shape_cast %broadcast_in_dim3A_0 : vector<16xf32> to vector<1x16xf32>
      tpu.vector_store %arg14[%swap3A_60, %swap3A_61], %swap3A_64 {strides = array<i32>} : memref<96x144xf32, #tpu.memory_space<vmem>>, vector<1x16xf32>,
      %swap3A_65 = arith.index_cast %scan3A_34 : i32 to index
      %swap3A_66 = arith.constant 96 : index
      %swap3A_67 = tpu.vector_load %arg14[%swap3A_65, %swap3A_66] {strides = array<i32>} : memref<96x144xf32, #tpu.memory_space<vmem>>, vector<1x16xf32>,
      %swap3A_68 = vector.shape_cast %swap3A_67 : vector<1x16xf32> to vector<16xf32>
      %swap3A_69 = vector.shape_cast %broadcast_in_dim3A_0 : vector<16xf32> to vector<1x16xf32>
      tpu.vector_store %arg14[%swap3A_65, %swap3A_66], %swap3A_69 {strides = array<i32>} : memref<96x144xf32, #tpu.memory_space<vmem>>, vector<1x16xf32>,
      %swap3A_70 = arith.index_cast %scan3A_34 : i32 to index
      %swap3A_71 = arith.constant 112 : index
      %swap3A_72 = tpu.vector_load %arg14[%swap3A_70, %swap3A_71] {strides = array<i32>} : memref<96x144xf32, #tpu.memory_space<vmem>>, vector<1x16xf32>,
      %swap3A_73 = vector.shape_cast %swap3A_72 : vector<1x16xf32> to vector<16xf32>
      %swap3A_74 = vector.shape_cast %broadcast_in_dim3A_0 : vector<16xf32> to vector<1x16xf32>
      tpu.vector_store %arg14[%swap3A_70, %swap3A_71], %swap3A_74 {strides = array<i32>} : memref<96x144xf32, #tpu.memory_space<vmem>>, vector<1x16xf32>,
      %swap3A_75 = arith.index_cast %scan3A_34 : i32 to index
      %swap3A_76 = arith.constant 128 : index
      %swap3A_77 = tpu.vector_load %arg14[%swap3A_75, %swap3A_76] {strides = array<i32>} : memref<96x144xf32, #tpu.memory_space<vmem>>, vector<1x16xf32>,
      %swap3A_78 = vector.shape_cast %swap3A_77 : vector<1x16xf32> to vector<16xf32>
      %swap3A_79 = vector.shape_cast %broadcast_in_dim3A_0 : vector<16xf32> to vector<1x16xf32>
      tpu.vector_store %arg14[%swap3A_75, %swap3A_76], %swap3A_79 {strides = array<i32>} : memref<96x144xf32, #tpu.memory_space<vmem>>, vector<1x16xf32>,
      %scan3A_80 = arith.constant 0 : i32
      scf.yield %scan3A_80 : i32
    }
    %scan3A_6 = arith.constant 96 : i32
    %mul3A = arith.constant 640 : i32
    %mul3A_7 = arith.muli %arg1, %mul3A : i32
    %add3A = arith.constant 0 : i32
    %add3A_8 = arith.addi %mul3A_7, %add3A : i32
    "tpu.region"() ({
      %run_scoped3A = tpu.sem_alloc : memref<!tpu.dma_semaphore, #tpu.memory_space<semaphore_mem>>
      %dma_start3A = arith.constant 0 : i32
      %dma_start3A_34 = tpu.memref_slice %arg15[%add3A_8, %dma_start3A] : memref<10240x144xf32, #tpu.memory_space<vmem_shared>> -> memref<96x144xf32, #tpu.memory_space<vmem_shared>>
      %dma_start3A_35 = arith.constant 0 : i32
      %dma_start3A_36 = tpu.memref_slice %arg15[%add3A_8, %dma_start3A_35] : memref<10240x144xf32, #tpu.memory_space<vmem_shared>> -> memref<96x144xf32, #tpu.memory_space<vmem_shared>>
      tpu.enqueue_dma source(%arg14 : memref<96x144xf32, #tpu.memory_space<vmem>>) target(%dma_start3A_36 : memref<96x144xf32, #tpu.memory_space<vmem_shared>>) target_semaphore(%run_scoped3A : memref<!tpu.dma_semaphore, #tpu.memory_space<semaphore_mem>>)
      %dma_wait3A = arith.constant 0 : i32
      %dma_wait3A_37 = tpu.memref_slice %arg15[%add3A_8, %dma_wait3A] : memref<10240x144xf32, #tpu.memory_space<vmem_shared>> -> memref<96x144xf32, #tpu.memory_space<vmem_shared>>
      %dma_wait3A_38 = arith.constant 0 : i32
      %dma_wait3A_39 = tpu.memref_slice %arg15[%add3A_8, %dma_wait3A_38] : memref<10240x144xf32, #tpu.memory_space<vmem_shared>> -> memref<96x144xf32, #tpu.memory_space<vmem_shared>>
      tpu.wait_dma2 semaphore(%run_scoped3A : memref<!tpu.dma_semaphore, #tpu.memory_space<semaphore_mem>>) src(%arg14 : memref<96x144xf32, #tpu.memory_space<vmem>>) dst(%dma_wait3A_39 : memref<96x144xf32, #tpu.memory_space<vmem_shared>>)
      tpu.yield
    }) : () -> ()
    %add3A_9 = arith.constant 96 : i32
    %add3A_10 = arith.addi %mul3A_7, %add3A_9 : i32
    "tpu.region"() ({
      %run_scoped3A = tpu.sem_alloc : memref<!tpu.dma_semaphore, #tpu.memory_space<semaphore_mem>>
      %dma_start3A = arith.constant 0 : i32
      %dma_start3A_34 = tpu.memref_slice %arg15[%add3A_10, %dma_start3A] : memref<10240x144xf32, #tpu.memory_space<vmem_shared>> -> memref<96x144xf32, #tpu.memory_space<vmem_shared>>
      %dma_start3A_35 = arith.constant 0 : i32
      %dma_start3A_36 = tpu.memref_slice %arg15[%add3A_10, %dma_start3A_35] : memref<10240x144xf32, #tpu.memory_space<vmem_shared>> -> memref<96x144xf32, #tpu.memory_space<vmem_shared>>
      tpu.enqueue_dma source(%arg14 : memref<96x144xf32, #tpu.memory_space<vmem>>) target(%dma_start3A_36 : memref<96x144xf32, #tpu.memory_space<vmem_shared>>) target_semaphore(%run_scoped3A : memref<!tpu.dma_semaphore, #tpu.memory_space<semaphore_mem>>)
      %dma_wait3A = arith.constant 0 : i32
      %dma_wait3A_37 = tpu.memref_slice %arg15[%add3A_10, %dma_wait3A] : memref<10240x144xf32, #tpu.memory_space<vmem_shared>> -> memref<96x144xf32, #tpu.memory_space<vmem_shared>>
      %dma_wait3A_38 = arith.constant 0 : i32
      %dma_wait3A_39 = tpu.memref_slice %arg15[%add3A_10, %dma_wait3A_38] : memref<10240x144xf32, #tpu.memory_space<vmem_shared>> -> memref<96x144xf32, #tpu.memory_space<vmem_shared>>
      tpu.wait_dma2 semaphore(%run_scoped3A : memref<!tpu.dma_semaphore, #tpu.memory_space<semaphore_mem>>) src(%arg14 : memref<96x144xf32, #tpu.memory_space<vmem>>) dst(%dma_wait3A_39 : memref<96x144xf32, #tpu.memory_space<vmem_shared>>)
      tpu.yield
    }) : () -> ()
    %add3A_11 = arith.constant 192 : i32
    %add3A_12 = arith.addi %mul3A_7, %add3A_11 : i32
    "tpu.region"() ({
      %run_scoped3A = tpu.sem_alloc : memref<!tpu.dma_semaphore, #tpu.memory_space<semaphore_mem>>
      %dma_start3A = arith.constant 0 : i32
      %dma_start3A_34 = tpu.memref_slice %arg15[%add3A_12, %dma_start3A] : memref<10240x144xf32, #tpu.memory_space<vmem_shared>> -> memref<96x144xf32, #tpu.memory_space<vmem_shared>>
      %dma_start3A_35 = arith.constant 0 : i32
      %dma_start3A_36 = tpu.memref_slice %arg15[%add3A_12, %dma_start3A_35] : memref<10240x144xf32, #tpu.memory_space<vmem_shared>> -> memref<96x144xf32, #tpu.memory_space<vmem_shared>>
      tpu.enqueue_dma source(%arg14 : memref<96x144xf32, #tpu.memory_space<vmem>>) target(%dma_start3A_36 : memref<96x144xf32, #tpu.memory_space<vmem_shared>>) target_semaphore(%run_scoped3A : memref<!tpu.dma_semaphore, #tpu.memory_space<semaphore_mem>>)
      %dma_wait3A = arith.constant 0 : i32
      %dma_wait3A_37 = tpu.memref_slice %arg15[%add3A_12, %dma_wait3A] : memref<10240x144xf32, #tpu.memory_space<vmem_shared>> -> memref<96x144xf32, #tpu.memory_space<vmem_shared>>
      %dma_wait3A_38 = arith.constant 0 : i32
      %dma_wait3A_39 = tpu.memref_slice %arg15[%add3A_12, %dma_wait3A_38] : memref<10240x144xf32, #tpu.memory_space<vmem_shared>> -> memref<96x144xf32, #tpu.memory_space<vmem_shared>>
      tpu.wait_dma2 semaphore(%run_scoped3A : memref<!tpu.dma_semaphore, #tpu.memory_space<semaphore_mem>>) src(%arg14 : memref<96x144xf32, #tpu.memory_space<vmem>>) dst(%dma_wait3A_39 : memref<96x144xf32, #tpu.memory_space<vmem_shared>>)
      tpu.yield
    }) : () -> ()
    %add3A_13 = arith.constant 288 : i32
    %add3A_14 = arith.addi %mul3A_7, %add3A_13 : i32
    "tpu.region"() ({
      %run_scoped3A = tpu.sem_alloc : memref<!tpu.dma_semaphore, #tpu.memory_space<semaphore_mem>>
      %dma_start3A = arith.constant 0 : i32
      %dma_start3A_34 = tpu.memref_slice %arg15[%add3A_14, %dma_start3A] : memref<10240x144xf32, #tpu.memory_space<vmem_shared>> -> memref<96x144xf32, #tpu.memory_space<vmem_shared>>
      %dma_start3A_35 = arith.constant 0 : i32
      %dma_start3A_36 = tpu.memref_slice %arg15[%add3A_14, %dma_start3A_35] : memref<10240x144xf32, #tpu.memory_space<vmem_shared>> -> memref<96x144xf32, #tpu.memory_space<vmem_shared>>
      tpu.enqueue_dma source(%arg14 : memref<96x144xf32, #tpu.memory_space<vmem>>) target(%dma_start3A_36 : memref<96x144xf32, #tpu.memory_space<vmem_shared>>) target_semaphore(%run_scoped3A : memref<!tpu.dma_semaphore, #tpu.memory_space<semaphore_mem>>)
      %dma_wait3A = arith.constant 0 : i32
      %dma_wait3A_37 = tpu.memref_slice %arg15[%add3A_14, %dma_wait3A] : memref<10240x144xf32, #tpu.memory_space<vmem_shared>> -> memref<96x144xf32, #tpu.memory_space<vmem_shared>>
      %dma_wait3A_38 = arith.constant 0 : i32
      %dma_wait3A_39 = tpu.memref_slice %arg15[%add3A_14, %dma_wait3A_38] : memref<10240x144xf32, #tpu.memory_space<vmem_shared>> -> memref<96x144xf32, #tpu.memory_space<vmem_shared>>
      tpu.wait_dma2 semaphore(%run_scoped3A : memref<!tpu.dma_semaphore, #tpu.memory_space<semaphore_mem>>) src(%arg14 : memref<96x144xf32, #tpu.memory_space<vmem>>) dst(%dma_wait3A_39 : memref<96x144xf32, #tpu.memory_space<vmem_shared>>)
      tpu.yield
    }) : () -> ()
    %add3A_15 = arith.constant 384 : i32
    %add3A_16 = arith.addi %mul3A_7, %add3A_15 : i32
    "tpu.region"() ({
      %run_scoped3A = tpu.sem_alloc : memref<!tpu.dma_semaphore, #tpu.memory_space<semaphore_mem>>
      %dma_start3A = arith.constant 0 : i32
      %dma_start3A_34 = tpu.memref_slice %arg15[%add3A_16, %dma_start3A] : memref<10240x144xf32, #tpu.memory_space<vmem_shared>> -> memref<96x144xf32, #tpu.memory_space<vmem_shared>>
      %dma_start3A_35 = arith.constant 0 : i32
      %dma_start3A_36 = tpu.memref_slice %arg15[%add3A_16, %dma_start3A_35] : memref<10240x144xf32, #tpu.memory_space<vmem_shared>> -> memref<96x144xf32, #tpu.memory_space<vmem_shared>>
      tpu.enqueue_dma source(%arg14 : memref<96x144xf32, #tpu.memory_space<vmem>>) target(%dma_start3A_36 : memref<96x144xf32, #tpu.memory_space<vmem_shared>>) target_semaphore(%run_scoped3A : memref<!tpu.dma_semaphore, #tpu.memory_space<semaphore_mem>>)
      %dma_wait3A = arith.constant 0 : i32
      %dma_wait3A_37 = tpu.memref_slice %arg15[%add3A_16, %dma_wait3A] : memref<10240x144xf32, #tpu.memory_space<vmem_shared>> -> memref<96x144xf32, #tpu.memory_space<vmem_shared>>
      %dma_wait3A_38 = arith.constant 0 : i32
      %dma_wait3A_39 = tpu.memref_slice %arg15[%add3A_16, %dma_wait3A_38] : memref<10240x144xf32, #tpu.memory_space<vmem_shared>> -> memref<96x144xf32, #tpu.memory_space<vmem_shared>>
      tpu.wait_dma2 semaphore(%run_scoped3A : memref<!tpu.dma_semaphore, #tpu.memory_space<semaphore_mem>>) src(%arg14 : memref<96x144xf32, #tpu.memory_space<vmem>>) dst(%dma_wait3A_39 : memref<96x144xf32, #tpu.memory_space<vmem_shared>>)
      tpu.yield
    }) : () -> ()
    %add3A_17 = arith.constant 480 : i32
    %add3A_18 = arith.addi %mul3A_7, %add3A_17 : i32
    "tpu.region"() ({
      %run_scoped3A = tpu.sem_alloc : memref<!tpu.dma_semaphore, #tpu.memory_space<semaphore_mem>>
      %dma_start3A = arith.constant 0 : i32
      %dma_start3A_34 = tpu.memref_slice %arg15[%add3A_18, %dma_start3A] : memref<10240x144xf32, #tpu.memory_space<vmem_shared>> -> memref<96x144xf32, #tpu.memory_space<vmem_shared>>
      %dma_start3A_35 = arith.constant 0 : i32
      %dma_start3A_36 = tpu.memref_slice %arg15[%add3A_18, %dma_start3A_35] : memref<10240x144xf32, #tpu.memory_space<vmem_shared>> -> memref<96x144xf32, #tpu.memory_space<vmem_shared>>
      tpu.enqueue_dma source(%arg14 : memref<96x144xf32, #tpu.memory_space<vmem>>) target(%dma_start3A_36 : memref<96x144xf32, #tpu.memory_space<vmem_shared>>) target_semaphore(%run_scoped3A : memref<!tpu.dma_semaphore, #tpu.memory_space<semaphore_mem>>)
      %dma_wait3A = arith.constant 0 : i32
      %dma_wait3A_37 = tpu.memref_slice %arg15[%add3A_18, %dma_wait3A] : memref<10240x144xf32, #tpu.memory_space<vmem_shared>> -> memref<96x144xf32, #tpu.memory_space<vmem_shared>>
      %dma_wait3A_38 = arith.constant 0 : i32
      %dma_wait3A_39 = tpu.memref_slice %arg15[%add3A_18, %dma_wait3A_38] : memref<10240x144xf32, #tpu.memory_space<vmem_shared>> -> memref<96x144xf32, #tpu.memory_space<vmem_shared>>
      tpu.wait_dma2 semaphore(%run_scoped3A : memref<!tpu.dma_semaphore, #tpu.memory_space<semaphore_mem>>) src(%arg14 : memref<96x144xf32, #tpu.memory_space<vmem>>) dst(%dma_wait3A_39 : memref<96x144xf32, #tpu.memory_space<vmem_shared>>)
      tpu.yield
    }) : () -> ()
    %add3A_19 = arith.constant 576 : i32
    %add3A_20 = arith.addi %mul3A_7, %add3A_19 : i32
    "tpu.region"() ({
      %run_scoped3A = tpu.sem_alloc : memref<!tpu.dma_semaphore, #tpu.memory_space<semaphore_mem>>
      %dma_start3A = arith.constant 0 : i32
      %dma_start3A_34 = arith.constant 0 : i32
      %dma_start3A_35 = tpu.memref_slice %arg14[%dma_start3A, %dma_start3A_34] : memref<96x144xf32, #tpu.memory_space<vmem>> -> memref<64x144xf32, #tpu.memory_space<vmem>>
      %dma_start3A_36 = arith.constant 0 : i32
      %dma_start3A_37 = tpu.memref_slice %arg15[%add3A_20, %dma_start3A_36] : memref<10240x144xf32, #tpu.memory_space<vmem_shared>> -> memref<64x144xf32, #tpu.memory_space<vmem_shared>>
      %dma_start3A_38 = arith.constant 0 : i32
      %dma_start3A_39 = tpu.memref_slice %arg15[%add3A_20, %dma_start3A_38] : memref<10240x144xf32, #tpu.memory_space<vmem_shared>> -> memref<64x144xf32, #tpu.memory_space<vmem_shared>>
      %dma_start3A_40 = arith.constant 0 : i32
      %dma_start3A_41 = arith.constant 0 : i32
      %dma_start3A_42 = tpu.memref_slice %arg14[%dma_start3A_40, %dma_start3A_41] : memref<96x144xf32, #tpu.memory_space<vmem>> -> memref<64x144xf32, #tpu.memory_space<vmem>>
      tpu.enqueue_dma source(%dma_start3A_42 : memref<64x144xf32, #tpu.memory_space<vmem>>) target(%dma_start3A_39 : memref<64x144xf32, #tpu.memory_space<vmem_shared>>) target_semaphore(%run_scoped3A : memref<!tpu.dma_semaphore, #tpu.memory_space<semaphore_mem>>)
      %dma_wait3A = arith.constant 0 : i32
      %dma_wait3A_43 = arith.constant 0 : i32
      %dma_wait3A_44 = tpu.memref_slice %arg14[%dma_wait3A, %dma_wait3A_43] : memref<96x144xf32, #tpu.memory_space<vmem>> -> memref<64x144xf32, #tpu.memory_space<vmem>>
      %dma_wait3A_45 = arith.constant 0 : i32
      %dma_wait3A_46 = tpu.memref_slice %arg15[%add3A_20, %dma_wait3A_45] : memref<10240x144xf32, #tpu.memory_space<vmem_shared>> -> memref<64x144xf32, #tpu.memory_space<vmem_shared>>
      %dma_wait3A_47 = arith.constant 0 : i32
      %dma_wait3A_48 = tpu.memref_slice %arg15[%add3A_20, %dma_wait3A_47] : memref<10240x144xf32, #tpu.memory_space<vmem_shared>> -> memref<64x144xf32, #tpu.memory_space<vmem_shared>>
      %dma_wait3A_49 = arith.constant 0 : i32
      %dma_wait3A_50 = arith.constant 0 : i32
      %dma_wait3A_51 = tpu.memref_slice %arg14[%dma_wait3A_49, %dma_wait3A_50] : memref<96x144xf32, #tpu.memory_space<vmem>> -> memref<64x144xf32, #tpu.memory_space<vmem>>
      tpu.wait_dma2 semaphore(%run_scoped3A : memref<!tpu.dma_semaphore, #tpu.memory_space<semaphore_mem>>) src(%dma_wait3A_51 : memref<64x144xf32, #tpu.memory_space<vmem>>) dst(%dma_wait3A_48 : memref<64x144xf32, #tpu.memory_space<vmem_shared>>)
      tpu.yield
    }) : () -> ()
    %barrier3A = arith.constant 0 : index
    tpu.barrier barrier_id(%barrier3A)
    %mul3A_21 = arith.constant 216 : i32
    %mul3A_22 = arith.muli %arg1, %mul3A_21 : i32
    %eq3A = arith.constant 0 : i32
    %eq3A_23 = arith.cmpi eq, %arg0, %eq3A : i32
    %convert_element_type3A = arith.extui %eq3A_23 : i1 to i32
    %cond3A = arith.constant 0 : i32
    %cond3A_24 = arith.cmpi ne, %convert_element_type3A, %cond3A : i32
    scf.if %cond3A_24 {
      %scan3A_34 = arith.constant 0 : i32
      %scan3A_35 = arith.constant 0 : i32
      %scan3A_36 = arith.constant 216 : i32
      %scan3A_37 = arith.addi %scan3A_35, %scan3A_36 : i32
      %scan3A_38 = arith.constant 1 : i32
      %scan3A_39 = scf.for %scan3A_41 = %scan3A_35 to %scan3A_37 step %scan3A_38 iter_args(%scan3A_42 = %scan3A_34) -> (i32)  : i32 {
        %add3A_43 = arith.addi %mul3A_22, %scan3A_41 : i32
        %mul3A_44 = arith.constant 96 : i32
        %mul3A_45 = arith.muli %add3A_43, %mul3A_44 : i32
        "tpu.region"() ({
          %run_scoped3A = tpu.sem_alloc : memref<!tpu.dma_semaphore, #tpu.memory_space<semaphore_mem>>
          %dma_start3A_76 = tpu.memref_slice %arg6[%mul3A_45] : memref<331776xi32, #tpu.memory_space<hbm>> -> memref<96xi32, #tpu.memory_space<hbm>>
          %dma_start3A_77 = tpu.memref_slice %arg6[%mul3A_45] : memref<331776xi32, #tpu.memory_space<hbm>> -> memref<96xi32, #tpu.memory_space<hbm>>
          tpu.enqueue_dma source(%dma_start3A_77 : memref<96xi32, #tpu.memory_space<hbm>>) target(%arg9 : memref<96xi32, #tpu.memory_space<vmem>>) target_semaphore(%run_scoped3A : memref<!tpu.dma_semaphore, #tpu.memory_space<semaphore_mem>>)
          %dma_wait3A_78 = tpu.memref_slice %arg6[%mul3A_45] : memref<331776xi32, #tpu.memory_space<hbm>> -> memref<96xi32, #tpu.memory_space<hbm>>
          %dma_wait3A_79 = tpu.memref_slice %arg6[%mul3A_45] : memref<331776xi32, #tpu.memory_space<hbm>> -> memref<96xi32, #tpu.memory_space<hbm>>
          tpu.wait_dma2 semaphore(%run_scoped3A : memref<!tpu.dma_semaphore, #tpu.memory_space<semaphore_mem>>) src(%dma_wait3A_79 : memref<96xi32, #tpu.memory_space<hbm>>) dst(%arg9 : memref<96xi32, #tpu.memory_space<vmem>>)
          tpu.yield
        }) : () -> ()
        "tpu.region"() ({
          %run_scoped3A = tpu.sem_alloc : memref<!tpu.dma_semaphore, #tpu.memory_space<semaphore_mem>>
          %dma_start3A_76 = tpu.memref_slice %arg7[%mul3A_45] : memref<331776xi32, #tpu.memory_space<hbm>> -> memref<96xi32, #tpu.memory_space<hbm>>
          %dma_start3A_77 = tpu.memref_slice %arg7[%mul3A_45] : memref<331776xi32, #tpu.memory_space<hbm>> -> memref<96xi32, #tpu.memory_space<hbm>>
          tpu.enqueue_dma source(%dma_start3A_77 : memref<96xi32, #tpu.memory_space<hbm>>) target(%arg10 : memref<96xi32, #tpu.memory_space<vmem>>) target_semaphore(%run_scoped3A : memref<!tpu.dma_semaphore, #tpu.memory_space<semaphore_mem>>)
          %dma_wait3A_78 = tpu.memref_slice %arg7[%mul3A_45] : memref<331776xi32, #tpu.memory_space<hbm>> -> memref<96xi32, #tpu.memory_space<hbm>>
          %dma_wait3A_79 = tpu.memref_slice %arg7[%mul3A_45] : memref<331776xi32, #tpu.memory_space<hbm>> -> memref<96xi32, #tpu.memory_space<hbm>>
          tpu.wait_dma2 semaphore(%run_scoped3A : memref<!tpu.dma_semaphore, #tpu.memory_space<semaphore_mem>>) src(%dma_wait3A_79 : memref<96xi32, #tpu.memory_space<hbm>>) dst(%arg10 : memref<96xi32, #tpu.memory_space<vmem>>)
          tpu.yield
        }) : () -> ()
        %dma_start3A = arith.constant 0 : i32
        %dma_start3A_46 = arith.constant 0 : i32
        %dma_start3A_47 = tpu.memref_slice %arg4[%dma_start3A, %dma_start3A_46] : memref<10240x16xf32, #tpu.memory_space<hbm>> -> memref<10240x16xf32, #tpu.memory_space<hbm>>
        tpu.enqueue_indirect_dma source(%dma_start3A_47 : memref<10240x16xf32, #tpu.memory_space<hbm>>) target(%arg11 : memref<96x16xf32, #tpu.memory_space<vmem>>) offsets(%arg9 : memref<96xi32, #tpu.memory_space<vmem>>) semaphore(%arg16 : memref<!tpu.dma_semaphore, #tpu.memory_space<semaphore_mem>>)
        %dma_wait3A = arith.constant 0 : i32
        %dma_wait3A_48 = arith.constant 0 : i32
        %dma_wait3A_49 = tpu.memref_slice %arg4[%dma_wait3A, %dma_wait3A_48] : memref<10240x16xf32, #tpu.memory_space<hbm>> -> memref<10240x16xf32, #tpu.memory_space<hbm>>
        tpu.wait_indirect_dma semaphore(%arg16 : memref<!tpu.dma_semaphore, #tpu.memory_space<semaphore_mem>>) src(%dma_wait3A_49 : memref<10240x16xf32, #tpu.memory_space<hbm>>) dst(%arg11 : memref<96x16xf32, #tpu.memory_space<vmem>>)
        %dma_start3A_50 = arith.constant 0 : i32
        %dma_start3A_51 = arith.constant 0 : i32
        %dma_start3A_52 = tpu.memref_slice %arg5[%dma_start3A_50, %dma_start3A_51] : memref<10240x16xf32, #tpu.memory_space<hbm>> -> memref<10240x16xf32, #tpu.memory_space<hbm>>
        tpu.enqueue_indirect_dma source(%dma_start3A_52 : memref<10240x16xf32, #tpu.memory_space<hbm>>) target(%arg12 : memref<96x16xf32, #tpu.memory_space<vmem>>) offsets(%arg10 : memref<96xi32, #tpu.memory_space<vmem>>) semaphore(%arg16 : memref<!tpu.dma_semaphore, #tpu.memory_space<semaphore_mem>>)
        %dma_wait3A_53 = arith.constant 0 : i32
        %dma_wait3A_54 = arith.constant 0 : i32
        %dma_wait3A_55 = tpu.memref_slice %arg5[%dma_wait3A_53, %dma_wait3A_54] : memref<10240x16xf32, #tpu.memory_space<hbm>> -> memref<10240x16xf32, #tpu.memory_space<hbm>>
        tpu.wait_indirect_dma semaphore(%arg16 : memref<!tpu.dma_semaphore, #tpu.memory_space<semaphore_mem>>) src(%dma_wait3A_55 : memref<10240x16xf32, #tpu.memory_space<hbm>>) dst(%arg12 : memref<96x16xf32, #tpu.memory_space<vmem>>)
        %dma_start3A_56 = arith.constant 0 : i32
        %dma_start3A_57 = arith.constant 0 : i32
        %dma_start3A_58 = tpu.memref_slice %arg2[%dma_start3A_56, %dma_start3A_57] : memref<10240x128xf32, #tpu.memory_space<hbm>> -> memref<10240x128xf32, #tpu.memory_space<hbm>>
        tpu.enqueue_indirect_dma source(%dma_start3A_58 : memref<10240x128xf32, #tpu.memory_space<hbm>>) target(%arg13 : memref<96x128xf32, #tpu.memory_space<vmem>>) offsets(%arg9 : memref<96xi32, #tpu.memory_space<vmem>>) semaphore(%arg16 : memref<!tpu.dma_semaphore, #tpu.memory_space<semaphore_mem>>)
        %dma_wait3A_59 = arith.constant 0 : i32
        %dma_wait3A_60 = arith.constant 0 : i32
        %dma_wait3A_61 = tpu.memref_slice %arg2[%dma_wait3A_59, %dma_wait3A_60] : memref<10240x128xf32, #tpu.memory_space<hbm>> -> memref<10240x128xf32, #tpu.memory_space<hbm>>
        tpu.wait_indirect_dma semaphore(%arg16 : memref<!tpu.dma_semaphore, #tpu.memory_space<semaphore_mem>>) src(%dma_wait3A_61 : memref<10240x128xf32, #tpu.memory_space<hbm>>) dst(%arg13 : memref<96x128xf32, #tpu.memory_space<vmem>>)
        %scan3A_62 = arith.constant 0 : i32
        %scan3A_63 = arith.constant 0 : i32
        %scan3A_64 = arith.constant 96 : i32
        %scan3A_65 = arith.addi %scan3A_63, %scan3A_64 : i32
        %scan3A_66 = arith.constant 1 : i32
        %scan3A_67 = scf.for %scan3A_76 = %scan3A_63 to %scan3A_65 step %scan3A_66 iter_args(%scan3A_77 = %scan3A_62) -> (i32)  : i32 {
          %get3A = arith.index_cast %scan3A_76 : i32 to index
          %get3A_78 = arith.constant 0 : index
          %get3A_79 = tpu.vector_load %arg11[%get3A, %get3A_78] {strides = array<i32>} : memref<96x16xf32, #tpu.memory_space<vmem>>, vector<1x16xf32>,
          %get3A_80 = vector.shape_cast %get3A_79 : vector<1x16xf32> to vector<16xf32>
          %get3A_81 = arith.index_cast %scan3A_76 : i32 to index
          %get3A_82 = arith.constant 0 : index
          %get3A_83 = tpu.vector_load %arg12[%get3A_81, %get3A_82] {strides = array<i32>} : memref<96x16xf32, #tpu.memory_space<vmem>>, vector<1x16xf32>,
          %get3A_84 = vector.shape_cast %get3A_83 : vector<1x16xf32> to vector<16xf32>
          %add3A_85 = arith.addf %get3A_80, %get3A_84 : vector<16xf32>
          %mul3A_86 = arith.constant 2.000000e-01 : f32
          %mul3A_87 = vector.broadcast %mul3A_86 : f32 to vector<16xf32>
          %mul3A_88 = arith.mulf %add3A_85, %mul3A_87 : vector<16xf32>
          %max3A = arith.maximumf %add3A_85, %mul3A_88 : vector<16xf32>
          %exp3A = math.exp %max3A : vector<16xf32>
          %swap3A = arith.index_cast %scan3A_76 : i32 to index
          %swap3A_89 = arith.constant 128 : index
          %swap3A_90 = tpu.vector_load %arg14[%swap3A, %swap3A_89] {strides = array<i32>} : memref<96x144xf32, #tpu.memory_space<vmem>>, vector<1x16xf32>,
          %swap3A_91 = vector.shape_cast %swap3A_90 : vector<1x16xf32> to vector<16xf32>
          %swap3A_92 = vector.shape_cast %exp3A : vector<16xf32> to vector<1x16xf32>
          tpu.vector_store %arg14[%swap3A, %swap3A_89], %swap3A_92 {strides = array<i32>} : memref<96x144xf32, #tpu.memory_space<vmem>>, vector<1x16xf32>,
          %slice3A = vector.extract_strided_slice %exp3A {offsets = [0], sizes = [1], strides = [1]} : vector<16xf32> to vector<1xf32>
          %squeeze3A = vector.extract %slice3A[0] : f32 from vector<1xf32>
          %get3A_93 = arith.index_cast %scan3A_76 : i32 to index
          %get3A_94 = arith.constant 0 : index
          %get3A_95 = tpu.vector_load %arg13[%get3A_93, %get3A_94] {strides = array<i32>} : memref<96x128xf32, #tpu.memory_space<vmem>>, vector<1x16xf32>,
          %get3A_96 = vector.shape_cast %get3A_95 : vector<1x16xf32> to vector<16xf32>
          %mul3A_97 = vector.broadcast %squeeze3A : f32 to vector<16xf32>
          %mul3A_98 = arith.mulf %get3A_96, %mul3A_97 : vector<16xf32>
          %swap3A_99 = arith.index_cast %scan3A_76 : i32 to index
          %swap3A_100 = arith.constant 0 : index
          %swap3A_101 = tpu.vector_load %arg14[%swap3A_99, %swap3A_100] {strides = array<i32>} : memref<96x144xf32, #tpu.memory_space<vmem>>, vector<1x16xf32>,
          %swap3A_102 = vector.shape_cast %swap3A_101 : vector<1x16xf32> to vector<16xf32>
          %swap3A_103 = vector.shape_cast %mul3A_98 : vector<16xf32> to vector<1x16xf32>
          tpu.vector_store %arg14[%swap3A_99, %swap3A_100], %swap3A_103 {strides = array<i32>} : memref<96x144xf32, #tpu.memory_space<vmem>>, vector<1x16xf32>,
          %slice3A_104 = vector.extract_strided_slice %exp3A {offsets = [0], sizes = [1], strides = [1]} : vector<16xf32> to vector<1xf32>
          %squeeze3A_105 = vector.extract %slice3A_104[0] : f32 from vector<1xf32>
          %get3A_106 = arith.index_cast %scan3A_76 : i32 to index
          %get3A_107 = arith.constant 16 : index
          %get3A_108 = tpu.vector_load %arg13[%get3A_106, %get3A_107] {strides = array<i32>} : memref<96x128xf32, #tpu.memory_space<vmem>>, vector<1x16xf32>,
          %get3A_109 = vector.shape_cast %get3A_108 : vector<1x16xf32> to vector<16xf32>
          %mul3A_110 = vector.broadcast %squeeze3A_105 : f32 to vector<16xf32>
          %mul3A_111 = arith.mulf %get3A_109, %mul3A_110 : vector<16xf32>
          %swap3A_112 = arith.index_cast %scan3A_76 : i32 to index
          %swap3A_113 = arith.constant 16 : index
          %swap3A_114 = tpu.vector_load %arg14[%swap3A_112, %swap3A_113] {strides = array<i32>} : memref<96x144xf32, #tpu.memory_space<vmem>>, vector<1x16xf32>,
          %swap3A_115 = vector.shape_cast %swap3A_114 : vector<1x16xf32> to vector<16xf32>
          %swap3A_116 = vector.shape_cast %mul3A_111 : vector<16xf32> to vector<1x16xf32>
          tpu.vector_store %arg14[%swap3A_112, %swap3A_113], %swap3A_116 {strides = array<i32>} : memref<96x144xf32, #tpu.memory_space<vmem>>, vector<1x16xf32>,
          %slice3A_117 = vector.extract_strided_slice %exp3A {offsets = [0], sizes = [1], strides = [1]} : vector<16xf32> to vector<1xf32>
          %squeeze3A_118 = vector.extract %slice3A_117[0] : f32 from vector<1xf32>
          %get3A_119 = arith.index_cast %scan3A_76 : i32 to index
          %get3A_120 = arith.constant 32 : index
          %get3A_121 = tpu.vector_load %arg13[%get3A_119, %get3A_120] {strides = array<i32>} : memref<96x128xf32, #tpu.memory_space<vmem>>, vector<1x16xf32>,
          %get3A_122 = vector.shape_cast %get3A_121 : vector<1x16xf32> to vector<16xf32>
          %mul3A_123 = vector.broadcast %squeeze3A_118 : f32 to vector<16xf32>
          %mul3A_124 = arith.mulf %get3A_122, %mul3A_123 : vector<16xf32>
          %swap3A_125 = arith.index_cast %scan3A_76 : i32 to index
          %swap3A_126 = arith.constant 32 : index
          %swap3A_127 = tpu.vector_load %arg14[%swap3A_125, %swap3A_126] {strides = array<i32>} : memref<96x144xf32, #tpu.memory_space<vmem>>, vector<1x16xf32>,
          %swap3A_128 = vector.shape_cast %swap3A_127 : vector<1x16xf32> to vector<16xf32>
          %swap3A_129 = vector.shape_cast %mul3A_124 : vector<16xf32> to vector<1x16xf32>
          tpu.vector_store %arg14[%swap3A_125, %swap3A_126], %swap3A_129 {strides = array<i32>} : memref<96x144xf32, #tpu.memory_space<vmem>>, vector<1x16xf32>,
          %slice3A_130 = vector.extract_strided_slice %exp3A {offsets = [0], sizes = [1], strides = [1]} : vector<16xf32> to vector<1xf32>
          %squeeze3A_131 = vector.extract %slice3A_130[0] : f32 from vector<1xf32>
          %get3A_132 = arith.index_cast %scan3A_76 : i32 to index
          %get3A_133 = arith.constant 48 : index
          %get3A_134 = tpu.vector_load %arg13[%get3A_132, %get3A_133] {strides = array<i32>} : memref<96x128xf32, #tpu.memory_space<vmem>>, vector<1x16xf32>,
          %get3A_135 = vector.shape_cast %get3A_134 : vector<1x16xf32> to vector<16xf32>
          %mul3A_136 = vector.broadcast %squeeze3A_131 : f32 to vector<16xf32>
          %mul3A_137 = arith.mulf %get3A_135, %mul3A_136 : vector<16xf32>
          %swap3A_138 = arith.index_cast %scan3A_76 : i32 to index
          %swap3A_139 = arith.constant 48 : index
          %swap3A_140 = tpu.vector_load %arg14[%swap3A_138, %swap3A_139] {strides = array<i32>} : memref<96x144xf32, #tpu.memory_space<vmem>>, vector<1x16xf32>,
          %swap3A_141 = vector.shape_cast %swap3A_140 : vector<1x16xf32> to vector<16xf32>
          %swap3A_142 = vector.shape_cast %mul3A_137 : vector<16xf32> to vector<1x16xf32>
          tpu.vector_store %arg14[%swap3A_138, %swap3A_139], %swap3A_142 {strides = array<i32>} : memref<96x144xf32, #tpu.memory_space<vmem>>, vector<1x16xf32>,
          %slice3A_143 = vector.extract_strided_slice %exp3A {offsets = [1], sizes = [1], strides = [1]} : vector<16xf32> to vector<1xf32>
          %squeeze3A_144 = vector.extract %slice3A_143[0] : f32 from vector<1xf32>
          %get3A_145 = arith.index_cast %scan3A_76 : i32 to index
          %get3A_146 = arith.constant 64 : index
          %get3A_147 = tpu.vector_load %arg13[%get3A_145, %get3A_146] {strides = array<i32>} : memref<96x128xf32, #tpu.memory_space<vmem>>, vector<1x16xf32>,
          %get3A_148 = vector.shape_cast %get3A_147 : vector<1x16xf32> to vector<16xf32>
          %mul3A_149 = vector.broadcast %squeeze3A_144 : f32 to vector<16xf32>
          %mul3A_150 = arith.mulf %get3A_148, %mul3A_149 : vector<16xf32>
          %swap3A_151 = arith.index_cast %scan3A_76 : i32 to index
          %swap3A_152 = arith.constant 64 : index
          %swap3A_153 = tpu.vector_load %arg14[%swap3A_151, %swap3A_152] {strides = array<i32>} : memref<96x144xf32, #tpu.memory_space<vmem>>, vector<1x16xf32>,
          %swap3A_154 = vector.shape_cast %swap3A_153 : vector<1x16xf32> to vector<16xf32>
          %swap3A_155 = vector.shape_cast %mul3A_150 : vector<16xf32> to vector<1x16xf32>
          tpu.vector_store %arg14[%swap3A_151, %swap3A_152], %swap3A_155 {strides = array<i32>} : memref<96x144xf32, #tpu.memory_space<vmem>>, vector<1x16xf32>,
          %slice3A_156 = vector.extract_strided_slice %exp3A {offsets = [1], sizes = [1], strides = [1]} : vector<16xf32> to vector<1xf32>
          %squeeze3A_157 = vector.extract %slice3A_156[0] : f32 from vector<1xf32>
          %get3A_158 = arith.index_cast %scan3A_76 : i32 to index
          %get3A_159 = arith.constant 80 : index
          %get3A_160 = tpu.vector_load %arg13[%get3A_158, %get3A_159] {strides = array<i32>} : memref<96x128xf32, #tpu.memory_space<vmem>>, vector<1x16xf32>,
          %get3A_161 = vector.shape_cast %get3A_160 : vector<1x16xf32> to vector<16xf32>
          %mul3A_162 = vector.broadcast %squeeze3A_157 : f32 to vector<16xf32>
          %mul3A_163 = arith.mulf %get3A_161, %mul3A_162 : vector<16xf32>
          %swap3A_164 = arith.index_cast %scan3A_76 : i32 to index
          %swap3A_165 = arith.constant 80 : index
          %swap3A_166 = tpu.vector_load %arg14[%swap3A_164, %swap3A_165] {strides = array<i32>} : memref<96x144xf32, #tpu.memory_space<vmem>>, vector<1x16xf32>,
          %swap3A_167 = vector.shape_cast %swap3A_166 : vector<1x16xf32> to vector<16xf32>
          %swap3A_168 = vector.shape_cast %mul3A_163 : vector<16xf32> to vector<1x16xf32>
          tpu.vector_store %arg14[%swap3A_164, %swap3A_165], %swap3A_168 {strides = array<i32>} : memref<96x144xf32, #tpu.memory_space<vmem>>, vector<1x16xf32>,
          %slice3A_169 = vector.extract_strided_slice %exp3A {offsets = [1], sizes = [1], strides = [1]} : vector<16xf32> to vector<1xf32>
          %squeeze3A_170 = vector.extract %slice3A_169[0] : f32 from vector<1xf32>
          %get3A_171 = arith.index_cast %scan3A_76 : i32 to index
          %get3A_172 = arith.constant 96 : index
          %get3A_173 = tpu.vector_load %arg13[%get3A_171, %get3A_172] {strides = array<i32>} : memref<96x128xf32, #tpu.memory_space<vmem>>, vector<1x16xf32>,
          %get3A_174 = vector.shape_cast %get3A_173 : vector<1x16xf32> to vector<16xf32>
          %mul3A_175 = vector.broadcast %squeeze3A_170 : f32 to vector<16xf32>
          %mul3A_176 = arith.mulf %get3A_174, %mul3A_175 : vector<16xf32>
          %swap3A_177 = arith.index_cast %scan3A_76 : i32 to index
          %swap3A_178 = arith.constant 96 : index
          %swap3A_179 = tpu.vector_load %arg14[%swap3A_177, %swap3A_178] {strides = array<i32>} : memref<96x144xf32, #tpu.memory_space<vmem>>, vector<1x16xf32>,
          %swap3A_180 = vector.shape_cast %swap3A_179 : vector<1x16xf32> to vector<16xf32>
          %swap3A_181 = vector.shape_cast %mul3A_176 : vector<16xf32> to vector<1x16xf32>
          tpu.vector_store %arg14[%swap3A_177, %swap3A_178], %swap3A_181 {strides = array<i32>} : memref<96x144xf32, #tpu.memory_space<vmem>>, vector<1x16xf32>,
          %slice3A_182 = vector.extract_strided_slice %exp3A {offsets = [1], sizes = [1], strides = [1]} : vector<16xf32> to vector<1xf32>
          %squeeze3A_183 = vector.extract %slice3A_182[0] : f32 from vector<1xf32>
          %get3A_184 = arith.index_cast %scan3A_76 : i32 to index
          %get3A_185 = arith.constant 112 : index
          %get3A_186 = tpu.vector_load %arg13[%get3A_184, %get3A_185] {strides = array<i32>} : memref<96x128xf32, #tpu.memory_space<vmem>>, vector<1x16xf32>,
          %get3A_187 = vector.shape_cast %get3A_186 : vector<1x16xf32> to vector<16xf32>
          %mul3A_188 = vector.broadcast %squeeze3A_183 : f32 to vector<16xf32>
          %mul3A_189 = arith.mulf %get3A_187, %mul3A_188 : vector<16xf32>
          %swap3A_190 = arith.index_cast %scan3A_76 : i32 to index
          %swap3A_191 = arith.constant 112 : index
          %swap3A_192 = tpu.vector_load %arg14[%swap3A_190, %swap3A_191] {strides = array<i32>} : memref<96x144xf32, #tpu.memory_space<vmem>>, vector<1x16xf32>,
          %swap3A_193 = vector.shape_cast %swap3A_192 : vector<1x16xf32> to vector<16xf32>
          %swap3A_194 = vector.shape_cast %mul3A_189 : vector<16xf32> to vector<1x16xf32>
          tpu.vector_store %arg14[%swap3A_190, %swap3A_191], %swap3A_194 {strides = array<i32>} : memref<96x144xf32, #tpu.memory_space<vmem>>, vector<1x16xf32>,
          %scan3A_195 = arith.constant 0 : i32
          scf.yield %scan3A_195 : i32
        }
        %scan3A_68 = arith.constant 96 : i32
        %dma_start3A_69 = arith.constant 0 : i32
        %dma_start3A_70 = arith.constant 0 : i32
        %dma_start3A_71 = tpu.memref_slice %arg15[%dma_start3A_69, %dma_start3A_70] : memref<10240x144xf32, #tpu.memory_space<vmem_shared>> -> memref<10240x144xf32, #tpu.memory_space<vmem_shared>>
        tpu.enqueue_indirect_dma source(%arg14 : memref<96x144xf32, #tpu.memory_space<vmem>>) target(%dma_start3A_71 : memref<10240x144xf32, #tpu.memory_space<vmem_shared>>) offsets(%arg10 : memref<96xi32, #tpu.memory_space<vmem>>) semaphore(%arg16 : memref<!tpu.dma_semaphore, #tpu.memory_space<semaphore_mem>>) {add = true}
        %dma_wait3A_72 = arith.constant 0 : i32
        %dma_wait3A_73 = arith.constant 0 : i32
        %dma_wait3A_74 = tpu.memref_slice %arg15[%dma_wait3A_72, %dma_wait3A_73] : memref<10240x144xf32, #tpu.memory_space<vmem_shared>> -> memref<10240x144xf32, #tpu.memory_space<vmem_shared>>
        tpu.wait_indirect_dma semaphore(%arg16 : memref<!tpu.dma_semaphore, #tpu.memory_space<semaphore_mem>>) src(%arg14 : memref<96x144xf32, #tpu.memory_space<vmem>>) dst(%dma_wait3A_74 : memref<10240x144xf32, #tpu.memory_space<vmem_shared>>)
        %scan3A_75 = arith.constant 0 : i32
        scf.yield %scan3A_75 : i32
      }
      %scan3A_40 = arith.constant 216 : i32
    } else {
    }
    %eq3A_25 = arith.constant 1 : i32
    %eq3A_26 = arith.cmpi eq, %arg0, %eq3A_25 : i32
    %convert_element_type3A_27 = arith.extui %eq3A_26 : i1 to i32
    %cond3A_28 = arith.constant 0 : i32
    %cond3A_29 = arith.cmpi ne, %convert_element_type3A_27, %cond3A_28 : i32
    scf.if %cond3A_29 {
      %scan3A_34 = arith.constant 0 : i32
      %scan3A_35 = arith.constant 0 : i32
      %scan3A_36 = arith.constant 216 : i32
      %scan3A_37 = arith.addi %scan3A_35, %scan3A_36 : i32
      %scan3A_38 = arith.constant 1 : i32
      %scan3A_39 = scf.for %scan3A_41 = %scan3A_35 to %scan3A_37 step %scan3A_38 iter_args(%scan3A_42 = %scan3A_34) -> (i32)  : i32 {
        %add3A_43 = arith.addi %mul3A_22, %scan3A_41 : i32
        %mul3A_44 = arith.constant 96 : i32
        %mul3A_45 = arith.muli %add3A_43, %mul3A_44 : i32
        "tpu.region"() ({
          %run_scoped3A = tpu.sem_alloc : memref<!tpu.dma_semaphore, #tpu.memory_space<semaphore_mem>>
          %dma_start3A_76 = tpu.memref_slice %arg6[%mul3A_45] : memref<331776xi32, #tpu.memory_space<hbm>> -> memref<96xi32, #tpu.memory_space<hbm>>
          %dma_start3A_77 = tpu.memref_slice %arg6[%mul3A_45] : memref<331776xi32, #tpu.memory_space<hbm>> -> memref<96xi32, #tpu.memory_space<hbm>>
          tpu.enqueue_dma source(%dma_start3A_77 : memref<96xi32, #tpu.memory_space<hbm>>) target(%arg9 : memref<96xi32, #tpu.memory_space<vmem>>) target_semaphore(%run_scoped3A : memref<!tpu.dma_semaphore, #tpu.memory_space<semaphore_mem>>)
          %dma_wait3A_78 = tpu.memref_slice %arg6[%mul3A_45] : memref<331776xi32, #tpu.memory_space<hbm>> -> memref<96xi32, #tpu.memory_space<hbm>>
          %dma_wait3A_79 = tpu.memref_slice %arg6[%mul3A_45] : memref<331776xi32, #tpu.memory_space<hbm>> -> memref<96xi32, #tpu.memory_space<hbm>>
          tpu.wait_dma2 semaphore(%run_scoped3A : memref<!tpu.dma_semaphore, #tpu.memory_space<semaphore_mem>>) src(%dma_wait3A_79 : memref<96xi32, #tpu.memory_space<hbm>>) dst(%arg9 : memref<96xi32, #tpu.memory_space<vmem>>)
          tpu.yield
        }) : () -> ()
        "tpu.region"() ({
          %run_scoped3A = tpu.sem_alloc : memref<!tpu.dma_semaphore, #tpu.memory_space<semaphore_mem>>
          %dma_start3A_76 = tpu.memref_slice %arg7[%mul3A_45] : memref<331776xi32, #tpu.memory_space<hbm>> -> memref<96xi32, #tpu.memory_space<hbm>>
          %dma_start3A_77 = tpu.memref_slice %arg7[%mul3A_45] : memref<331776xi32, #tpu.memory_space<hbm>> -> memref<96xi32, #tpu.memory_space<hbm>>
          tpu.enqueue_dma source(%dma_start3A_77 : memref<96xi32, #tpu.memory_space<hbm>>) target(%arg10 : memref<96xi32, #tpu.memory_space<vmem>>) target_semaphore(%run_scoped3A : memref<!tpu.dma_semaphore, #tpu.memory_space<semaphore_mem>>)
          %dma_wait3A_78 = tpu.memref_slice %arg7[%mul3A_45] : memref<331776xi32, #tpu.memory_space<hbm>> -> memref<96xi32, #tpu.memory_space<hbm>>
          %dma_wait3A_79 = tpu.memref_slice %arg7[%mul3A_45] : memref<331776xi32, #tpu.memory_space<hbm>> -> memref<96xi32, #tpu.memory_space<hbm>>
          tpu.wait_dma2 semaphore(%run_scoped3A : memref<!tpu.dma_semaphore, #tpu.memory_space<semaphore_mem>>) src(%dma_wait3A_79 : memref<96xi32, #tpu.memory_space<hbm>>) dst(%arg10 : memref<96xi32, #tpu.memory_space<vmem>>)
          tpu.yield
        }) : () -> ()
        %dma_start3A = arith.constant 0 : i32
        %dma_start3A_46 = arith.constant 0 : i32
        %dma_start3A_47 = tpu.memref_slice %arg4[%dma_start3A, %dma_start3A_46] : memref<10240x16xf32, #tpu.memory_space<hbm>> -> memref<10240x16xf32, #tpu.memory_space<hbm>>
        tpu.enqueue_indirect_dma source(%dma_start3A_47 : memref<10240x16xf32, #tpu.memory_space<hbm>>) target(%arg11 : memref<96x16xf32, #tpu.memory_space<vmem>>) offsets(%arg9 : memref<96xi32, #tpu.memory_space<vmem>>) semaphore(%arg16 : memref<!tpu.dma_semaphore, #tpu.memory_space<semaphore_mem>>)
        %dma_wait3A = arith.constant 0 : i32
        %dma_wait3A_48 = arith.constant 0 : i32
        %dma_wait3A_49 = tpu.memref_slice %arg4[%dma_wait3A, %dma_wait3A_48] : memref<10240x16xf32, #tpu.memory_space<hbm>> -> memref<10240x16xf32, #tpu.memory_space<hbm>>
        tpu.wait_indirect_dma semaphore(%arg16 : memref<!tpu.dma_semaphore, #tpu.memory_space<semaphore_mem>>) src(%dma_wait3A_49 : memref<10240x16xf32, #tpu.memory_space<hbm>>) dst(%arg11 : memref<96x16xf32, #tpu.memory_space<vmem>>)
        %dma_start3A_50 = arith.constant 0 : i32
        %dma_start3A_51 = arith.constant 0 : i32
        %dma_start3A_52 = tpu.memref_slice %arg5[%dma_start3A_50, %dma_start3A_51] : memref<10240x16xf32, #tpu.memory_space<hbm>> -> memref<10240x16xf32, #tpu.memory_space<hbm>>
        tpu.enqueue_indirect_dma source(%dma_start3A_52 : memref<10240x16xf32, #tpu.memory_space<hbm>>) target(%arg12 : memref<96x16xf32, #tpu.memory_space<vmem>>) offsets(%arg10 : memref<96xi32, #tpu.memory_space<vmem>>) semaphore(%arg16 : memref<!tpu.dma_semaphore, #tpu.memory_space<semaphore_mem>>)
        %dma_wait3A_53 = arith.constant 0 : i32
        %dma_wait3A_54 = arith.constant 0 : i32
        %dma_wait3A_55 = tpu.memref_slice %arg5[%dma_wait3A_53, %dma_wait3A_54] : memref<10240x16xf32, #tpu.memory_space<hbm>> -> memref<10240x16xf32, #tpu.memory_space<hbm>>
        tpu.wait_indirect_dma semaphore(%arg16 : memref<!tpu.dma_semaphore, #tpu.memory_space<semaphore_mem>>) src(%dma_wait3A_55 : memref<10240x16xf32, #tpu.memory_space<hbm>>) dst(%arg12 : memref<96x16xf32, #tpu.memory_space<vmem>>)
        %dma_start3A_56 = arith.constant 0 : i32
        %dma_start3A_57 = arith.constant 0 : i32
        %dma_start3A_58 = tpu.memref_slice %arg3[%dma_start3A_56, %dma_start3A_57] : memref<10240x128xf32, #tpu.memory_space<hbm>> -> memref<10240x128xf32, #tpu.memory_space<hbm>>
        tpu.enqueue_indirect_dma source(%dma_start3A_58 : memref<10240x128xf32, #tpu.memory_space<hbm>>) target(%arg13 : memref<96x128xf32, #tpu.memory_space<vmem>>) offsets(%arg9 : memref<96xi32, #tpu.memory_space<vmem>>) semaphore(%arg16 : memref<!tpu.dma_semaphore, #tpu.memory_space<semaphore_mem>>)
        %dma_wait3A_59 = arith.constant 0 : i32
        %dma_wait3A_60 = arith.constant 0 : i32
        %dma_wait3A_61 = tpu.memref_slice %arg3[%dma_wait3A_59, %dma_wait3A_60] : memref<10240x128xf32, #tpu.memory_space<hbm>> -> memref<10240x128xf32, #tpu.memory_space<hbm>>
        tpu.wait_indirect_dma semaphore(%arg16 : memref<!tpu.dma_semaphore, #tpu.memory_space<semaphore_mem>>) src(%dma_wait3A_61 : memref<10240x128xf32, #tpu.memory_space<hbm>>) dst(%arg13 : memref<96x128xf32, #tpu.memory_space<vmem>>)
        %scan3A_62 = arith.constant 0 : i32
        %scan3A_63 = arith.constant 0 : i32
        %scan3A_64 = arith.constant 96 : i32
        %scan3A_65 = arith.addi %scan3A_63, %scan3A_64 : i32
        %scan3A_66 = arith.constant 1 : i32
        %scan3A_67 = scf.for %scan3A_76 = %scan3A_63 to %scan3A_65 step %scan3A_66 iter_args(%scan3A_77 = %scan3A_62) -> (i32)  : i32 {
          %get3A = arith.index_cast %scan3A_76 : i32 to index
          %get3A_78 = arith.constant 0 : index
          %get3A_79 = tpu.vector_load %arg11[%get3A, %get3A_78] {strides = array<i32>} : memref<96x16xf32, #tpu.memory_space<vmem>>, vector<1x16xf32>,
          %get3A_80 = vector.shape_cast %get3A_79 : vector<1x16xf32> to vector<16xf32>
          %get3A_81 = arith.index_cast %scan3A_76 : i32 to index
          %get3A_82 = arith.constant 0 : index
          %get3A_83 = tpu.vector_load %arg12[%get3A_81, %get3A_82] {strides = array<i32>} : memref<96x16xf32, #tpu.memory_space<vmem>>, vector<1x16xf32>,
          %get3A_84 = vector.shape_cast %get3A_83 : vector<1x16xf32> to vector<16xf32>
          %add3A_85 = arith.addf %get3A_80, %get3A_84 : vector<16xf32>
          %mul3A_86 = arith.constant 2.000000e-01 : f32
          %mul3A_87 = vector.broadcast %mul3A_86 : f32 to vector<16xf32>
          %mul3A_88 = arith.mulf %add3A_85, %mul3A_87 : vector<16xf32>
          %max3A = arith.maximumf %add3A_85, %mul3A_88 : vector<16xf32>
          %exp3A = math.exp %max3A : vector<16xf32>
          %swap3A = arith.index_cast %scan3A_76 : i32 to index
          %swap3A_89 = arith.constant 128 : index
          %swap3A_90 = tpu.vector_load %arg14[%swap3A, %swap3A_89] {strides = array<i32>} : memref<96x144xf32, #tpu.memory_space<vmem>>, vector<1x16xf32>,
          %swap3A_91 = vector.shape_cast %swap3A_90 : vector<1x16xf32> to vector<16xf32>
          %swap3A_92 = vector.shape_cast %exp3A : vector<16xf32> to vector<1x16xf32>
          tpu.vector_store %arg14[%swap3A, %swap3A_89], %swap3A_92 {strides = array<i32>} : memref<96x144xf32, #tpu.memory_space<vmem>>, vector<1x16xf32>,
          %slice3A = vector.extract_strided_slice %exp3A {offsets = [2], sizes = [1], strides = [1]} : vector<16xf32> to vector<1xf32>
          %squeeze3A = vector.extract %slice3A[0] : f32 from vector<1xf32>
          %get3A_93 = arith.index_cast %scan3A_76 : i32 to index
          %get3A_94 = arith.constant 0 : index
          %get3A_95 = tpu.vector_load %arg13[%get3A_93, %get3A_94] {strides = array<i32>} : memref<96x128xf32, #tpu.memory_space<vmem>>, vector<1x16xf32>,
          %get3A_96 = vector.shape_cast %get3A_95 : vector<1x16xf32> to vector<16xf32>
          %mul3A_97 = vector.broadcast %squeeze3A : f32 to vector<16xf32>
          %mul3A_98 = arith.mulf %get3A_96, %mul3A_97 : vector<16xf32>
          %swap3A_99 = arith.index_cast %scan3A_76 : i32 to index
          %swap3A_100 = arith.constant 0 : index
          %swap3A_101 = tpu.vector_load %arg14[%swap3A_99, %swap3A_100] {strides = array<i32>} : memref<96x144xf32, #tpu.memory_space<vmem>>, vector<1x16xf32>,
          %swap3A_102 = vector.shape_cast %swap3A_101 : vector<1x16xf32> to vector<16xf32>
          %swap3A_103 = vector.shape_cast %mul3A_98 : vector<16xf32> to vector<1x16xf32>
          tpu.vector_store %arg14[%swap3A_99, %swap3A_100], %swap3A_103 {strides = array<i32>} : memref<96x144xf32, #tpu.memory_space<vmem>>, vector<1x16xf32>,
          %slice3A_104 = vector.extract_strided_slice %exp3A {offsets = [2], sizes = [1], strides = [1]} : vector<16xf32> to vector<1xf32>
          %squeeze3A_105 = vector.extract %slice3A_104[0] : f32 from vector<1xf32>
          %get3A_106 = arith.index_cast %scan3A_76 : i32 to index
          %get3A_107 = arith.constant 16 : index
          %get3A_108 = tpu.vector_load %arg13[%get3A_106, %get3A_107] {strides = array<i32>} : memref<96x128xf32, #tpu.memory_space<vmem>>, vector<1x16xf32>,
          %get3A_109 = vector.shape_cast %get3A_108 : vector<1x16xf32> to vector<16xf32>
          %mul3A_110 = vector.broadcast %squeeze3A_105 : f32 to vector<16xf32>
          %mul3A_111 = arith.mulf %get3A_109, %mul3A_110 : vector<16xf32>
          %swap3A_112 = arith.index_cast %scan3A_76 : i32 to index
          %swap3A_113 = arith.constant 16 : index
          %swap3A_114 = tpu.vector_load %arg14[%swap3A_112, %swap3A_113] {strides = array<i32>} : memref<96x144xf32, #tpu.memory_space<vmem>>, vector<1x16xf32>,
          %swap3A_115 = vector.shape_cast %swap3A_114 : vector<1x16xf32> to vector<16xf32>
          %swap3A_116 = vector.shape_cast %mul3A_111 : vector<16xf32> to vector<1x16xf32>
          tpu.vector_store %arg14[%swap3A_112, %swap3A_113], %swap3A_116 {strides = array<i32>} : memref<96x144xf32, #tpu.memory_space<vmem>>, vector<1x16xf32>,
          %slice3A_117 = vector.extract_strided_slice %exp3A {offsets = [2], sizes = [1], strides = [1]} : vector<16xf32> to vector<1xf32>
          %squeeze3A_118 = vector.extract %slice3A_117[0] : f32 from vector<1xf32>
          %get3A_119 = arith.index_cast %scan3A_76 : i32 to index
          %get3A_120 = arith.constant 32 : index
          %get3A_121 = tpu.vector_load %arg13[%get3A_119, %get3A_120] {strides = array<i32>} : memref<96x128xf32, #tpu.memory_space<vmem>>, vector<1x16xf32>,
          %get3A_122 = vector.shape_cast %get3A_121 : vector<1x16xf32> to vector<16xf32>
          %mul3A_123 = vector.broadcast %squeeze3A_118 : f32 to vector<16xf32>
          %mul3A_124 = arith.mulf %get3A_122, %mul3A_123 : vector<16xf32>
          %swap3A_125 = arith.index_cast %scan3A_76 : i32 to index
          %swap3A_126 = arith.constant 32 : index
          %swap3A_127 = tpu.vector_load %arg14[%swap3A_125, %swap3A_126] {strides = array<i32>} : memref<96x144xf32, #tpu.memory_space<vmem>>, vector<1x16xf32>,
          %swap3A_128 = vector.shape_cast %swap3A_127 : vector<1x16xf32> to vector<16xf32>
          %swap3A_129 = vector.shape_cast %mul3A_124 : vector<16xf32> to vector<1x16xf32>
          tpu.vector_store %arg14[%swap3A_125, %swap3A_126], %swap3A_129 {strides = array<i32>} : memref<96x144xf32, #tpu.memory_space<vmem>>, vector<1x16xf32>,
          %slice3A_130 = vector.extract_strided_slice %exp3A {offsets = [2], sizes = [1], strides = [1]} : vector<16xf32> to vector<1xf32>
          %squeeze3A_131 = vector.extract %slice3A_130[0] : f32 from vector<1xf32>
          %get3A_132 = arith.index_cast %scan3A_76 : i32 to index
          %get3A_133 = arith.constant 48 : index
          %get3A_134 = tpu.vector_load %arg13[%get3A_132, %get3A_133] {strides = array<i32>} : memref<96x128xf32, #tpu.memory_space<vmem>>, vector<1x16xf32>,
          %get3A_135 = vector.shape_cast %get3A_134 : vector<1x16xf32> to vector<16xf32>
          %mul3A_136 = vector.broadcast %squeeze3A_131 : f32 to vector<16xf32>
          %mul3A_137 = arith.mulf %get3A_135, %mul3A_136 : vector<16xf32>
          %swap3A_138 = arith.index_cast %scan3A_76 : i32 to index
          %swap3A_139 = arith.constant 48 : index
          %swap3A_140 = tpu.vector_load %arg14[%swap3A_138, %swap3A_139] {strides = array<i32>} : memref<96x144xf32, #tpu.memory_space<vmem>>, vector<1x16xf32>,
          %swap3A_141 = vector.shape_cast %swap3A_140 : vector<1x16xf32> to vector<16xf32>
          %swap3A_142 = vector.shape_cast %mul3A_137 : vector<16xf32> to vector<1x16xf32>
          tpu.vector_store %arg14[%swap3A_138, %swap3A_139], %swap3A_142 {strides = array<i32>} : memref<96x144xf32, #tpu.memory_space<vmem>>, vector<1x16xf32>,
          %slice3A_143 = vector.extract_strided_slice %exp3A {offsets = [3], sizes = [1], strides = [1]} : vector<16xf32> to vector<1xf32>
          %squeeze3A_144 = vector.extract %slice3A_143[0] : f32 from vector<1xf32>
          %get3A_145 = arith.index_cast %scan3A_76 : i32 to index
          %get3A_146 = arith.constant 64 : index
          %get3A_147 = tpu.vector_load %arg13[%get3A_145, %get3A_146] {strides = array<i32>} : memref<96x128xf32, #tpu.memory_space<vmem>>, vector<1x16xf32>,
          %get3A_148 = vector.shape_cast %get3A_147 : vector<1x16xf32> to vector<16xf32>
          %mul3A_149 = vector.broadcast %squeeze3A_144 : f32 to vector<16xf32>
          %mul3A_150 = arith.mulf %get3A_148, %mul3A_149 : vector<16xf32>
          %swap3A_151 = arith.index_cast %scan3A_76 : i32 to index
          %swap3A_152 = arith.constant 64 : index
          %swap3A_153 = tpu.vector_load %arg14[%swap3A_151, %swap3A_152] {strides = array<i32>} : memref<96x144xf32, #tpu.memory_space<vmem>>, vector<1x16xf32>,
          %swap3A_154 = vector.shape_cast %swap3A_153 : vector<1x16xf32> to vector<16xf32>
          %swap3A_155 = vector.shape_cast %mul3A_150 : vector<16xf32> to vector<1x16xf32>
          tpu.vector_store %arg14[%swap3A_151, %swap3A_152], %swap3A_155 {strides = array<i32>} : memref<96x144xf32, #tpu.memory_space<vmem>>, vector<1x16xf32>,
          %slice3A_156 = vector.extract_strided_slice %exp3A {offsets = [3], sizes = [1], strides = [1]} : vector<16xf32> to vector<1xf32>
          %squeeze3A_157 = vector.extract %slice3A_156[0] : f32 from vector<1xf32>
          %get3A_158 = arith.index_cast %scan3A_76 : i32 to index
          %get3A_159 = arith.constant 80 : index
          %get3A_160 = tpu.vector_load %arg13[%get3A_158, %get3A_159] {strides = array<i32>} : memref<96x128xf32, #tpu.memory_space<vmem>>, vector<1x16xf32>,
          %get3A_161 = vector.shape_cast %get3A_160 : vector<1x16xf32> to vector<16xf32>
          %mul3A_162 = vector.broadcast %squeeze3A_157 : f32 to vector<16xf32>
          %mul3A_163 = arith.mulf %get3A_161, %mul3A_162 : vector<16xf32>
          %swap3A_164 = arith.index_cast %scan3A_76 : i32 to index
          %swap3A_165 = arith.constant 80 : index
          %swap3A_166 = tpu.vector_load %arg14[%swap3A_164, %swap3A_165] {strides = array<i32>} : memref<96x144xf32, #tpu.memory_space<vmem>>, vector<1x16xf32>,
          %swap3A_167 = vector.shape_cast %swap3A_166 : vector<1x16xf32> to vector<16xf32>
          %swap3A_168 = vector.shape_cast %mul3A_163 : vector<16xf32> to vector<1x16xf32>
          tpu.vector_store %arg14[%swap3A_164, %swap3A_165], %swap3A_168 {strides = array<i32>} : memref<96x144xf32, #tpu.memory_space<vmem>>, vector<1x16xf32>,
          %slice3A_169 = vector.extract_strided_slice %exp3A {offsets = [3], sizes = [1], strides = [1]} : vector<16xf32> to vector<1xf32>
          %squeeze3A_170 = vector.extract %slice3A_169[0] : f32 from vector<1xf32>
          %get3A_171 = arith.index_cast %scan3A_76 : i32 to index
          %get3A_172 = arith.constant 96 : index
          %get3A_173 = tpu.vector_load %arg13[%get3A_171, %get3A_172] {strides = array<i32>} : memref<96x128xf32, #tpu.memory_space<vmem>>, vector<1x16xf32>,
          %get3A_174 = vector.shape_cast %get3A_173 : vector<1x16xf32> to vector<16xf32>
          %mul3A_175 = vector.broadcast %squeeze3A_170 : f32 to vector<16xf32>
          %mul3A_176 = arith.mulf %get3A_174, %mul3A_175 : vector<16xf32>
          %swap3A_177 = arith.index_cast %scan3A_76 : i32 to index
          %swap3A_178 = arith.constant 96 : index
          %swap3A_179 = tpu.vector_load %arg14[%swap3A_177, %swap3A_178] {strides = array<i32>} : memref<96x144xf32, #tpu.memory_space<vmem>>, vector<1x16xf32>,
          %swap3A_180 = vector.shape_cast %swap3A_179 : vector<1x16xf32> to vector<16xf32>
          %swap3A_181 = vector.shape_cast %mul3A_176 : vector<16xf32> to vector<1x16xf32>
          tpu.vector_store %arg14[%swap3A_177, %swap3A_178], %swap3A_181 {strides = array<i32>} : memref<96x144xf32, #tpu.memory_space<vmem>>, vector<1x16xf32>,
          %slice3A_182 = vector.extract_strided_slice %exp3A {offsets = [3], sizes = [1], strides = [1]} : vector<16xf32> to vector<1xf32>
          %squeeze3A_183 = vector.extract %slice3A_182[0] : f32 from vector<1xf32>
          %get3A_184 = arith.index_cast %scan3A_76 : i32 to index
          %get3A_185 = arith.constant 112 : index
          %get3A_186 = tpu.vector_load %arg13[%get3A_184, %get3A_185] {strides = array<i32>} : memref<96x128xf32, #tpu.memory_space<vmem>>, vector<1x16xf32>,
          %get3A_187 = vector.shape_cast %get3A_186 : vector<1x16xf32> to vector<16xf32>
          %mul3A_188 = vector.broadcast %squeeze3A_183 : f32 to vector<16xf32>
          %mul3A_189 = arith.mulf %get3A_187, %mul3A_188 : vector<16xf32>
          %swap3A_190 = arith.index_cast %scan3A_76 : i32 to index
          %swap3A_191 = arith.constant 112 : index
          %swap3A_192 = tpu.vector_load %arg14[%swap3A_190, %swap3A_191] {strides = array<i32>} : memref<96x144xf32, #tpu.memory_space<vmem>>, vector<1x16xf32>,
          %swap3A_193 = vector.shape_cast %swap3A_192 : vector<1x16xf32> to vector<16xf32>
          %swap3A_194 = vector.shape_cast %mul3A_189 : vector<16xf32> to vector<1x16xf32>
          tpu.vector_store %arg14[%swap3A_190, %swap3A_191], %swap3A_194 {strides = array<i32>} : memref<96x144xf32, #tpu.memory_space<vmem>>, vector<1x16xf32>,
          %scan3A_195 = arith.constant 0 : i32
          scf.yield %scan3A_195 : i32
        }
        %scan3A_68 = arith.constant 96 : i32
        %dma_start3A_69 = arith.constant 0 : i32
        %dma_start3A_70 = arith.constant 0 : i32
        %dma_start3A_71 = tpu.memref_slice %arg15[%dma_start3A_69, %dma_start3A_70] : memref<10240x144xf32, #tpu.memory_space<vmem_shared>> -> memref<10240x144xf32, #tpu.memory_space<vmem_shared>>
        tpu.enqueue_indirect_dma source(%arg14 : memref<96x144xf32, #tpu.memory_space<vmem>>) target(%dma_start3A_71 : memref<10240x144xf32, #tpu.memory_space<vmem_shared>>) offsets(%arg10 : memref<96xi32, #tpu.memory_space<vmem>>) semaphore(%arg16 : memref<!tpu.dma_semaphore, #tpu.memory_space<semaphore_mem>>) {add = true}
        %dma_wait3A_72 = arith.constant 0 : i32
        %dma_wait3A_73 = arith.constant 0 : i32
        %dma_wait3A_74 = tpu.memref_slice %arg15[%dma_wait3A_72, %dma_wait3A_73] : memref<10240x144xf32, #tpu.memory_space<vmem_shared>> -> memref<10240x144xf32, #tpu.memory_space<vmem_shared>>
        tpu.wait_indirect_dma semaphore(%arg16 : memref<!tpu.dma_semaphore, #tpu.memory_space<semaphore_mem>>) src(%arg14 : memref<96x144xf32, #tpu.memory_space<vmem>>) dst(%dma_wait3A_74 : memref<10240x144xf32, #tpu.memory_space<vmem_shared>>)
        %scan3A_75 = arith.constant 0 : i32
        scf.yield %scan3A_75 : i32
      }
      %scan3A_40 = arith.constant 216 : i32
    } else {
    }
    %barrier3A_30 = arith.constant 0 : index
    tpu.barrier barrier_id(%barrier3A_30)
    %mul3A_31 = arith.constant 10240 : i32
    %mul3A_32 = arith.muli %arg0, %mul3A_31 : i32
    %add3A_33 = arith.addi %mul3A_32, %mul3A_7 : i32
    "tpu.region"() ({
      %run_scoped3A = tpu.sem_alloc : memref<!tpu.dma_semaphore, #tpu.memory_space<semaphore_mem>>
      %dma_start3A = arith.constant 0 : i32
      %dma_start3A_34 = tpu.memref_slice %arg8[%add3A_33, %dma_start3A] : memref<20480x144xf32, #tpu.memory_space<hbm>> -> memref<640x144xf32, #tpu.memory_space<hbm>>
      %dma_start3A_35 = arith.constant 0 : i32
      %dma_start3A_36 = tpu.memref_slice %arg15[%mul3A_7, %dma_start3A_35] : memref<10240x144xf32, #tpu.memory_space<vmem_shared>> -> memref<640x144xf32, #tpu.memory_space<vmem_shared>>
      tpu.enqueue_dma source(%dma_start3A_36 : memref<640x144xf32, #tpu.memory_space<vmem_shared>>) target(%dma_start3A_34 : memref<640x144xf32, #tpu.memory_space<hbm>>) target_semaphore(%run_scoped3A : memref<!tpu.dma_semaphore, #tpu.memory_space<semaphore_mem>>)
      %dma_wait3A = arith.constant 0 : i32
      %dma_wait3A_37 = tpu.memref_slice %arg8[%add3A_33, %dma_wait3A] : memref<20480x144xf32, #tpu.memory_space<hbm>> -> memref<640x144xf32, #tpu.memory_space<hbm>>
      %dma_wait3A_38 = arith.constant 0 : i32
      %dma_wait3A_39 = tpu.memref_slice %arg15[%mul3A_7, %dma_wait3A_38] : memref<10240x144xf32, #tpu.memory_space<vmem_shared>> -> memref<640x144xf32, #tpu.memory_space<vmem_shared>>
      tpu.wait_dma2 semaphore(%run_scoped3A : memref<!tpu.dma_semaphore, #tpu.memory_space<semaphore_mem>>) src(%dma_wait3A_39 : memref<640x144xf32, #tpu.memory_space<vmem_shared>>) dst(%dma_wait3A_37 : memref<640x144xf32, #tpu.memory_space<hbm>>)
      tpu.yield
    }) : () -> ()
    return
  }
}

#map = affine_map<(d0, d1) -> (0, 0)>
#map1 = affine_map<(d0, d1) -> (0)>
module attributes {stable_mosaic.version = 14 : i64} {
  func.func @k(%arg0: i32, %arg1: i32, %arg2: memref<10240x128xf32, #tpu.memory_space<hbm>>, %arg3: memref<10240x128xf32, #tpu.memory_space<hbm>>, %arg4: memref<10240x16xf32, #tpu.memory_space<hbm>>, %arg5: memref<10240x16xf32, #tpu.memory_space<hbm>>, %arg6: memref<331776xi32, #tpu.memory_space<hbm>>, %arg7: memref<331776xi32, #tpu.memory_space<hbm>>, %arg8: memref<20480x144xf32, #tpu.memory_space<hbm>>, %arg9: memref<96xi32, #tpu.memory_space<vmem>>, %arg10: memref<96xi32, #tpu.memory_space<vmem>>, %arg11: memref<96x16xf32, #tpu.memory_space<vmem>>, %arg12: memref<96x16xf32, #tpu.memory_space<vmem>>, %arg13: memref<96x128xf32, #tpu.memory_space<vmem>>, %arg14: memref<96x144xf32, #tpu.memory_space<vmem>>, %arg15: memref<10240x144xf32, #tpu.memory_space<vmem_shared>>, %arg16: memref<!tpu.dma_semaphore, #tpu.memory_space<semaphore_mem>>) attributes {dimension_semantics = [#tpu.dimension_semantics<core_parallel>, #tpu.dimension_semantics<subcore_parallel>], iteration_bounds = array<i64: 2, 16>, scalar_prefetch = 0 : i64, scratch_operands = 8 : i64, tpu.core_type = #tpu.core_type<sc_vector_subcore>, window_params = [{transform_indices = #map}, {transform_indices = #map}, {transform_indices = #map}, {transform_indices = #map}, {transform_indices = #map1}, {transform_indices = #map1}, {transform_indices = #map}]} {
    %broadcast_in_dim3A = arith.constant 0.000000e+00 : f32
    %broadcast_in_dim3A_0 = vector.broadcast %broadcast_in_dim3A : f32 to vector<16xf32>
    %scan3A = arith.constant 0 : i32
    %scan3A_1 = arith.constant 0 : i32
    %scan3A_2 = arith.constant 96 : i32
    %scan3A_3 = arith.addi %scan3A_1, %scan3A_2 : i32
    %scan3A_4 = arith.constant 1 : i32
    %scan3A_5 = scf.for %scan3A_34 = %scan3A_1 to %scan3A_3 step %scan3A_4 iter_args(%scan3A_35 = %scan3A) -> (i32)  : i32 {
      %swap3A = arith.index_cast %scan3A_34 : i32 to index
      %swap3A_36 = arith.constant 0 : index
      %swap3A_37 = tpu.vector_load %arg14[%swap3A, %swap3A_36] {strides = array<i32>} : memref<96x144xf32, #tpu.memory_space<vmem>>, vector<1x16xf32>,
      %swap3A_38 = vector.shape_cast %swap3A_37 : vector<1x16xf32> to vector<16xf32>
      %swap3A_39 = vector.shape_cast %broadcast_in_dim3A_0 : vector<16xf32> to vector<1x16xf32>
      tpu.vector_store %arg14[%swap3A, %swap3A_36], %swap3A_39 {strides = array<i32>} : memref<96x144xf32, #tpu.memory_space<vmem>>, vector<1x16xf32>,
      %swap3A_40 = arith.index_cast %scan3A_34 : i32 to index
      %swap3A_41 = arith.constant 16 : index
      %swap3A_42 = tpu.vector_load %arg14[%swap3A_40, %swap3A_41] {strides = array<i32>} : memref<96x144xf32, #tpu.memory_space<vmem>>, vector<1x16xf32>,
      %swap3A_43 = vector.shape_cast %swap3A_42 : vector<1x16xf32> to vector<16xf32>
      %swap3A_44 = vector.shape_cast %broadcast_in_dim3A_0 : vector<16xf32> to vector<1x16xf32>
      tpu.vector_store %arg14[%swap3A_40, %swap3A_41], %swap3A_44 {strides = array<i32>} : memref<96x144xf32, #tpu.memory_space<vmem>>, vector<1x16xf32>,
      %swap3A_45 = arith.index_cast %scan3A_34 : i32 to index
      %swap3A_46 = arith.constant 32 : index
      %swap3A_47 = tpu.vector_load %arg14[%swap3A_45, %swap3A_46] {strides = array<i32>} : memref<96x144xf32, #tpu.memory_space<vmem>>, vector<1x16xf32>,
      %swap3A_48 = vector.shape_cast %swap3A_47 : vector<1x16xf32> to vector<16xf32>
      %swap3A_49 = vector.shape_cast %broadcast_in_dim3A_0 : vector<16xf32> to vector<1x16xf32>
      tpu.vector_store %arg14[%swap3A_45, %swap3A_46], %swap3A_49 {strides = array<i32>} : memref<96x144xf32, #tpu.memory_space<vmem>>, vector<1x16xf32>,
      %swap3A_50 = arith.index_cast %scan3A_34 : i32 to index
      %swap3A_51 = arith.constant 48 : index
      %swap3A_52 = tpu.vector_load %arg14[%swap3A_50, %swap3A_51] {strides = array<i32>} : memref<96x144xf32, #tpu.memory_space<vmem>>, vector<1x16xf32>,
      %swap3A_53 = vector.shape_cast %swap3A_52 : vector<1x16xf32> to vector<16xf32>
      %swap3A_54 = vector.shape_cast %broadcast_in_dim3A_0 : vector<16xf32> to vector<1x16xf32>
      tpu.vector_store %arg14[%swap3A_50, %swap3A_51], %swap3A_54 {strides = array<i32>} : memref<96x144xf32, #tpu.memory_space<vmem>>, vector<1x16xf32>,
      %swap3A_55 = arith.index_cast %scan3A_34 : i32 to index
      %swap3A_56 = arith.constant 64 : index
      %swap3A_57 = tpu.vector_load %arg14[%swap3A_55, %swap3A_56] {strides = array<i32>} : memref<96x144xf32, #tpu.memory_space<vmem>>, vector<1x16xf32>,
      %swap3A_58 = vector.shape_cast %swap3A_57 : vector<1x16xf32> to vector<16xf32>
      %swap3A_59 = vector.shape_cast %broadcast_in_dim3A_0 : vector<16xf32> to vector<1x16xf32>
      tpu.vector_store %arg14[%swap3A_55, %swap3A_56], %swap3A_59 {strides = array<i32>} : memref<96x144xf32, #tpu.memory_space<vmem>>, vector<1x16xf32>,
      %swap3A_60 = arith.index_cast %scan3A_34 : i32 to index
      %swap3A_61 = arith.constant 80 : index
      %swap3A_62 = tpu.vector_load %arg14[%swap3A_60, %swap3A_61] {strides = array<i32>} : memref<96x144xf32, #tpu.memory_space<vmem>>, vector<1x16xf32>,
      %swap3A_63 = vector.shape_cast %swap3A_62 : vector<1x16xf32> to vector<16xf32>
      %swap3A_64 = vector.shape_cast %broadcast_in_dim3A_0 : vector<16xf32> to vector<1x16xf32>
      tpu.vector_store %arg14[%swap3A_60, %swap3A_61], %swap3A_64 {strides = array<i32>} : memref<96x144xf32, #tpu.memory_space<vmem>>, vector<1x16xf32>,
      %swap3A_65 = arith.index_cast %scan3A_34 : i32 to index
      %swap3A_66 = arith.constant 96 : index
      %swap3A_67 = tpu.vector_load %arg14[%swap3A_65, %swap3A_66] {strides = array<i32>} : memref<96x144xf32, #tpu.memory_space<vmem>>, vector<1x16xf32>,
      %swap3A_68 = vector.shape_cast %swap3A_67 : vector<1x16xf32> to vector<16xf32>
      %swap3A_69 = vector.shape_cast %broadcast_in_dim3A_0 : vector<16xf32> to vector<1x16xf32>
      tpu.vector_store %arg14[%swap3A_65, %swap3A_66], %swap3A_69 {strides = array<i32>} : memref<96x144xf32, #tpu.memory_space<vmem>>, vector<1x16xf32>,
      %swap3A_70 = arith.index_cast %scan3A_34 : i32 to index
      %swap3A_71 = arith.constant 112 : index
      %swap3A_72 = tpu.vector_load %arg14[%swap3A_70, %swap3A_71] {strides = array<i32>} : memref<96x144xf32, #tpu.memory_space<vmem>>, vector<1x16xf32>,
      %swap3A_73 = vector.shape_cast %swap3A_72 : vector<1x16xf32> to vector<16xf32>
      %swap3A_74 = vector.shape_cast %broadcast_in_dim3A_0 : vector<16xf32> to vector<1x16xf32>
      tpu.vector_store %arg14[%swap3A_70, %swap3A_71], %swap3A_74 {strides = array<i32>} : memref<96x144xf32, #tpu.memory_space<vmem>>, vector<1x16xf32>,
      %swap3A_75 = arith.index_cast %scan3A_34 : i32 to index
      %swap3A_76 = arith.constant 128 : index
      %swap3A_77 = tpu.vector_load %arg14[%swap3A_75, %swap3A_76] {strides = array<i32>} : memref<96x144xf32, #tpu.memory_space<vmem>>, vector<1x16xf32>,
      %swap3A_78 = vector.shape_cast %swap3A_77 : vector<1x16xf32> to vector<16xf32>
      %swap3A_79 = vector.shape_cast %broadcast_in_dim3A_0 : vector<16xf32> to vector<1x16xf32>
      tpu.vector_store %arg14[%swap3A_75, %swap3A_76], %swap3A_79 {strides = array<i32>} : memref<96x144xf32, #tpu.memory_space<vmem>>, vector<1x16xf32>,
      %scan3A_80 = arith.constant 0 : i32
      scf.yield %scan3A_80 : i32
    }
    %scan3A_6 = arith.constant 96 : i32
    %mul3A = arith.constant 640 : i32
    %mul3A_7 = arith.muli %arg1, %mul3A : i32
    %add3A = arith.constant 0 : i32
    %add3A_8 = arith.addi %mul3A_7, %add3A : i32
    "tpu.region"() ({
      %run_scoped3A = tpu.sem_alloc : memref<!tpu.dma_semaphore, #tpu.memory_space<semaphore_mem>>
      %dma_start3A = arith.constant 0 : i32
      %dma_start3A_34 = tpu.memref_slice %arg15[%add3A_8, %dma_start3A] : memref<10240x144xf32, #tpu.memory_space<vmem_shared>> -> memref<96x144xf32, #tpu.memory_space<vmem_shared>>
      %dma_start3A_35 = arith.constant 0 : i32
      %dma_start3A_36 = tpu.memref_slice %arg15[%add3A_8, %dma_start3A_35] : memref<10240x144xf32, #tpu.memory_space<vmem_shared>> -> memref<96x144xf32, #tpu.memory_space<vmem_shared>>
      tpu.enqueue_dma source(%arg14 : memref<96x144xf32, #tpu.memory_space<vmem>>) target(%dma_start3A_36 : memref<96x144xf32, #tpu.memory_space<vmem_shared>>) target_semaphore(%run_scoped3A : memref<!tpu.dma_semaphore, #tpu.memory_space<semaphore_mem>>)
      %dma_wait3A = arith.constant 0 : i32
      %dma_wait3A_37 = tpu.memref_slice %arg15[%add3A_8, %dma_wait3A] : memref<10240x144xf32, #tpu.memory_space<vmem_shared>> -> memref<96x144xf32, #tpu.memory_space<vmem_shared>>
      %dma_wait3A_38 = arith.constant 0 : i32
      %dma_wait3A_39 = tpu.memref_slice %arg15[%add3A_8, %dma_wait3A_38] : memref<10240x144xf32, #tpu.memory_space<vmem_shared>> -> memref<96x144xf32, #tpu.memory_space<vmem_shared>>
      tpu.wait_dma2 semaphore(%run_scoped3A : memref<!tpu.dma_semaphore, #tpu.memory_space<semaphore_mem>>) src(%arg14 : memref<96x144xf32, #tpu.memory_space<vmem>>) dst(%dma_wait3A_39 : memref<96x144xf32, #tpu.memory_space<vmem_shared>>)
      tpu.yield
    }) : () -> ()
    %add3A_9 = arith.constant 96 : i32
    %add3A_10 = arith.addi %mul3A_7, %add3A_9 : i32
    "tpu.region"() ({
      %run_scoped3A = tpu.sem_alloc : memref<!tpu.dma_semaphore, #tpu.memory_space<semaphore_mem>>
      %dma_start3A = arith.constant 0 : i32
      %dma_start3A_34 = tpu.memref_slice %arg15[%add3A_10, %dma_start3A] : memref<10240x144xf32, #tpu.memory_space<vmem_shared>> -> memref<96x144xf32, #tpu.memory_space<vmem_shared>>
      %dma_start3A_35 = arith.constant 0 : i32
      %dma_start3A_36 = tpu.memref_slice %arg15[%add3A_10, %dma_start3A_35] : memref<10240x144xf32, #tpu.memory_space<vmem_shared>> -> memref<96x144xf32, #tpu.memory_space<vmem_shared>>
      tpu.enqueue_dma source(%arg14 : memref<96x144xf32, #tpu.memory_space<vmem>>) target(%dma_start3A_36 : memref<96x144xf32, #tpu.memory_space<vmem_shared>>) target_semaphore(%run_scoped3A : memref<!tpu.dma_semaphore, #tpu.memory_space<semaphore_mem>>)
      %dma_wait3A = arith.constant 0 : i32
      %dma_wait3A_37 = tpu.memref_slice %arg15[%add3A_10, %dma_wait3A] : memref<10240x144xf32, #tpu.memory_space<vmem_shared>> -> memref<96x144xf32, #tpu.memory_space<vmem_shared>>
      %dma_wait3A_38 = arith.constant 0 : i32
      %dma_wait3A_39 = tpu.memref_slice %arg15[%add3A_10, %dma_wait3A_38] : memref<10240x144xf32, #tpu.memory_space<vmem_shared>> -> memref<96x144xf32, #tpu.memory_space<vmem_shared>>
      tpu.wait_dma2 semaphore(%run_scoped3A : memref<!tpu.dma_semaphore, #tpu.memory_space<semaphore_mem>>) src(%arg14 : memref<96x144xf32, #tpu.memory_space<vmem>>) dst(%dma_wait3A_39 : memref<96x144xf32, #tpu.memory_space<vmem_shared>>)
      tpu.yield
    }) : () -> ()
    %add3A_11 = arith.constant 192 : i32
    %add3A_12 = arith.addi %mul3A_7, %add3A_11 : i32
    "tpu.region"() ({
      %run_scoped3A = tpu.sem_alloc : memref<!tpu.dma_semaphore, #tpu.memory_space<semaphore_mem>>
      %dma_start3A = arith.constant 0 : i32
      %dma_start3A_34 = tpu.memref_slice %arg15[%add3A_12, %dma_start3A] : memref<10240x144xf32, #tpu.memory_space<vmem_shared>> -> memref<96x144xf32, #tpu.memory_space<vmem_shared>>
      %dma_start3A_35 = arith.constant 0 : i32
      %dma_start3A_36 = tpu.memref_slice %arg15[%add3A_12, %dma_start3A_35] : memref<10240x144xf32, #tpu.memory_space<vmem_shared>> -> memref<96x144xf32, #tpu.memory_space<vmem_shared>>
      tpu.enqueue_dma source(%arg14 : memref<96x144xf32, #tpu.memory_space<vmem>>) target(%dma_start3A_36 : memref<96x144xf32, #tpu.memory_space<vmem_shared>>) target_semaphore(%run_scoped3A : memref<!tpu.dma_semaphore, #tpu.memory_space<semaphore_mem>>)
      %dma_wait3A = arith.constant 0 : i32
      %dma_wait3A_37 = tpu.memref_slice %arg15[%add3A_12, %dma_wait3A] : memref<10240x144xf32, #tpu.memory_space<vmem_shared>> -> memref<96x144xf32, #tpu.memory_space<vmem_shared>>
      %dma_wait3A_38 = arith.constant 0 : i32
      %dma_wait3A_39 = tpu.memref_slice %arg15[%add3A_12, %dma_wait3A_38] : memref<10240x144xf32, #tpu.memory_space<vmem_shared>> -> memref<96x144xf32, #tpu.memory_space<vmem_shared>>
      tpu.wait_dma2 semaphore(%run_scoped3A : memref<!tpu.dma_semaphore, #tpu.memory_space<semaphore_mem>>) src(%arg14 : memref<96x144xf32, #tpu.memory_space<vmem>>) dst(%dma_wait3A_39 : memref<96x144xf32, #tpu.memory_space<vmem_shared>>)
      tpu.yield
    }) : () -> ()
    %add3A_13 = arith.constant 288 : i32
    %add3A_14 = arith.addi %mul3A_7, %add3A_13 : i32
    "tpu.region"() ({
      %run_scoped3A = tpu.sem_alloc : memref<!tpu.dma_semaphore, #tpu.memory_space<semaphore_mem>>
      %dma_start3A = arith.constant 0 : i32
      %dma_start3A_34 = tpu.memref_slice %arg15[%add3A_14, %dma_start3A] : memref<10240x144xf32, #tpu.memory_space<vmem_shared>> -> memref<96x144xf32, #tpu.memory_space<vmem_shared>>
      %dma_start3A_35 = arith.constant 0 : i32
      %dma_start3A_36 = tpu.memref_slice %arg15[%add3A_14, %dma_start3A_35] : memref<10240x144xf32, #tpu.memory_space<vmem_shared>> -> memref<96x144xf32, #tpu.memory_space<vmem_shared>>
      tpu.enqueue_dma source(%arg14 : memref<96x144xf32, #tpu.memory_space<vmem>>) target(%dma_start3A_36 : memref<96x144xf32, #tpu.memory_space<vmem_shared>>) target_semaphore(%run_scoped3A : memref<!tpu.dma_semaphore, #tpu.memory_space<semaphore_mem>>)
      %dma_wait3A = arith.constant 0 : i32
      %dma_wait3A_37 = tpu.memref_slice %arg15[%add3A_14, %dma_wait3A] : memref<10240x144xf32, #tpu.memory_space<vmem_shared>> -> memref<96x144xf32, #tpu.memory_space<vmem_shared>>
      %dma_wait3A_38 = arith.constant 0 : i32
      %dma_wait3A_39 = tpu.memref_slice %arg15[%add3A_14, %dma_wait3A_38] : memref<10240x144xf32, #tpu.memory_space<vmem_shared>> -> memref<96x144xf32, #tpu.memory_space<vmem_shared>>
      tpu.wait_dma2 semaphore(%run_scoped3A : memref<!tpu.dma_semaphore, #tpu.memory_space<semaphore_mem>>) src(%arg14 : memref<96x144xf32, #tpu.memory_space<vmem>>) dst(%dma_wait3A_39 : memref<96x144xf32, #tpu.memory_space<vmem_shared>>)
      tpu.yield
    }) : () -> ()
    %add3A_15 = arith.constant 384 : i32
    %add3A_16 = arith.addi %mul3A_7, %add3A_15 : i32
    "tpu.region"() ({
      %run_scoped3A = tpu.sem_alloc : memref<!tpu.dma_semaphore, #tpu.memory_space<semaphore_mem>>
      %dma_start3A = arith.constant 0 : i32
      %dma_start3A_34 = tpu.memref_slice %arg15[%add3A_16, %dma_start3A] : memref<10240x144xf32, #tpu.memory_space<vmem_shared>> -> memref<96x144xf32, #tpu.memory_space<vmem_shared>>
      %dma_start3A_35 = arith.constant 0 : i32
      %dma_start3A_36 = tpu.memref_slice %arg15[%add3A_16, %dma_start3A_35] : memref<10240x144xf32, #tpu.memory_space<vmem_shared>> -> memref<96x144xf32, #tpu.memory_space<vmem_shared>>
      tpu.enqueue_dma source(%arg14 : memref<96x144xf32, #tpu.memory_space<vmem>>) target(%dma_start3A_36 : memref<96x144xf32, #tpu.memory_space<vmem_shared>>) target_semaphore(%run_scoped3A : memref<!tpu.dma_semaphore, #tpu.memory_space<semaphore_mem>>)
      %dma_wait3A = arith.constant 0 : i32
      %dma_wait3A_37 = tpu.memref_slice %arg15[%add3A_16, %dma_wait3A] : memref<10240x144xf32, #tpu.memory_space<vmem_shared>> -> memref<96x144xf32, #tpu.memory_space<vmem_shared>>
      %dma_wait3A_38 = arith.constant 0 : i32
      %dma_wait3A_39 = tpu.memref_slice %arg15[%add3A_16, %dma_wait3A_38] : memref<10240x144xf32, #tpu.memory_space<vmem_shared>> -> memref<96x144xf32, #tpu.memory_space<vmem_shared>>
      tpu.wait_dma2 semaphore(%run_scoped3A : memref<!tpu.dma_semaphore, #tpu.memory_space<semaphore_mem>>) src(%arg14 : memref<96x144xf32, #tpu.memory_space<vmem>>) dst(%dma_wait3A_39 : memref<96x144xf32, #tpu.memory_space<vmem_shared>>)
      tpu.yield
    }) : () -> ()
    %add3A_17 = arith.constant 480 : i32
    %add3A_18 = arith.addi %mul3A_7, %add3A_17 : i32
    "tpu.region"() ({
      %run_scoped3A = tpu.sem_alloc : memref<!tpu.dma_semaphore, #tpu.memory_space<semaphore_mem>>
      %dma_start3A = arith.constant 0 : i32
      %dma_start3A_34 = tpu.memref_slice %arg15[%add3A_18, %dma_start3A] : memref<10240x144xf32, #tpu.memory_space<vmem_shared>> -> memref<96x144xf32, #tpu.memory_space<vmem_shared>>
      %dma_start3A_35 = arith.constant 0 : i32
      %dma_start3A_36 = tpu.memref_slice %arg15[%add3A_18, %dma_start3A_35] : memref<10240x144xf32, #tpu.memory_space<vmem_shared>> -> memref<96x144xf32, #tpu.memory_space<vmem_shared>>
      tpu.enqueue_dma source(%arg14 : memref<96x144xf32, #tpu.memory_space<vmem>>) target(%dma_start3A_36 : memref<96x144xf32, #tpu.memory_space<vmem_shared>>) target_semaphore(%run_scoped3A : memref<!tpu.dma_semaphore, #tpu.memory_space<semaphore_mem>>)
      %dma_wait3A = arith.constant 0 : i32
      %dma_wait3A_37 = tpu.memref_slice %arg15[%add3A_18, %dma_wait3A] : memref<10240x144xf32, #tpu.memory_space<vmem_shared>> -> memref<96x144xf32, #tpu.memory_space<vmem_shared>>
      %dma_wait3A_38 = arith.constant 0 : i32
      %dma_wait3A_39 = tpu.memref_slice %arg15[%add3A_18, %dma_wait3A_38] : memref<10240x144xf32, #tpu.memory_space<vmem_shared>> -> memref<96x144xf32, #tpu.memory_space<vmem_shared>>
      tpu.wait_dma2 semaphore(%run_scoped3A : memref<!tpu.dma_semaphore, #tpu.memory_space<semaphore_mem>>) src(%arg14 : memref<96x144xf32, #tpu.memory_space<vmem>>) dst(%dma_wait3A_39 : memref<96x144xf32, #tpu.memory_space<vmem_shared>>)
      tpu.yield
    }) : () -> ()
    %add3A_19 = arith.constant 576 : i32
    %add3A_20 = arith.addi %mul3A_7, %add3A_19 : i32
    "tpu.region"() ({
      %run_scoped3A = tpu.sem_alloc : memref<!tpu.dma_semaphore, #tpu.memory_space<semaphore_mem>>
      %dma_start3A = arith.constant 0 : i32
      %dma_start3A_34 = arith.constant 0 : i32
      %dma_start3A_35 = tpu.memref_slice %arg14[%dma_start3A, %dma_start3A_34] : memref<96x144xf32, #tpu.memory_space<vmem>> -> memref<64x144xf32, #tpu.memory_space<vmem>>
      %dma_start3A_36 = arith.constant 0 : i32
      %dma_start3A_37 = tpu.memref_slice %arg15[%add3A_20, %dma_start3A_36] : memref<10240x144xf32, #tpu.memory_space<vmem_shared>> -> memref<64x144xf32, #tpu.memory_space<vmem_shared>>
      %dma_start3A_38 = arith.constant 0 : i32
      %dma_start3A_39 = tpu.memref_slice %arg15[%add3A_20, %dma_start3A_38] : memref<10240x144xf32, #tpu.memory_space<vmem_shared>> -> memref<64x144xf32, #tpu.memory_space<vmem_shared>>
      %dma_start3A_40 = arith.constant 0 : i32
      %dma_start3A_41 = arith.constant 0 : i32
      %dma_start3A_42 = tpu.memref_slice %arg14[%dma_start3A_40, %dma_start3A_41] : memref<96x144xf32, #tpu.memory_space<vmem>> -> memref<64x144xf32, #tpu.memory_space<vmem>>
      tpu.enqueue_dma source(%dma_start3A_42 : memref<64x144xf32, #tpu.memory_space<vmem>>) target(%dma_start3A_39 : memref<64x144xf32, #tpu.memory_space<vmem_shared>>) target_semaphore(%run_scoped3A : memref<!tpu.dma_semaphore, #tpu.memory_space<semaphore_mem>>)
      %dma_wait3A = arith.constant 0 : i32
      %dma_wait3A_43 = arith.constant 0 : i32
      %dma_wait3A_44 = tpu.memref_slice %arg14[%dma_wait3A, %dma_wait3A_43] : memref<96x144xf32, #tpu.memory_space<vmem>> -> memref<64x144xf32, #tpu.memory_space<vmem>>
      %dma_wait3A_45 = arith.constant 0 : i32
      %dma_wait3A_46 = tpu.memref_slice %arg15[%add3A_20, %dma_wait3A_45] : memref<10240x144xf32, #tpu.memory_space<vmem_shared>> -> memref<64x144xf32, #tpu.memory_space<vmem_shared>>
      %dma_wait3A_47 = arith.constant 0 : i32
      %dma_wait3A_48 = tpu.memref_slice %arg15[%add3A_20, %dma_wait3A_47] : memref<10240x144xf32, #tpu.memory_space<vmem_shared>> -> memref<64x144xf32, #tpu.memory_space<vmem_shared>>
      %dma_wait3A_49 = arith.constant 0 : i32
      %dma_wait3A_50 = arith.constant 0 : i32
      %dma_wait3A_51 = tpu.memref_slice %arg14[%dma_wait3A_49, %dma_wait3A_50] : memref<96x144xf32, #tpu.memory_space<vmem>> -> memref<64x144xf32, #tpu.memory_space<vmem>>
      tpu.wait_dma2 semaphore(%run_scoped3A : memref<!tpu.dma_semaphore, #tpu.memory_space<semaphore_mem>>) src(%dma_wait3A_51 : memref<64x144xf32, #tpu.memory_space<vmem>>) dst(%dma_wait3A_48 : memref<64x144xf32, #tpu.memory_space<vmem_shared>>)
      tpu.yield
    }) : () -> ()
    %barrier3A = arith.constant 0 : index
    tpu.barrier barrier_id(%barrier3A)
    %mul3A_21 = arith.constant 216 : i32
    %mul3A_22 = arith.muli %arg1, %mul3A_21 : i32
    %eq3A = arith.constant 0 : i32
    %eq3A_23 = arith.cmpi eq, %arg0, %eq3A : i32
    %convert_element_type3A = arith.extui %eq3A_23 : i1 to i32
    %cond3A = arith.constant 0 : i32
    %cond3A_24 = arith.cmpi ne, %convert_element_type3A, %cond3A : i32
    scf.if %cond3A_24 {
      %scan3A_34 = arith.constant 0 : i32
      %scan3A_35 = arith.constant 0 : i32
      %scan3A_36 = arith.constant 216 : i32
      %scan3A_37 = arith.addi %scan3A_35, %scan3A_36 : i32
      %scan3A_38 = arith.constant 1 : i32
      %scan3A_39 = scf.for %scan3A_41 = %scan3A_35 to %scan3A_37 step %scan3A_38 iter_args(%scan3A_42 = %scan3A_34) -> (i32)  : i32 {
        %add3A_43 = arith.addi %mul3A_22, %scan3A_41 : i32
        %mul3A_44 = arith.constant 96 : i32
        %mul3A_45 = arith.muli %add3A_43, %mul3A_44 : i32
        "tpu.region"() ({
          %run_scoped3A = tpu.sem_alloc : memref<!tpu.dma_semaphore, #tpu.memory_space<semaphore_mem>>
          %dma_start3A_76 = tpu.memref_slice %arg6[%mul3A_45] : memref<331776xi32, #tpu.memory_space<hbm>> -> memref<96xi32, #tpu.memory_space<hbm>>
          %dma_start3A_77 = tpu.memref_slice %arg6[%mul3A_45] : memref<331776xi32, #tpu.memory_space<hbm>> -> memref<96xi32, #tpu.memory_space<hbm>>
          tpu.enqueue_dma source(%dma_start3A_77 : memref<96xi32, #tpu.memory_space<hbm>>) target(%arg9 : memref<96xi32, #tpu.memory_space<vmem>>) target_semaphore(%run_scoped3A : memref<!tpu.dma_semaphore, #tpu.memory_space<semaphore_mem>>)
          %dma_wait3A_78 = tpu.memref_slice %arg6[%mul3A_45] : memref<331776xi32, #tpu.memory_space<hbm>> -> memref<96xi32, #tpu.memory_space<hbm>>
          %dma_wait3A_79 = tpu.memref_slice %arg6[%mul3A_45] : memref<331776xi32, #tpu.memory_space<hbm>> -> memref<96xi32, #tpu.memory_space<hbm>>
          tpu.wait_dma2 semaphore(%run_scoped3A : memref<!tpu.dma_semaphore, #tpu.memory_space<semaphore_mem>>) src(%dma_wait3A_79 : memref<96xi32, #tpu.memory_space<hbm>>) dst(%arg9 : memref<96xi32, #tpu.memory_space<vmem>>)
          tpu.yield
        }) : () -> ()
        "tpu.region"() ({
          %run_scoped3A = tpu.sem_alloc : memref<!tpu.dma_semaphore, #tpu.memory_space<semaphore_mem>>
          %dma_start3A_76 = tpu.memref_slice %arg7[%mul3A_45] : memref<331776xi32, #tpu.memory_space<hbm>> -> memref<96xi32, #tpu.memory_space<hbm>>
          %dma_start3A_77 = tpu.memref_slice %arg7[%mul3A_45] : memref<331776xi32, #tpu.memory_space<hbm>> -> memref<96xi32, #tpu.memory_space<hbm>>
          tpu.enqueue_dma source(%dma_start3A_77 : memref<96xi32, #tpu.memory_space<hbm>>) target(%arg10 : memref<96xi32, #tpu.memory_space<vmem>>) target_semaphore(%run_scoped3A : memref<!tpu.dma_semaphore, #tpu.memory_space<semaphore_mem>>)
          %dma_wait3A_78 = tpu.memref_slice %arg7[%mul3A_45] : memref<331776xi32, #tpu.memory_space<hbm>> -> memref<96xi32, #tpu.memory_space<hbm>>
          %dma_wait3A_79 = tpu.memref_slice %arg7[%mul3A_45] : memref<331776xi32, #tpu.memory_space<hbm>> -> memref<96xi32, #tpu.memory_space<hbm>>
          tpu.wait_dma2 semaphore(%run_scoped3A : memref<!tpu.dma_semaphore, #tpu.memory_space<semaphore_mem>>) src(%dma_wait3A_79 : memref<96xi32, #tpu.memory_space<hbm>>) dst(%arg10 : memref<96xi32, #tpu.memory_space<vmem>>)
          tpu.yield
        }) : () -> ()
        %dma_start3A = arith.constant 0 : i32
        %dma_start3A_46 = arith.constant 0 : i32
        %dma_start3A_47 = tpu.memref_slice %arg4[%dma_start3A, %dma_start3A_46] : memref<10240x16xf32, #tpu.memory_space<hbm>> -> memref<10240x16xf32, #tpu.memory_space<hbm>>
        tpu.enqueue_indirect_dma source(%dma_start3A_47 : memref<10240x16xf32, #tpu.memory_space<hbm>>) target(%arg11 : memref<96x16xf32, #tpu.memory_space<vmem>>) offsets(%arg9 : memref<96xi32, #tpu.memory_space<vmem>>) semaphore(%arg16 : memref<!tpu.dma_semaphore, #tpu.memory_space<semaphore_mem>>)
        %dma_wait3A = arith.constant 0 : i32
        %dma_wait3A_48 = arith.constant 0 : i32
        %dma_wait3A_49 = tpu.memref_slice %arg4[%dma_wait3A, %dma_wait3A_48] : memref<10240x16xf32, #tpu.memory_space<hbm>> -> memref<10240x16xf32, #tpu.memory_space<hbm>>
        tpu.wait_indirect_dma semaphore(%arg16 : memref<!tpu.dma_semaphore, #tpu.memory_space<semaphore_mem>>) src(%dma_wait3A_49 : memref<10240x16xf32, #tpu.memory_space<hbm>>) dst(%arg11 : memref<96x16xf32, #tpu.memory_space<vmem>>)
        %dma_start3A_50 = arith.constant 0 : i32
        %dma_start3A_51 = arith.constant 0 : i32
        %dma_start3A_52 = tpu.memref_slice %arg5[%dma_start3A_50, %dma_start3A_51] : memref<10240x16xf32, #tpu.memory_space<hbm>> -> memref<10240x16xf32, #tpu.memory_space<hbm>>
        tpu.enqueue_indirect_dma source(%dma_start3A_52 : memref<10240x16xf32, #tpu.memory_space<hbm>>) target(%arg12 : memref<96x16xf32, #tpu.memory_space<vmem>>) offsets(%arg10 : memref<96xi32, #tpu.memory_space<vmem>>) semaphore(%arg16 : memref<!tpu.dma_semaphore, #tpu.memory_space<semaphore_mem>>)
        %dma_wait3A_53 = arith.constant 0 : i32
        %dma_wait3A_54 = arith.constant 0 : i32
        %dma_wait3A_55 = tpu.memref_slice %arg5[%dma_wait3A_53, %dma_wait3A_54] : memref<10240x16xf32, #tpu.memory_space<hbm>> -> memref<10240x16xf32, #tpu.memory_space<hbm>>
        tpu.wait_indirect_dma semaphore(%arg16 : memref<!tpu.dma_semaphore, #tpu.memory_space<semaphore_mem>>) src(%dma_wait3A_55 : memref<10240x16xf32, #tpu.memory_space<hbm>>) dst(%arg12 : memref<96x16xf32, #tpu.memory_space<vmem>>)
        %dma_start3A_56 = arith.constant 0 : i32
        %dma_start3A_57 = arith.constant 0 : i32
        %dma_start3A_58 = tpu.memref_slice %arg2[%dma_start3A_56, %dma_start3A_57] : memref<10240x128xf32, #tpu.memory_space<hbm>> -> memref<10240x128xf32, #tpu.memory_space<hbm>>
        tpu.enqueue_indirect_dma source(%dma_start3A_58 : memref<10240x128xf32, #tpu.memory_space<hbm>>) target(%arg13 : memref<96x128xf32, #tpu.memory_space<vmem>>) offsets(%arg9 : memref<96xi32, #tpu.memory_space<vmem>>) semaphore(%arg16 : memref<!tpu.dma_semaphore, #tpu.memory_space<semaphore_mem>>)
        %dma_wait3A_59 = arith.constant 0 : i32
        %dma_wait3A_60 = arith.constant 0 : i32
        %dma_wait3A_61 = tpu.memref_slice %arg2[%dma_wait3A_59, %dma_wait3A_60] : memref<10240x128xf32, #tpu.memory_space<hbm>> -> memref<10240x128xf32, #tpu.memory_space<hbm>>
        tpu.wait_indirect_dma semaphore(%arg16 : memref<!tpu.dma_semaphore, #tpu.memory_space<semaphore_mem>>) src(%dma_wait3A_61 : memref<10240x128xf32, #tpu.memory_space<hbm>>) dst(%arg13 : memref<96x128xf32, #tpu.memory_space<vmem>>)
        %scan3A_62 = arith.constant 0 : i32
        %scan3A_63 = arith.constant 0 : i32
        %scan3A_64 = arith.constant 96 : i32
        %scan3A_65 = arith.addi %scan3A_63, %scan3A_64 : i32
        %scan3A_66 = arith.constant 1 : i32
        %scan3A_67 = scf.for %scan3A_76 = %scan3A_63 to %scan3A_65 step %scan3A_66 iter_args(%scan3A_77 = %scan3A_62) -> (i32)  : i32 {
          %get3A = arith.index_cast %scan3A_76 : i32 to index
          %get3A_78 = arith.constant 0 : index
          %get3A_79 = tpu.vector_load %arg11[%get3A, %get3A_78] {strides = array<i32>} : memref<96x16xf32, #tpu.memory_space<vmem>>, vector<1x16xf32>,
          %get3A_80 = vector.shape_cast %get3A_79 : vector<1x16xf32> to vector<16xf32>
          %get3A_81 = arith.index_cast %scan3A_76 : i32 to index
          %get3A_82 = arith.constant 0 : index
          %get3A_83 = tpu.vector_load %arg12[%get3A_81, %get3A_82] {strides = array<i32>} : memref<96x16xf32, #tpu.memory_space<vmem>>, vector<1x16xf32>,
          %get3A_84 = vector.shape_cast %get3A_83 : vector<1x16xf32> to vector<16xf32>
          %add3A_85 = arith.addf %get3A_80, %get3A_84 : vector<16xf32>
          %mul3A_86 = arith.constant 2.000000e-01 : f32
          %mul3A_87 = vector.broadcast %mul3A_86 : f32 to vector<16xf32>
          %mul3A_88 = arith.mulf %add3A_85, %mul3A_87 : vector<16xf32>
          %max3A = arith.maximumf %add3A_85, %mul3A_88 : vector<16xf32>
          %exp3A = math.exp %max3A : vector<16xf32>
          %swap3A = arith.index_cast %scan3A_76 : i32 to index
          %swap3A_89 = arith.constant 128 : index
          %swap3A_90 = tpu.vector_load %arg14[%swap3A, %swap3A_89] {strides = array<i32>} : memref<96x144xf32, #tpu.memory_space<vmem>>, vector<1x16xf32>,
          %swap3A_91 = vector.shape_cast %swap3A_90 : vector<1x16xf32> to vector<16xf32>
          %swap3A_92 = vector.shape_cast %exp3A : vector<16xf32> to vector<1x16xf32>
          tpu.vector_store %arg14[%swap3A, %swap3A_89], %swap3A_92 {strides = array<i32>} : memref<96x144xf32, #tpu.memory_space<vmem>>, vector<1x16xf32>,
          %slice3A = vector.extract_strided_slice %exp3A {offsets = [0], sizes = [1], strides = [1]} : vector<16xf32> to vector<1xf32>
          %squeeze3A = vector.extract %slice3A[0] : f32 from vector<1xf32>
          %get3A_93 = arith.index_cast %scan3A_76 : i32 to index
          %get3A_94 = arith.constant 0 : index
          %get3A_95 = tpu.vector_load %arg13[%get3A_93, %get3A_94] {strides = array<i32>} : memref<96x128xf32, #tpu.memory_space<vmem>>, vector<1x16xf32>,
          %get3A_96 = vector.shape_cast %get3A_95 : vector<1x16xf32> to vector<16xf32>
          %mul3A_97 = vector.broadcast %squeeze3A : f32 to vector<16xf32>
          %mul3A_98 = arith.mulf %get3A_96, %mul3A_97 : vector<16xf32>
          %swap3A_99 = arith.index_cast %scan3A_76 : i32 to index
          %swap3A_100 = arith.constant 0 : index
          %swap3A_101 = tpu.vector_load %arg14[%swap3A_99, %swap3A_100] {strides = array<i32>} : memref<96x144xf32, #tpu.memory_space<vmem>>, vector<1x16xf32>,
          %swap3A_102 = vector.shape_cast %swap3A_101 : vector<1x16xf32> to vector<16xf32>
          %swap3A_103 = vector.shape_cast %mul3A_98 : vector<16xf32> to vector<1x16xf32>
          tpu.vector_store %arg14[%swap3A_99, %swap3A_100], %swap3A_103 {strides = array<i32>} : memref<96x144xf32, #tpu.memory_space<vmem>>, vector<1x16xf32>,
          %slice3A_104 = vector.extract_strided_slice %exp3A {offsets = [0], sizes = [1], strides = [1]} : vector<16xf32> to vector<1xf32>
          %squeeze3A_105 = vector.extract %slice3A_104[0] : f32 from vector<1xf32>
          %get3A_106 = arith.index_cast %scan3A_76 : i32 to index
          %get3A_107 = arith.constant 16 : index
          %get3A_108 = tpu.vector_load %arg13[%get3A_106, %get3A_107] {strides = array<i32>} : memref<96x128xf32, #tpu.memory_space<vmem>>, vector<1x16xf32>,
          %get3A_109 = vector.shape_cast %get3A_108 : vector<1x16xf32> to vector<16xf32>
          %mul3A_110 = vector.broadcast %squeeze3A_105 : f32 to vector<16xf32>
          %mul3A_111 = arith.mulf %get3A_109, %mul3A_110 : vector<16xf32>
          %swap3A_112 = arith.index_cast %scan3A_76 : i32 to index
          %swap3A_113 = arith.constant 16 : index
          %swap3A_114 = tpu.vector_load %arg14[%swap3A_112, %swap3A_113] {strides = array<i32>} : memref<96x144xf32, #tpu.memory_space<vmem>>, vector<1x16xf32>,
          %swap3A_115 = vector.shape_cast %swap3A_114 : vector<1x16xf32> to vector<16xf32>
          %swap3A_116 = vector.shape_cast %mul3A_111 : vector<16xf32> to vector<1x16xf32>
          tpu.vector_store %arg14[%swap3A_112, %swap3A_113], %swap3A_116 {strides = array<i32>} : memref<96x144xf32, #tpu.memory_space<vmem>>, vector<1x16xf32>,
          %slice3A_117 = vector.extract_strided_slice %exp3A {offsets = [0], sizes = [1], strides = [1]} : vector<16xf32> to vector<1xf32>
          %squeeze3A_118 = vector.extract %slice3A_117[0] : f32 from vector<1xf32>
          %get3A_119 = arith.index_cast %scan3A_76 : i32 to index
          %get3A_120 = arith.constant 32 : index
          %get3A_121 = tpu.vector_load %arg13[%get3A_119, %get3A_120] {strides = array<i32>} : memref<96x128xf32, #tpu.memory_space<vmem>>, vector<1x16xf32>,
          %get3A_122 = vector.shape_cast %get3A_121 : vector<1x16xf32> to vector<16xf32>
          %mul3A_123 = vector.broadcast %squeeze3A_118 : f32 to vector<16xf32>
          %mul3A_124 = arith.mulf %get3A_122, %mul3A_123 : vector<16xf32>
          %swap3A_125 = arith.index_cast %scan3A_76 : i32 to index
          %swap3A_126 = arith.constant 32 : index
          %swap3A_127 = tpu.vector_load %arg14[%swap3A_125, %swap3A_126] {strides = array<i32>} : memref<96x144xf32, #tpu.memory_space<vmem>>, vector<1x16xf32>,
          %swap3A_128 = vector.shape_cast %swap3A_127 : vector<1x16xf32> to vector<16xf32>
          %swap3A_129 = vector.shape_cast %mul3A_124 : vector<16xf32> to vector<1x16xf32>
          tpu.vector_store %arg14[%swap3A_125, %swap3A_126], %swap3A_129 {strides = array<i32>} : memref<96x144xf32, #tpu.memory_space<vmem>>, vector<1x16xf32>,
          %slice3A_130 = vector.extract_strided_slice %exp3A {offsets = [0], sizes = [1], strides = [1]} : vector<16xf32> to vector<1xf32>
          %squeeze3A_131 = vector.extract %slice3A_130[0] : f32 from vector<1xf32>
          %get3A_132 = arith.index_cast %scan3A_76 : i32 to index
          %get3A_133 = arith.constant 48 : index
          %get3A_134 = tpu.vector_load %arg13[%get3A_132, %get3A_133] {strides = array<i32>} : memref<96x128xf32, #tpu.memory_space<vmem>>, vector<1x16xf32>,
          %get3A_135 = vector.shape_cast %get3A_134 : vector<1x16xf32> to vector<16xf32>
          %mul3A_136 = vector.broadcast %squeeze3A_131 : f32 to vector<16xf32>
          %mul3A_137 = arith.mulf %get3A_135, %mul3A_136 : vector<16xf32>
          %swap3A_138 = arith.index_cast %scan3A_76 : i32 to index
          %swap3A_139 = arith.constant 48 : index
          %swap3A_140 = tpu.vector_load %arg14[%swap3A_138, %swap3A_139] {strides = array<i32>} : memref<96x144xf32, #tpu.memory_space<vmem>>, vector<1x16xf32>,
          %swap3A_141 = vector.shape_cast %swap3A_140 : vector<1x16xf32> to vector<16xf32>
          %swap3A_142 = vector.shape_cast %mul3A_137 : vector<16xf32> to vector<1x16xf32>
          tpu.vector_store %arg14[%swap3A_138, %swap3A_139], %swap3A_142 {strides = array<i32>} : memref<96x144xf32, #tpu.memory_space<vmem>>, vector<1x16xf32>,
          %slice3A_143 = vector.extract_strided_slice %exp3A {offsets = [1], sizes = [1], strides = [1]} : vector<16xf32> to vector<1xf32>
          %squeeze3A_144 = vector.extract %slice3A_143[0] : f32 from vector<1xf32>
          %get3A_145 = arith.index_cast %scan3A_76 : i32 to index
          %get3A_146 = arith.constant 64 : index
          %get3A_147 = tpu.vector_load %arg13[%get3A_145, %get3A_146] {strides = array<i32>} : memref<96x128xf32, #tpu.memory_space<vmem>>, vector<1x16xf32>,
          %get3A_148 = vector.shape_cast %get3A_147 : vector<1x16xf32> to vector<16xf32>
          %mul3A_149 = vector.broadcast %squeeze3A_144 : f32 to vector<16xf32>
          %mul3A_150 = arith.mulf %get3A_148, %mul3A_149 : vector<16xf32>
          %swap3A_151 = arith.index_cast %scan3A_76 : i32 to index
          %swap3A_152 = arith.constant 64 : index
          %swap3A_153 = tpu.vector_load %arg14[%swap3A_151, %swap3A_152] {strides = array<i32>} : memref<96x144xf32, #tpu.memory_space<vmem>>, vector<1x16xf32>,
          %swap3A_154 = vector.shape_cast %swap3A_153 : vector<1x16xf32> to vector<16xf32>
          %swap3A_155 = vector.shape_cast %mul3A_150 : vector<16xf32> to vector<1x16xf32>
          tpu.vector_store %arg14[%swap3A_151, %swap3A_152], %swap3A_155 {strides = array<i32>} : memref<96x144xf32, #tpu.memory_space<vmem>>, vector<1x16xf32>,
          %slice3A_156 = vector.extract_strided_slice %exp3A {offsets = [1], sizes = [1], strides = [1]} : vector<16xf32> to vector<1xf32>
          %squeeze3A_157 = vector.extract %slice3A_156[0] : f32 from vector<1xf32>
          %get3A_158 = arith.index_cast %scan3A_76 : i32 to index
          %get3A_159 = arith.constant 80 : index
          %get3A_160 = tpu.vector_load %arg13[%get3A_158, %get3A_159] {strides = array<i32>} : memref<96x128xf32, #tpu.memory_space<vmem>>, vector<1x16xf32>,
          %get3A_161 = vector.shape_cast %get3A_160 : vector<1x16xf32> to vector<16xf32>
          %mul3A_162 = vector.broadcast %squeeze3A_157 : f32 to vector<16xf32>
          %mul3A_163 = arith.mulf %get3A_161, %mul3A_162 : vector<16xf32>
          %swap3A_164 = arith.index_cast %scan3A_76 : i32 to index
          %swap3A_165 = arith.constant 80 : index
          %swap3A_166 = tpu.vector_load %arg14[%swap3A_164, %swap3A_165] {strides = array<i32>} : memref<96x144xf32, #tpu.memory_space<vmem>>, vector<1x16xf32>,
          %swap3A_167 = vector.shape_cast %swap3A_166 : vector<1x16xf32> to vector<16xf32>
          %swap3A_168 = vector.shape_cast %mul3A_163 : vector<16xf32> to vector<1x16xf32>
          tpu.vector_store %arg14[%swap3A_164, %swap3A_165], %swap3A_168 {strides = array<i32>} : memref<96x144xf32, #tpu.memory_space<vmem>>, vector<1x16xf32>,
          %slice3A_169 = vector.extract_strided_slice %exp3A {offsets = [1], sizes = [1], strides = [1]} : vector<16xf32> to vector<1xf32>
          %squeeze3A_170 = vector.extract %slice3A_169[0] : f32 from vector<1xf32>
          %get3A_171 = arith.index_cast %scan3A_76 : i32 to index
          %get3A_172 = arith.constant 96 : index
          %get3A_173 = tpu.vector_load %arg13[%get3A_171, %get3A_172] {strides = array<i32>} : memref<96x128xf32, #tpu.memory_space<vmem>>, vector<1x16xf32>,
          %get3A_174 = vector.shape_cast %get3A_173 : vector<1x16xf32> to vector<16xf32>
          %mul3A_175 = vector.broadcast %squeeze3A_170 : f32 to vector<16xf32>
          %mul3A_176 = arith.mulf %get3A_174, %mul3A_175 : vector<16xf32>
          %swap3A_177 = arith.index_cast %scan3A_76 : i32 to index
          %swap3A_178 = arith.constant 96 : index
          %swap3A_179 = tpu.vector_load %arg14[%swap3A_177, %swap3A_178] {strides = array<i32>} : memref<96x144xf32, #tpu.memory_space<vmem>>, vector<1x16xf32>,
          %swap3A_180 = vector.shape_cast %swap3A_179 : vector<1x16xf32> to vector<16xf32>
          %swap3A_181 = vector.shape_cast %mul3A_176 : vector<16xf32> to vector<1x16xf32>
          tpu.vector_store %arg14[%swap3A_177, %swap3A_178], %swap3A_181 {strides = array<i32>} : memref<96x144xf32, #tpu.memory_space<vmem>>, vector<1x16xf32>,
          %slice3A_182 = vector.extract_strided_slice %exp3A {offsets = [1], sizes = [1], strides = [1]} : vector<16xf32> to vector<1xf32>
          %squeeze3A_183 = vector.extract %slice3A_182[0] : f32 from vector<1xf32>
          %get3A_184 = arith.index_cast %scan3A_76 : i32 to index
          %get3A_185 = arith.constant 112 : index
          %get3A_186 = tpu.vector_load %arg13[%get3A_184, %get3A_185] {strides = array<i32>} : memref<96x128xf32, #tpu.memory_space<vmem>>, vector<1x16xf32>,
          %get3A_187 = vector.shape_cast %get3A_186 : vector<1x16xf32> to vector<16xf32>
          %mul3A_188 = vector.broadcast %squeeze3A_183 : f32 to vector<16xf32>
          %mul3A_189 = arith.mulf %get3A_187, %mul3A_188 : vector<16xf32>
          %swap3A_190 = arith.index_cast %scan3A_76 : i32 to index
          %swap3A_191 = arith.constant 112 : index
          %swap3A_192 = tpu.vector_load %arg14[%swap3A_190, %swap3A_191] {strides = array<i32>} : memref<96x144xf32, #tpu.memory_space<vmem>>, vector<1x16xf32>,
          %swap3A_193 = vector.shape_cast %swap3A_192 : vector<1x16xf32> to vector<16xf32>
          %swap3A_194 = vector.shape_cast %mul3A_189 : vector<16xf32> to vector<1x16xf32>
          tpu.vector_store %arg14[%swap3A_190, %swap3A_191], %swap3A_194 {strides = array<i32>} : memref<96x144xf32, #tpu.memory_space<vmem>>, vector<1x16xf32>,
          %scan3A_195 = arith.constant 0 : i32
          scf.yield %scan3A_195 : i32
        }
        %scan3A_68 = arith.constant 96 : i32
        %dma_start3A_69 = arith.constant 0 : i32
        %dma_start3A_70 = arith.constant 0 : i32
        %dma_start3A_71 = tpu.memref_slice %arg15[%dma_start3A_69, %dma_start3A_70] : memref<10240x144xf32, #tpu.memory_space<vmem_shared>> -> memref<10240x144xf32, #tpu.memory_space<vmem_shared>>
        tpu.enqueue_indirect_dma source(%arg14 : memref<96x144xf32, #tpu.memory_space<vmem>>) target(%dma_start3A_71 : memref<10240x144xf32, #tpu.memory_space<vmem_shared>>) offsets(%arg10 : memref<96xi32, #tpu.memory_space<vmem>>) semaphore(%arg16 : memref<!tpu.dma_semaphore, #tpu.memory_space<semaphore_mem>>) {add = true}
        %dma_wait3A_72 = arith.constant 0 : i32
        %dma_wait3A_73 = arith.constant 0 : i32
        %dma_wait3A_74 = tpu.memref_slice %arg15[%dma_wait3A_72, %dma_wait3A_73] : memref<10240x144xf32, #tpu.memory_space<vmem_shared>> -> memref<10240x144xf32, #tpu.memory_space<vmem_shared>>
        tpu.wait_indirect_dma semaphore(%arg16 : memref<!tpu.dma_semaphore, #tpu.memory_space<semaphore_mem>>) src(%arg14 : memref<96x144xf32, #tpu.memory_space<vmem>>) dst(%dma_wait3A_74 : memref<10240x144xf32, #tpu.memory_space<vmem_shared>>)
        %scan3A_75 = arith.constant 0 : i32
        scf.yield %scan3A_75 : i32
      }
      %scan3A_40 = arith.constant 216 : i32
    } else {
    }
    %eq3A_25 = arith.constant 1 : i32
    %eq3A_26 = arith.cmpi eq, %arg0, %eq3A_25 : i32
    %convert_element_type3A_27 = arith.extui %eq3A_26 : i1 to i32
    %cond3A_28 = arith.constant 0 : i32
    %cond3A_29 = arith.cmpi ne, %convert_element_type3A_27, %cond3A_28 : i32
    scf.if %cond3A_29 {
      %scan3A_34 = arith.constant 0 : i32
      %scan3A_35 = arith.constant 0 : i32
      %scan3A_36 = arith.constant 216 : i32
      %scan3A_37 = arith.addi %scan3A_35, %scan3A_36 : i32
      %scan3A_38 = arith.constant 1 : i32
      %scan3A_39 = scf.for %scan3A_41 = %scan3A_35 to %scan3A_37 step %scan3A_38 iter_args(%scan3A_42 = %scan3A_34) -> (i32)  : i32 {
        %add3A_43 = arith.addi %mul3A_22, %scan3A_41 : i32
        %mul3A_44 = arith.constant 96 : i32
        %mul3A_45 = arith.muli %add3A_43, %mul3A_44 : i32
        "tpu.region"() ({
          %run_scoped3A = tpu.sem_alloc : memref<!tpu.dma_semaphore, #tpu.memory_space<semaphore_mem>>
          %dma_start3A_76 = tpu.memref_slice %arg6[%mul3A_45] : memref<331776xi32, #tpu.memory_space<hbm>> -> memref<96xi32, #tpu.memory_space<hbm>>
          %dma_start3A_77 = tpu.memref_slice %arg6[%mul3A_45] : memref<331776xi32, #tpu.memory_space<hbm>> -> memref<96xi32, #tpu.memory_space<hbm>>
          tpu.enqueue_dma source(%dma_start3A_77 : memref<96xi32, #tpu.memory_space<hbm>>) target(%arg9 : memref<96xi32, #tpu.memory_space<vmem>>) target_semaphore(%run_scoped3A : memref<!tpu.dma_semaphore, #tpu.memory_space<semaphore_mem>>)
          %dma_wait3A_78 = tpu.memref_slice %arg6[%mul3A_45] : memref<331776xi32, #tpu.memory_space<hbm>> -> memref<96xi32, #tpu.memory_space<hbm>>
          %dma_wait3A_79 = tpu.memref_slice %arg6[%mul3A_45] : memref<331776xi32, #tpu.memory_space<hbm>> -> memref<96xi32, #tpu.memory_space<hbm>>
          tpu.wait_dma2 semaphore(%run_scoped3A : memref<!tpu.dma_semaphore, #tpu.memory_space<semaphore_mem>>) src(%dma_wait3A_79 : memref<96xi32, #tpu.memory_space<hbm>>) dst(%arg9 : memref<96xi32, #tpu.memory_space<vmem>>)
          tpu.yield
        }) : () -> ()
        "tpu.region"() ({
          %run_scoped3A = tpu.sem_alloc : memref<!tpu.dma_semaphore, #tpu.memory_space<semaphore_mem>>
          %dma_start3A_76 = tpu.memref_slice %arg7[%mul3A_45] : memref<331776xi32, #tpu.memory_space<hbm>> -> memref<96xi32, #tpu.memory_space<hbm>>
          %dma_start3A_77 = tpu.memref_slice %arg7[%mul3A_45] : memref<331776xi32, #tpu.memory_space<hbm>> -> memref<96xi32, #tpu.memory_space<hbm>>
          tpu.enqueue_dma source(%dma_start3A_77 : memref<96xi32, #tpu.memory_space<hbm>>) target(%arg10 : memref<96xi32, #tpu.memory_space<vmem>>) target_semaphore(%run_scoped3A : memref<!tpu.dma_semaphore, #tpu.memory_space<semaphore_mem>>)
          %dma_wait3A_78 = tpu.memref_slice %arg7[%mul3A_45] : memref<331776xi32, #tpu.memory_space<hbm>> -> memref<96xi32, #tpu.memory_space<hbm>>
          %dma_wait3A_79 = tpu.memref_slice %arg7[%mul3A_45] : memref<331776xi32, #tpu.memory_space<hbm>> -> memref<96xi32, #tpu.memory_space<hbm>>
          tpu.wait_dma2 semaphore(%run_scoped3A : memref<!tpu.dma_semaphore, #tpu.memory_space<semaphore_mem>>) src(%dma_wait3A_79 : memref<96xi32, #tpu.memory_space<hbm>>) dst(%arg10 : memref<96xi32, #tpu.memory_space<vmem>>)
          tpu.yield
        }) : () -> ()
        %dma_start3A = arith.constant 0 : i32
        %dma_start3A_46 = arith.constant 0 : i32
        %dma_start3A_47 = tpu.memref_slice %arg4[%dma_start3A, %dma_start3A_46] : memref<10240x16xf32, #tpu.memory_space<hbm>> -> memref<10240x16xf32, #tpu.memory_space<hbm>>
        tpu.enqueue_indirect_dma source(%dma_start3A_47 : memref<10240x16xf32, #tpu.memory_space<hbm>>) target(%arg11 : memref<96x16xf32, #tpu.memory_space<vmem>>) offsets(%arg9 : memref<96xi32, #tpu.memory_space<vmem>>) semaphore(%arg16 : memref<!tpu.dma_semaphore, #tpu.memory_space<semaphore_mem>>)
        %dma_wait3A = arith.constant 0 : i32
        %dma_wait3A_48 = arith.constant 0 : i32
        %dma_wait3A_49 = tpu.memref_slice %arg4[%dma_wait3A, %dma_wait3A_48] : memref<10240x16xf32, #tpu.memory_space<hbm>> -> memref<10240x16xf32, #tpu.memory_space<hbm>>
        tpu.wait_indirect_dma semaphore(%arg16 : memref<!tpu.dma_semaphore, #tpu.memory_space<semaphore_mem>>) src(%dma_wait3A_49 : memref<10240x16xf32, #tpu.memory_space<hbm>>) dst(%arg11 : memref<96x16xf32, #tpu.memory_space<vmem>>)
        %dma_start3A_50 = arith.constant 0 : i32
        %dma_start3A_51 = arith.constant 0 : i32
        %dma_start3A_52 = tpu.memref_slice %arg5[%dma_start3A_50, %dma_start3A_51] : memref<10240x16xf32, #tpu.memory_space<hbm>> -> memref<10240x16xf32, #tpu.memory_space<hbm>>
        tpu.enqueue_indirect_dma source(%dma_start3A_52 : memref<10240x16xf32, #tpu.memory_space<hbm>>) target(%arg12 : memref<96x16xf32, #tpu.memory_space<vmem>>) offsets(%arg10 : memref<96xi32, #tpu.memory_space<vmem>>) semaphore(%arg16 : memref<!tpu.dma_semaphore, #tpu.memory_space<semaphore_mem>>)
        %dma_wait3A_53 = arith.constant 0 : i32
        %dma_wait3A_54 = arith.constant 0 : i32
        %dma_wait3A_55 = tpu.memref_slice %arg5[%dma_wait3A_53, %dma_wait3A_54] : memref<10240x16xf32, #tpu.memory_space<hbm>> -> memref<10240x16xf32, #tpu.memory_space<hbm>>
        tpu.wait_indirect_dma semaphore(%arg16 : memref<!tpu.dma_semaphore, #tpu.memory_space<semaphore_mem>>) src(%dma_wait3A_55 : memref<10240x16xf32, #tpu.memory_space<hbm>>) dst(%arg12 : memref<96x16xf32, #tpu.memory_space<vmem>>)
        %dma_start3A_56 = arith.constant 0 : i32
        %dma_start3A_57 = arith.constant 0 : i32
        %dma_start3A_58 = tpu.memref_slice %arg3[%dma_start3A_56, %dma_start3A_57] : memref<10240x128xf32, #tpu.memory_space<hbm>> -> memref<10240x128xf32, #tpu.memory_space<hbm>>
        tpu.enqueue_indirect_dma source(%dma_start3A_58 : memref<10240x128xf32, #tpu.memory_space<hbm>>) target(%arg13 : memref<96x128xf32, #tpu.memory_space<vmem>>) offsets(%arg9 : memref<96xi32, #tpu.memory_space<vmem>>) semaphore(%arg16 : memref<!tpu.dma_semaphore, #tpu.memory_space<semaphore_mem>>)
        %dma_wait3A_59 = arith.constant 0 : i32
        %dma_wait3A_60 = arith.constant 0 : i32
        %dma_wait3A_61 = tpu.memref_slice %arg3[%dma_wait3A_59, %dma_wait3A_60] : memref<10240x128xf32, #tpu.memory_space<hbm>> -> memref<10240x128xf32, #tpu.memory_space<hbm>>
        tpu.wait_indirect_dma semaphore(%arg16 : memref<!tpu.dma_semaphore, #tpu.memory_space<semaphore_mem>>) src(%dma_wait3A_61 : memref<10240x128xf32, #tpu.memory_space<hbm>>) dst(%arg13 : memref<96x128xf32, #tpu.memory_space<vmem>>)
        %scan3A_62 = arith.constant 0 : i32
        %scan3A_63 = arith.constant 0 : i32
        %scan3A_64 = arith.constant 96 : i32
        %scan3A_65 = arith.addi %scan3A_63, %scan3A_64 : i32
        %scan3A_66 = arith.constant 1 : i32
        %scan3A_67 = scf.for %scan3A_76 = %scan3A_63 to %scan3A_65 step %scan3A_66 iter_args(%scan3A_77 = %scan3A_62) -> (i32)  : i32 {
          %get3A = arith.index_cast %scan3A_76 : i32 to index
          %get3A_78 = arith.constant 0 : index
          %get3A_79 = tpu.vector_load %arg11[%get3A, %get3A_78] {strides = array<i32>} : memref<96x16xf32, #tpu.memory_space<vmem>>, vector<1x16xf32>,
          %get3A_80 = vector.shape_cast %get3A_79 : vector<1x16xf32> to vector<16xf32>
          %get3A_81 = arith.index_cast %scan3A_76 : i32 to index
          %get3A_82 = arith.constant 0 : index
          %get3A_83 = tpu.vector_load %arg12[%get3A_81, %get3A_82] {strides = array<i32>} : memref<96x16xf32, #tpu.memory_space<vmem>>, vector<1x16xf32>,
          %get3A_84 = vector.shape_cast %get3A_83 : vector<1x16xf32> to vector<16xf32>
          %add3A_85 = arith.addf %get3A_80, %get3A_84 : vector<16xf32>
          %mul3A_86 = arith.constant 2.000000e-01 : f32
          %mul3A_87 = vector.broadcast %mul3A_86 : f32 to vector<16xf32>
          %mul3A_88 = arith.mulf %add3A_85, %mul3A_87 : vector<16xf32>
          %max3A = arith.maximumf %add3A_85, %mul3A_88 : vector<16xf32>
          %exp3A = math.exp %max3A : vector<16xf32>
          %swap3A = arith.index_cast %scan3A_76 : i32 to index
          %swap3A_89 = arith.constant 128 : index
          %swap3A_90 = tpu.vector_load %arg14[%swap3A, %swap3A_89] {strides = array<i32>} : memref<96x144xf32, #tpu.memory_space<vmem>>, vector<1x16xf32>,
          %swap3A_91 = vector.shape_cast %swap3A_90 : vector<1x16xf32> to vector<16xf32>
          %swap3A_92 = vector.shape_cast %exp3A : vector<16xf32> to vector<1x16xf32>
          tpu.vector_store %arg14[%swap3A, %swap3A_89], %swap3A_92 {strides = array<i32>} : memref<96x144xf32, #tpu.memory_space<vmem>>, vector<1x16xf32>,
          %slice3A = vector.extract_strided_slice %exp3A {offsets = [2], sizes = [1], strides = [1]} : vector<16xf32> to vector<1xf32>
          %squeeze3A = vector.extract %slice3A[0] : f32 from vector<1xf32>
          %get3A_93 = arith.index_cast %scan3A_76 : i32 to index
          %get3A_94 = arith.constant 0 : index
          %get3A_95 = tpu.vector_load %arg13[%get3A_93, %get3A_94] {strides = array<i32>} : memref<96x128xf32, #tpu.memory_space<vmem>>, vector<1x16xf32>,
          %get3A_96 = vector.shape_cast %get3A_95 : vector<1x16xf32> to vector<16xf32>
          %mul3A_97 = vector.broadcast %squeeze3A : f32 to vector<16xf32>
          %mul3A_98 = arith.mulf %get3A_96, %mul3A_97 : vector<16xf32>
          %swap3A_99 = arith.index_cast %scan3A_76 : i32 to index
          %swap3A_100 = arith.constant 0 : index
          %swap3A_101 = tpu.vector_load %arg14[%swap3A_99, %swap3A_100] {strides = array<i32>} : memref<96x144xf32, #tpu.memory_space<vmem>>, vector<1x16xf32>,
          %swap3A_102 = vector.shape_cast %swap3A_101 : vector<1x16xf32> to vector<16xf32>
          %swap3A_103 = vector.shape_cast %mul3A_98 : vector<16xf32> to vector<1x16xf32>
          tpu.vector_store %arg14[%swap3A_99, %swap3A_100], %swap3A_103 {strides = array<i32>} : memref<96x144xf32, #tpu.memory_space<vmem>>, vector<1x16xf32>,
          %slice3A_104 = vector.extract_strided_slice %exp3A {offsets = [2], sizes = [1], strides = [1]} : vector<16xf32> to vector<1xf32>
          %squeeze3A_105 = vector.extract %slice3A_104[0] : f32 from vector<1xf32>
          %get3A_106 = arith.index_cast %scan3A_76 : i32 to index
          %get3A_107 = arith.constant 16 : index
          %get3A_108 = tpu.vector_load %arg13[%get3A_106, %get3A_107] {strides = array<i32>} : memref<96x128xf32, #tpu.memory_space<vmem>>, vector<1x16xf32>,
          %get3A_109 = vector.shape_cast %get3A_108 : vector<1x16xf32> to vector<16xf32>
          %mul3A_110 = vector.broadcast %squeeze3A_105 : f32 to vector<16xf32>
          %mul3A_111 = arith.mulf %get3A_109, %mul3A_110 : vector<16xf32>
          %swap3A_112 = arith.index_cast %scan3A_76 : i32 to index
          %swap3A_113 = arith.constant 16 : index
          %swap3A_114 = tpu.vector_load %arg14[%swap3A_112, %swap3A_113] {strides = array<i32>} : memref<96x144xf32, #tpu.memory_space<vmem>>, vector<1x16xf32>,
          %swap3A_115 = vector.shape_cast %swap3A_114 : vector<1x16xf32> to vector<16xf32>
          %swap3A_116 = vector.shape_cast %mul3A_111 : vector<16xf32> to vector<1x16xf32>
          tpu.vector_store %arg14[%swap3A_112, %swap3A_113], %swap3A_116 {strides = array<i32>} : memref<96x144xf32, #tpu.memory_space<vmem>>, vector<1x16xf32>,
          %slice3A_117 = vector.extract_strided_slice %exp3A {offsets = [2], sizes = [1], strides = [1]} : vector<16xf32> to vector<1xf32>
          %squeeze3A_118 = vector.extract %slice3A_117[0] : f32 from vector<1xf32>
          %get3A_119 = arith.index_cast %scan3A_76 : i32 to index
          %get3A_120 = arith.constant 32 : index
          %get3A_121 = tpu.vector_load %arg13[%get3A_119, %get3A_120] {strides = array<i32>} : memref<96x128xf32, #tpu.memory_space<vmem>>, vector<1x16xf32>,
          %get3A_122 = vector.shape_cast %get3A_121 : vector<1x16xf32> to vector<16xf32>
          %mul3A_123 = vector.broadcast %squeeze3A_118 : f32 to vector<16xf32>
          %mul3A_124 = arith.mulf %get3A_122, %mul3A_123 : vector<16xf32>
          %swap3A_125 = arith.index_cast %scan3A_76 : i32 to index
          %swap3A_126 = arith.constant 32 : index
          %swap3A_127 = tpu.vector_load %arg14[%swap3A_125, %swap3A_126] {strides = array<i32>} : memref<96x144xf32, #tpu.memory_space<vmem>>, vector<1x16xf32>,
          %swap3A_128 = vector.shape_cast %swap3A_127 : vector<1x16xf32> to vector<16xf32>
          %swap3A_129 = vector.shape_cast %mul3A_124 : vector<16xf32> to vector<1x16xf32>
          tpu.vector_store %arg14[%swap3A_125, %swap3A_126], %swap3A_129 {strides = array<i32>} : memref<96x144xf32, #tpu.memory_space<vmem>>, vector<1x16xf32>,
          %slice3A_130 = vector.extract_strided_slice %exp3A {offsets = [2], sizes = [1], strides = [1]} : vector<16xf32> to vector<1xf32>
          %squeeze3A_131 = vector.extract %slice3A_130[0] : f32 from vector<1xf32>
          %get3A_132 = arith.index_cast %scan3A_76 : i32 to index
          %get3A_133 = arith.constant 48 : index
          %get3A_134 = tpu.vector_load %arg13[%get3A_132, %get3A_133] {strides = array<i32>} : memref<96x128xf32, #tpu.memory_space<vmem>>, vector<1x16xf32>,
          %get3A_135 = vector.shape_cast %get3A_134 : vector<1x16xf32> to vector<16xf32>
          %mul3A_136 = vector.broadcast %squeeze3A_131 : f32 to vector<16xf32>
          %mul3A_137 = arith.mulf %get3A_135, %mul3A_136 : vector<16xf32>
          %swap3A_138 = arith.index_cast %scan3A_76 : i32 to index
          %swap3A_139 = arith.constant 48 : index
          %swap3A_140 = tpu.vector_load %arg14[%swap3A_138, %swap3A_139] {strides = array<i32>} : memref<96x144xf32, #tpu.memory_space<vmem>>, vector<1x16xf32>,
          %swap3A_141 = vector.shape_cast %swap3A_140 : vector<1x16xf32> to vector<16xf32>
          %swap3A_142 = vector.shape_cast %mul3A_137 : vector<16xf32> to vector<1x16xf32>
          tpu.vector_store %arg14[%swap3A_138, %swap3A_139], %swap3A_142 {strides = array<i32>} : memref<96x144xf32, #tpu.memory_space<vmem>>, vector<1x16xf32>,
          %slice3A_143 = vector.extract_strided_slice %exp3A {offsets = [3], sizes = [1], strides = [1]} : vector<16xf32> to vector<1xf32>
          %squeeze3A_144 = vector.extract %slice3A_143[0] : f32 from vector<1xf32>
          %get3A_145 = arith.index_cast %scan3A_76 : i32 to index
          %get3A_146 = arith.constant 64 : index
          %get3A_147 = tpu.vector_load %arg13[%get3A_145, %get3A_146] {strides = array<i32>} : memref<96x128xf32, #tpu.memory_space<vmem>>, vector<1x16xf32>,
          %get3A_148 = vector.shape_cast %get3A_147 : vector<1x16xf32> to vector<16xf32>
          %mul3A_149 = vector.broadcast %squeeze3A_144 : f32 to vector<16xf32>
          %mul3A_150 = arith.mulf %get3A_148, %mul3A_149 : vector<16xf32>
          %swap3A_151 = arith.index_cast %scan3A_76 : i32 to index
          %swap3A_152 = arith.constant 64 : index
          %swap3A_153 = tpu.vector_load %arg14[%swap3A_151, %swap3A_152] {strides = array<i32>} : memref<96x144xf32, #tpu.memory_space<vmem>>, vector<1x16xf32>,
          %swap3A_154 = vector.shape_cast %swap3A_153 : vector<1x16xf32> to vector<16xf32>
          %swap3A_155 = vector.shape_cast %mul3A_150 : vector<16xf32> to vector<1x16xf32>
          tpu.vector_store %arg14[%swap3A_151, %swap3A_152], %swap3A_155 {strides = array<i32>} : memref<96x144xf32, #tpu.memory_space<vmem>>, vector<1x16xf32>,
          %slice3A_156 = vector.extract_strided_slice %exp3A {offsets = [3], sizes = [1], strides = [1]} : vector<16xf32> to vector<1xf32>
          %squeeze3A_157 = vector.extract %slice3A_156[0] : f32 from vector<1xf32>
          %get3A_158 = arith.index_cast %scan3A_76 : i32 to index
          %get3A_159 = arith.constant 80 : index
          %get3A_160 = tpu.vector_load %arg13[%get3A_158, %get3A_159] {strides = array<i32>} : memref<96x128xf32, #tpu.memory_space<vmem>>, vector<1x16xf32>,
          %get3A_161 = vector.shape_cast %get3A_160 : vector<1x16xf32> to vector<16xf32>
          %mul3A_162 = vector.broadcast %squeeze3A_157 : f32 to vector<16xf32>
          %mul3A_163 = arith.mulf %get3A_161, %mul3A_162 : vector<16xf32>
          %swap3A_164 = arith.index_cast %scan3A_76 : i32 to index
          %swap3A_165 = arith.constant 80 : index
          %swap3A_166 = tpu.vector_load %arg14[%swap3A_164, %swap3A_165] {strides = array<i32>} : memref<96x144xf32, #tpu.memory_space<vmem>>, vector<1x16xf32>,
          %swap3A_167 = vector.shape_cast %swap3A_166 : vector<1x16xf32> to vector<16xf32>
          %swap3A_168 = vector.shape_cast %mul3A_163 : vector<16xf32> to vector<1x16xf32>
          tpu.vector_store %arg14[%swap3A_164, %swap3A_165], %swap3A_168 {strides = array<i32>} : memref<96x144xf32, #tpu.memory_space<vmem>>, vector<1x16xf32>,
          %slice3A_169 = vector.extract_strided_slice %exp3A {offsets = [3], sizes = [1], strides = [1]} : vector<16xf32> to vector<1xf32>
          %squeeze3A_170 = vector.extract %slice3A_169[0] : f32 from vector<1xf32>
          %get3A_171 = arith.index_cast %scan3A_76 : i32 to index
          %get3A_172 = arith.constant 96 : index
          %get3A_173 = tpu.vector_load %arg13[%get3A_171, %get3A_172] {strides = array<i32>} : memref<96x128xf32, #tpu.memory_space<vmem>>, vector<1x16xf32>,
          %get3A_174 = vector.shape_cast %get3A_173 : vector<1x16xf32> to vector<16xf32>
          %mul3A_175 = vector.broadcast %squeeze3A_170 : f32 to vector<16xf32>
          %mul3A_176 = arith.mulf %get3A_174, %mul3A_175 : vector<16xf32>
          %swap3A_177 = arith.index_cast %scan3A_76 : i32 to index
          %swap3A_178 = arith.constant 96 : index
          %swap3A_179 = tpu.vector_load %arg14[%swap3A_177, %swap3A_178] {strides = array<i32>} : memref<96x144xf32, #tpu.memory_space<vmem>>, vector<1x16xf32>,
          %swap3A_180 = vector.shape_cast %swap3A_179 : vector<1x16xf32> to vector<16xf32>
          %swap3A_181 = vector.shape_cast %mul3A_176 : vector<16xf32> to vector<1x16xf32>
          tpu.vector_store %arg14[%swap3A_177, %swap3A_178], %swap3A_181 {strides = array<i32>} : memref<96x144xf32, #tpu.memory_space<vmem>>, vector<1x16xf32>,
          %slice3A_182 = vector.extract_strided_slice %exp3A {offsets = [3], sizes = [1], strides = [1]} : vector<16xf32> to vector<1xf32>
          %squeeze3A_183 = vector.extract %slice3A_182[0] : f32 from vector<1xf32>
          %get3A_184 = arith.index_cast %scan3A_76 : i32 to index
          %get3A_185 = arith.constant 112 : index
          %get3A_186 = tpu.vector_load %arg13[%get3A_184, %get3A_185] {strides = array<i32>} : memref<96x128xf32, #tpu.memory_space<vmem>>, vector<1x16xf32>,
          %get3A_187 = vector.shape_cast %get3A_186 : vector<1x16xf32> to vector<16xf32>
          %mul3A_188 = vector.broadcast %squeeze3A_183 : f32 to vector<16xf32>
          %mul3A_189 = arith.mulf %get3A_187, %mul3A_188 : vector<16xf32>
          %swap3A_190 = arith.index_cast %scan3A_76 : i32 to index
          %swap3A_191 = arith.constant 112 : index
          %swap3A_192 = tpu.vector_load %arg14[%swap3A_190, %swap3A_191] {strides = array<i32>} : memref<96x144xf32, #tpu.memory_space<vmem>>, vector<1x16xf32>,
          %swap3A_193 = vector.shape_cast %swap3A_192 : vector<1x16xf32> to vector<16xf32>
          %swap3A_194 = vector.shape_cast %mul3A_189 : vector<16xf32> to vector<1x16xf32>
          tpu.vector_store %arg14[%swap3A_190, %swap3A_191], %swap3A_194 {strides = array<i32>} : memref<96x144xf32, #tpu.memory_space<vmem>>, vector<1x16xf32>,
          %scan3A_195 = arith.constant 0 : i32
          scf.yield %scan3A_195 : i32
        }
        %scan3A_68 = arith.constant 96 : i32
        %dma_start3A_69 = arith.constant 0 : i32
        %dma_start3A_70 = arith.constant 0 : i32
        %dma_start3A_71 = tpu.memref_slice %arg15[%dma_start3A_69, %dma_start3A_70] : memref<10240x144xf32, #tpu.memory_space<vmem_shared>> -> memref<10240x144xf32, #tpu.memory_space<vmem_shared>>
        tpu.enqueue_indirect_dma source(%arg14 : memref<96x144xf32, #tpu.memory_space<vmem>>) target(%dma_start3A_71 : memref<10240x144xf32, #tpu.memory_space<vmem_shared>>) offsets(%arg10 : memref<96xi32, #tpu.memory_space<vmem>>) semaphore(%arg16 : memref<!tpu.dma_semaphore, #tpu.memory_space<semaphore_mem>>) {add = true}
        %dma_wait3A_72 = arith.constant 0 : i32
        %dma_wait3A_73 = arith.constant 0 : i32
        %dma_wait3A_74 = tpu.memref_slice %arg15[%dma_wait3A_72, %dma_wait3A_73] : memref<10240x144xf32, #tpu.memory_space<vmem_shared>> -> memref<10240x144xf32, #tpu.memory_space<vmem_shared>>
        tpu.wait_indirect_dma semaphore(%arg16 : memref<!tpu.dma_semaphore, #tpu.memory_space<semaphore_mem>>) src(%arg14 : memref<96x144xf32, #tpu.memory_space<vmem>>) dst(%dma_wait3A_74 : memref<10240x144xf32, #tpu.memory_space<vmem_shared>>)
        %scan3A_75 = arith.constant 0 : i32
        scf.yield %scan3A_75 : i32
      }
      %scan3A_40 = arith.constant 216 : i32
    } else {
    }
    %barrier3A_30 = arith.constant 0 : index
    tpu.barrier barrier_id(%barrier3A_30)
    %mul3A_31 = arith.constant 10240 : i32
    %mul3A_32 = arith.muli %arg0, %mul3A_31 : i32
    %add3A_33 = arith.addi %mul3A_32, %mul3A_7 : i32
    "tpu.region"() ({
      %run_scoped3A = tpu.sem_alloc : memref<!tpu.dma_semaphore, #tpu.memory_space<semaphore_mem>>
      %dma_start3A = arith.constant 0 : i32
      %dma_start3A_34 = tpu.memref_slice %arg8[%add3A_33, %dma_start3A] : memref<20480x144xf32, #tpu.memory_space<hbm>> -> memref<640x144xf32, #tpu.memory_space<hbm>>
      %dma_start3A_35 = arith.constant 0 : i32
      %dma_start3A_36 = tpu.memref_slice %arg15[%mul3A_7, %dma_start3A_35] : memref<10240x144xf32, #tpu.memory_space<vmem_shared>> -> memref<640x144xf32, #tpu.memory_space<vmem_shared>>
      tpu.enqueue_dma source(%dma_start3A_36 : memref<640x144xf32, #tpu.memory_space<vmem_shared>>) target(%dma_start3A_34 : memref<640x144xf32, #tpu.memory_space<hbm>>) target_semaphore(%run_scoped3A : memref<!tpu.dma_semaphore, #tpu.memory_space<semaphore_mem>>)
      %dma_wait3A = arith.constant 0 : i32
      %dma_wait3A_37 = tpu.memref_slice %arg8[%add3A_33, %dma_wait3A] : memref<20480x144xf32, #tpu.memory_space<hbm>> -> memref<640x144xf32, #tpu.memory_space<hbm>>
      %dma_wait3A_38 = arith.constant 0 : i32
      %dma_wait3A_39 = tpu.memref_slice %arg15[%mul3A_7, %dma_wait3A_38] : memref<10240x144xf32, #tpu.memory_space<vmem_shared>> -> memref<640x144xf32, #tpu.memory_space<vmem_shared>>
      tpu.wait_dma2 semaphore(%run_scoped3A : memref<!tpu.dma_semaphore, #tpu.memory_space<semaphore_mem>>) src(%dma_wait3A_39 : memref<640x144xf32, #tpu.memory_space<vmem_shared>>) dst(%dma_wait3A_37 : memref<640x144xf32, #tpu.memory_space<hbm>>)
      tpu.yield
    }) : () -> ()
    return
  }
}

#map = affine_map<(d0, d1) -> (0, 0)>
#map1 = affine_map<(d0, d1) -> (0)>
module attributes {stable_mosaic.version = 14 : i64} {
  func.func @k(%arg0: i32, %arg1: i32, %arg2: memref<10240x64xf32, #tpu.memory_space<hbm>>, %arg3: memref<10240x16xf32, #tpu.memory_space<hbm>>, %arg4: memref<10240x16xf32, #tpu.memory_space<hbm>>, %arg5: memref<331776xi32, #tpu.memory_space<hbm>>, %arg6: memref<331776xi32, #tpu.memory_space<hbm>>, %arg7: memref<20480x80xf32, #tpu.memory_space<hbm>>, %arg8: memref<96xi32, #tpu.memory_space<vmem>>, %arg9: memref<96xi32, #tpu.memory_space<vmem>>, %arg10: memref<96x16xf32, #tpu.memory_space<vmem>>, %arg11: memref<96x16xf32, #tpu.memory_space<vmem>>, %arg12: memref<96x64xf32, #tpu.memory_space<vmem>>, %arg13: memref<96x80xf32, #tpu.memory_space<vmem>>, %arg14: memref<10240x80xf32, #tpu.memory_space<vmem_shared>>, %arg15: memref<!tpu.dma_semaphore, #tpu.memory_space<semaphore_mem>>) attributes {dimension_semantics = [#tpu.dimension_semantics<core_parallel>, #tpu.dimension_semantics<subcore_parallel>], iteration_bounds = array<i64: 2, 16>, scalar_prefetch = 0 : i64, scratch_operands = 8 : i64, tpu.core_type = #tpu.core_type<sc_vector_subcore>, window_params = [{transform_indices = #map}, {transform_indices = #map}, {transform_indices = #map}, {transform_indices = #map1}, {transform_indices = #map1}, {transform_indices = #map}]} {
    %broadcast_in_dim3A = arith.constant 0.000000e+00 : f32
    %broadcast_in_dim3A_0 = vector.broadcast %broadcast_in_dim3A : f32 to vector<16xf32>
    %scan3A = arith.constant 0 : i32
    %scan3A_1 = arith.constant 0 : i32
    %scan3A_2 = arith.constant 96 : i32
    %scan3A_3 = arith.addi %scan3A_1, %scan3A_2 : i32
    %scan3A_4 = arith.constant 1 : i32
    %scan3A_5 = scf.for %scan3A_37 = %scan3A_1 to %scan3A_3 step %scan3A_4 iter_args(%scan3A_38 = %scan3A) -> (i32)  : i32 {
      %swap3A = arith.index_cast %scan3A_37 : i32 to index
      %swap3A_39 = arith.constant 0 : index
      %swap3A_40 = tpu.vector_load %arg13[%swap3A, %swap3A_39] {strides = array<i32>} : memref<96x80xf32, #tpu.memory_space<vmem>>, vector<1x16xf32>,
      %swap3A_41 = vector.shape_cast %swap3A_40 : vector<1x16xf32> to vector<16xf32>
      %swap3A_42 = vector.shape_cast %broadcast_in_dim3A_0 : vector<16xf32> to vector<1x16xf32>
      tpu.vector_store %arg13[%swap3A, %swap3A_39], %swap3A_42 {strides = array<i32>} : memref<96x80xf32, #tpu.memory_space<vmem>>, vector<1x16xf32>,
      %swap3A_43 = arith.index_cast %scan3A_37 : i32 to index
      %swap3A_44 = arith.constant 16 : index
      %swap3A_45 = tpu.vector_load %arg13[%swap3A_43, %swap3A_44] {strides = array<i32>} : memref<96x80xf32, #tpu.memory_space<vmem>>, vector<1x16xf32>,
      %swap3A_46 = vector.shape_cast %swap3A_45 : vector<1x16xf32> to vector<16xf32>
      %swap3A_47 = vector.shape_cast %broadcast_in_dim3A_0 : vector<16xf32> to vector<1x16xf32>
      tpu.vector_store %arg13[%swap3A_43, %swap3A_44], %swap3A_47 {strides = array<i32>} : memref<96x80xf32, #tpu.memory_space<vmem>>, vector<1x16xf32>,
      %swap3A_48 = arith.index_cast %scan3A_37 : i32 to index
      %swap3A_49 = arith.constant 32 : index
      %swap3A_50 = tpu.vector_load %arg13[%swap3A_48, %swap3A_49] {strides = array<i32>} : memref<96x80xf32, #tpu.memory_space<vmem>>, vector<1x16xf32>,
      %swap3A_51 = vector.shape_cast %swap3A_50 : vector<1x16xf32> to vector<16xf32>
      %swap3A_52 = vector.shape_cast %broadcast_in_dim3A_0 : vector<16xf32> to vector<1x16xf32>
      tpu.vector_store %arg13[%swap3A_48, %swap3A_49], %swap3A_52 {strides = array<i32>} : memref<96x80xf32, #tpu.memory_space<vmem>>, vector<1x16xf32>,
      %swap3A_53 = arith.index_cast %scan3A_37 : i32 to index
      %swap3A_54 = arith.constant 48 : index
      %swap3A_55 = tpu.vector_load %arg13[%swap3A_53, %swap3A_54] {strides = array<i32>} : memref<96x80xf32, #tpu.memory_space<vmem>>, vector<1x16xf32>,
      %swap3A_56 = vector.shape_cast %swap3A_55 : vector<1x16xf32> to vector<16xf32>
      %swap3A_57 = vector.shape_cast %broadcast_in_dim3A_0 : vector<16xf32> to vector<1x16xf32>
      tpu.vector_store %arg13[%swap3A_53, %swap3A_54], %swap3A_57 {strides = array<i32>} : memref<96x80xf32, #tpu.memory_space<vmem>>, vector<1x16xf32>,
      %swap3A_58 = arith.index_cast %scan3A_37 : i32 to index
      %swap3A_59 = arith.constant 64 : index
      %swap3A_60 = tpu.vector_load %arg13[%swap3A_58, %swap3A_59] {strides = array<i32>} : memref<96x80xf32, #tpu.memory_space<vmem>>, vector<1x16xf32>,
      %swap3A_61 = vector.shape_cast %swap3A_60 : vector<1x16xf32> to vector<16xf32>
      %swap3A_62 = vector.shape_cast %broadcast_in_dim3A_0 : vector<16xf32> to vector<1x16xf32>
      tpu.vector_store %arg13[%swap3A_58, %swap3A_59], %swap3A_62 {strides = array<i32>} : memref<96x80xf32, #tpu.memory_space<vmem>>, vector<1x16xf32>,
      %scan3A_63 = arith.constant 0 : i32
      scf.yield %scan3A_63 : i32
    }
    %scan3A_6 = arith.constant 96 : i32
    %mul3A = arith.constant 640 : i32
    %mul3A_7 = arith.muli %arg1, %mul3A : i32
    %add3A = arith.constant 0 : i32
    %add3A_8 = arith.addi %mul3A_7, %add3A : i32
    "tpu.region"() ({
      %run_scoped3A = tpu.sem_alloc : memref<!tpu.dma_semaphore, #tpu.memory_space<semaphore_mem>>
      %dma_start3A = arith.constant 0 : i32
      %dma_start3A_37 = tpu.memref_slice %arg14[%add3A_8, %dma_start3A] : memref<10240x80xf32, #tpu.memory_space<vmem_shared>> -> memref<96x80xf32, #tpu.memory_space<vmem_shared>>
      %dma_start3A_38 = arith.constant 0 : i32
      %dma_start3A_39 = tpu.memref_slice %arg14[%add3A_8, %dma_start3A_38] : memref<10240x80xf32, #tpu.memory_space<vmem_shared>> -> memref<96x80xf32, #tpu.memory_space<vmem_shared>>
      tpu.enqueue_dma source(%arg13 : memref<96x80xf32, #tpu.memory_space<vmem>>) target(%dma_start3A_39 : memref<96x80xf32, #tpu.memory_space<vmem_shared>>) target_semaphore(%run_scoped3A : memref<!tpu.dma_semaphore, #tpu.memory_space<semaphore_mem>>)
      %dma_wait3A = arith.constant 0 : i32
      %dma_wait3A_40 = tpu.memref_slice %arg14[%add3A_8, %dma_wait3A] : memref<10240x80xf32, #tpu.memory_space<vmem_shared>> -> memref<96x80xf32, #tpu.memory_space<vmem_shared>>
      %dma_wait3A_41 = arith.constant 0 : i32
      %dma_wait3A_42 = tpu.memref_slice %arg14[%add3A_8, %dma_wait3A_41] : memref<10240x80xf32, #tpu.memory_space<vmem_shared>> -> memref<96x80xf32, #tpu.memory_space<vmem_shared>>
      tpu.wait_dma2 semaphore(%run_scoped3A : memref<!tpu.dma_semaphore, #tpu.memory_space<semaphore_mem>>) src(%arg13 : memref<96x80xf32, #tpu.memory_space<vmem>>) dst(%dma_wait3A_42 : memref<96x80xf32, #tpu.memory_space<vmem_shared>>)
      tpu.yield
    }) : () -> ()
    %add3A_9 = arith.constant 96 : i32
    %add3A_10 = arith.addi %mul3A_7, %add3A_9 : i32
    "tpu.region"() ({
      %run_scoped3A = tpu.sem_alloc : memref<!tpu.dma_semaphore, #tpu.memory_space<semaphore_mem>>
      %dma_start3A = arith.constant 0 : i32
      %dma_start3A_37 = tpu.memref_slice %arg14[%add3A_10, %dma_start3A] : memref<10240x80xf32, #tpu.memory_space<vmem_shared>> -> memref<96x80xf32, #tpu.memory_space<vmem_shared>>
      %dma_start3A_38 = arith.constant 0 : i32
      %dma_start3A_39 = tpu.memref_slice %arg14[%add3A_10, %dma_start3A_38] : memref<10240x80xf32, #tpu.memory_space<vmem_shared>> -> memref<96x80xf32, #tpu.memory_space<vmem_shared>>
      tpu.enqueue_dma source(%arg13 : memref<96x80xf32, #tpu.memory_space<vmem>>) target(%dma_start3A_39 : memref<96x80xf32, #tpu.memory_space<vmem_shared>>) target_semaphore(%run_scoped3A : memref<!tpu.dma_semaphore, #tpu.memory_space<semaphore_mem>>)
      %dma_wait3A = arith.constant 0 : i32
      %dma_wait3A_40 = tpu.memref_slice %arg14[%add3A_10, %dma_wait3A] : memref<10240x80xf32, #tpu.memory_space<vmem_shared>> -> memref<96x80xf32, #tpu.memory_space<vmem_shared>>
      %dma_wait3A_41 = arith.constant 0 : i32
      %dma_wait3A_42 = tpu.memref_slice %arg14[%add3A_10, %dma_wait3A_41] : memref<10240x80xf32, #tpu.memory_space<vmem_shared>> -> memref<96x80xf32, #tpu.memory_space<vmem_shared>>
      tpu.wait_dma2 semaphore(%run_scoped3A : memref<!tpu.dma_semaphore, #tpu.memory_space<semaphore_mem>>) src(%arg13 : memref<96x80xf32, #tpu.memory_space<vmem>>) dst(%dma_wait3A_42 : memref<96x80xf32, #tpu.memory_space<vmem_shared>>)
      tpu.yield
    }) : () -> ()
    %add3A_11 = arith.constant 192 : i32
    %add3A_12 = arith.addi %mul3A_7, %add3A_11 : i32
    "tpu.region"() ({
      %run_scoped3A = tpu.sem_alloc : memref<!tpu.dma_semaphore, #tpu.memory_space<semaphore_mem>>
      %dma_start3A = arith.constant 0 : i32
      %dma_start3A_37 = tpu.memref_slice %arg14[%add3A_12, %dma_start3A] : memref<10240x80xf32, #tpu.memory_space<vmem_shared>> -> memref<96x80xf32, #tpu.memory_space<vmem_shared>>
      %dma_start3A_38 = arith.constant 0 : i32
      %dma_start3A_39 = tpu.memref_slice %arg14[%add3A_12, %dma_start3A_38] : memref<10240x80xf32, #tpu.memory_space<vmem_shared>> -> memref<96x80xf32, #tpu.memory_space<vmem_shared>>
      tpu.enqueue_dma source(%arg13 : memref<96x80xf32, #tpu.memory_space<vmem>>) target(%dma_start3A_39 : memref<96x80xf32, #tpu.memory_space<vmem_shared>>) target_semaphore(%run_scoped3A : memref<!tpu.dma_semaphore, #tpu.memory_space<semaphore_mem>>)
      %dma_wait3A = arith.constant 0 : i32
      %dma_wait3A_40 = tpu.memref_slice %arg14[%add3A_12, %dma_wait3A] : memref<10240x80xf32, #tpu.memory_space<vmem_shared>> -> memref<96x80xf32, #tpu.memory_space<vmem_shared>>
      %dma_wait3A_41 = arith.constant 0 : i32
      %dma_wait3A_42 = tpu.memref_slice %arg14[%add3A_12, %dma_wait3A_41] : memref<10240x80xf32, #tpu.memory_space<vmem_shared>> -> memref<96x80xf32, #tpu.memory_space<vmem_shared>>
      tpu.wait_dma2 semaphore(%run_scoped3A : memref<!tpu.dma_semaphore, #tpu.memory_space<semaphore_mem>>) src(%arg13 : memref<96x80xf32, #tpu.memory_space<vmem>>) dst(%dma_wait3A_42 : memref<96x80xf32, #tpu.memory_space<vmem_shared>>)
      tpu.yield
    }) : () -> ()
    %add3A_13 = arith.constant 288 : i32
    %add3A_14 = arith.addi %mul3A_7, %add3A_13 : i32
    "tpu.region"() ({
      %run_scoped3A = tpu.sem_alloc : memref<!tpu.dma_semaphore, #tpu.memory_space<semaphore_mem>>
      %dma_start3A = arith.constant 0 : i32
      %dma_start3A_37 = tpu.memref_slice %arg14[%add3A_14, %dma_start3A] : memref<10240x80xf32, #tpu.memory_space<vmem_shared>> -> memref<96x80xf32, #tpu.memory_space<vmem_shared>>
      %dma_start3A_38 = arith.constant 0 : i32
      %dma_start3A_39 = tpu.memref_slice %arg14[%add3A_14, %dma_start3A_38] : memref<10240x80xf32, #tpu.memory_space<vmem_shared>> -> memref<96x80xf32, #tpu.memory_space<vmem_shared>>
      tpu.enqueue_dma source(%arg13 : memref<96x80xf32, #tpu.memory_space<vmem>>) target(%dma_start3A_39 : memref<96x80xf32, #tpu.memory_space<vmem_shared>>) target_semaphore(%run_scoped3A : memref<!tpu.dma_semaphore, #tpu.memory_space<semaphore_mem>>)
      %dma_wait3A = arith.constant 0 : i32
      %dma_wait3A_40 = tpu.memref_slice %arg14[%add3A_14, %dma_wait3A] : memref<10240x80xf32, #tpu.memory_space<vmem_shared>> -> memref<96x80xf32, #tpu.memory_space<vmem_shared>>
      %dma_wait3A_41 = arith.constant 0 : i32
      %dma_wait3A_42 = tpu.memref_slice %arg14[%add3A_14, %dma_wait3A_41] : memref<10240x80xf32, #tpu.memory_space<vmem_shared>> -> memref<96x80xf32, #tpu.memory_space<vmem_shared>>
      tpu.wait_dma2 semaphore(%run_scoped3A : memref<!tpu.dma_semaphore, #tpu.memory_space<semaphore_mem>>) src(%arg13 : memref<96x80xf32, #tpu.memory_space<vmem>>) dst(%dma_wait3A_42 : memref<96x80xf32, #tpu.memory_space<vmem_shared>>)
      tpu.yield
    }) : () -> ()
    %add3A_15 = arith.constant 384 : i32
    %add3A_16 = arith.addi %mul3A_7, %add3A_15 : i32
    "tpu.region"() ({
      %run_scoped3A = tpu.sem_alloc : memref<!tpu.dma_semaphore, #tpu.memory_space<semaphore_mem>>
      %dma_start3A = arith.constant 0 : i32
      %dma_start3A_37 = tpu.memref_slice %arg14[%add3A_16, %dma_start3A] : memref<10240x80xf32, #tpu.memory_space<vmem_shared>> -> memref<96x80xf32, #tpu.memory_space<vmem_shared>>
      %dma_start3A_38 = arith.constant 0 : i32
      %dma_start3A_39 = tpu.memref_slice %arg14[%add3A_16, %dma_start3A_38] : memref<10240x80xf32, #tpu.memory_space<vmem_shared>> -> memref<96x80xf32, #tpu.memory_space<vmem_shared>>
      tpu.enqueue_dma source(%arg13 : memref<96x80xf32, #tpu.memory_space<vmem>>) target(%dma_start3A_39 : memref<96x80xf32, #tpu.memory_space<vmem_shared>>) target_semaphore(%run_scoped3A : memref<!tpu.dma_semaphore, #tpu.memory_space<semaphore_mem>>)
      %dma_wait3A = arith.constant 0 : i32
      %dma_wait3A_40 = tpu.memref_slice %arg14[%add3A_16, %dma_wait3A] : memref<10240x80xf32, #tpu.memory_space<vmem_shared>> -> memref<96x80xf32, #tpu.memory_space<vmem_shared>>
      %dma_wait3A_41 = arith.constant 0 : i32
      %dma_wait3A_42 = tpu.memref_slice %arg14[%add3A_16, %dma_wait3A_41] : memref<10240x80xf32, #tpu.memory_space<vmem_shared>> -> memref<96x80xf32, #tpu.memory_space<vmem_shared>>
      tpu.wait_dma2 semaphore(%run_scoped3A : memref<!tpu.dma_semaphore, #tpu.memory_space<semaphore_mem>>) src(%arg13 : memref<96x80xf32, #tpu.memory_space<vmem>>) dst(%dma_wait3A_42 : memref<96x80xf32, #tpu.memory_space<vmem_shared>>)
      tpu.yield
    }) : () -> ()
    %add3A_17 = arith.constant 480 : i32
    %add3A_18 = arith.addi %mul3A_7, %add3A_17 : i32
    "tpu.region"() ({
      %run_scoped3A = tpu.sem_alloc : memref<!tpu.dma_semaphore, #tpu.memory_space<semaphore_mem>>
      %dma_start3A = arith.constant 0 : i32
      %dma_start3A_37 = tpu.memref_slice %arg14[%add3A_18, %dma_start3A] : memref<10240x80xf32, #tpu.memory_space<vmem_shared>> -> memref<96x80xf32, #tpu.memory_space<vmem_shared>>
      %dma_start3A_38 = arith.constant 0 : i32
      %dma_start3A_39 = tpu.memref_slice %arg14[%add3A_18, %dma_start3A_38] : memref<10240x80xf32, #tpu.memory_space<vmem_shared>> -> memref<96x80xf32, #tpu.memory_space<vmem_shared>>
      tpu.enqueue_dma source(%arg13 : memref<96x80xf32, #tpu.memory_space<vmem>>) target(%dma_start3A_39 : memref<96x80xf32, #tpu.memory_space<vmem_shared>>) target_semaphore(%run_scoped3A : memref<!tpu.dma_semaphore, #tpu.memory_space<semaphore_mem>>)
      %dma_wait3A = arith.constant 0 : i32
      %dma_wait3A_40 = tpu.memref_slice %arg14[%add3A_18, %dma_wait3A] : memref<10240x80xf32, #tpu.memory_space<vmem_shared>> -> memref<96x80xf32, #tpu.memory_space<vmem_shared>>
      %dma_wait3A_41 = arith.constant 0 : i32
      %dma_wait3A_42 = tpu.memref_slice %arg14[%add3A_18, %dma_wait3A_41] : memref<10240x80xf32, #tpu.memory_space<vmem_shared>> -> memref<96x80xf32, #tpu.memory_space<vmem_shared>>
      tpu.wait_dma2 semaphore(%run_scoped3A : memref<!tpu.dma_semaphore, #tpu.memory_space<semaphore_mem>>) src(%arg13 : memref<96x80xf32, #tpu.memory_space<vmem>>) dst(%dma_wait3A_42 : memref<96x80xf32, #tpu.memory_space<vmem_shared>>)
      tpu.yield
    }) : () -> ()
    %add3A_19 = arith.constant 576 : i32
    %add3A_20 = arith.addi %mul3A_7, %add3A_19 : i32
    "tpu.region"() ({
      %run_scoped3A = tpu.sem_alloc : memref<!tpu.dma_semaphore, #tpu.memory_space<semaphore_mem>>
      %dma_start3A = arith.constant 0 : i32
      %dma_start3A_37 = arith.constant 0 : i32
      %dma_start3A_38 = tpu.memref_slice %arg13[%dma_start3A, %dma_start3A_37] : memref<96x80xf32, #tpu.memory_space<vmem>> -> memref<64x80xf32, #tpu.memory_space<vmem>>
      %dma_start3A_39 = arith.constant 0 : i32
      %dma_start3A_40 = tpu.memref_slice %arg14[%add3A_20, %dma_start3A_39] : memref<10240x80xf32, #tpu.memory_space<vmem_shared>> -> memref<64x80xf32, #tpu.memory_space<vmem_shared>>
      %dma_start3A_41 = arith.constant 0 : i32
      %dma_start3A_42 = tpu.memref_slice %arg14[%add3A_20, %dma_start3A_41] : memref<10240x80xf32, #tpu.memory_space<vmem_shared>> -> memref<64x80xf32, #tpu.memory_space<vmem_shared>>
      %dma_start3A_43 = arith.constant 0 : i32
      %dma_start3A_44 = arith.constant 0 : i32
      %dma_start3A_45 = tpu.memref_slice %arg13[%dma_start3A_43, %dma_start3A_44] : memref<96x80xf32, #tpu.memory_space<vmem>> -> memref<64x80xf32, #tpu.memory_space<vmem>>
      tpu.enqueue_dma source(%dma_start3A_45 : memref<64x80xf32, #tpu.memory_space<vmem>>) target(%dma_start3A_42 : memref<64x80xf32, #tpu.memory_space<vmem_shared>>) target_semaphore(%run_scoped3A : memref<!tpu.dma_semaphore, #tpu.memory_space<semaphore_mem>>)
      %dma_wait3A = arith.constant 0 : i32
      %dma_wait3A_46 = arith.constant 0 : i32
      %dma_wait3A_47 = tpu.memref_slice %arg13[%dma_wait3A, %dma_wait3A_46] : memref<96x80xf32, #tpu.memory_space<vmem>> -> memref<64x80xf32, #tpu.memory_space<vmem>>
      %dma_wait3A_48 = arith.constant 0 : i32
      %dma_wait3A_49 = tpu.memref_slice %arg14[%add3A_20, %dma_wait3A_48] : memref<10240x80xf32, #tpu.memory_space<vmem_shared>> -> memref<64x80xf32, #tpu.memory_space<vmem_shared>>
      %dma_wait3A_50 = arith.constant 0 : i32
      %dma_wait3A_51 = tpu.memref_slice %arg14[%add3A_20, %dma_wait3A_50] : memref<10240x80xf32, #tpu.memory_space<vmem_shared>> -> memref<64x80xf32, #tpu.memory_space<vmem_shared>>
      %dma_wait3A_52 = arith.constant 0 : i32
      %dma_wait3A_53 = arith.constant 0 : i32
      %dma_wait3A_54 = tpu.memref_slice %arg13[%dma_wait3A_52, %dma_wait3A_53] : memref<96x80xf32, #tpu.memory_space<vmem>> -> memref<64x80xf32, #tpu.memory_space<vmem>>
      tpu.wait_dma2 semaphore(%run_scoped3A : memref<!tpu.dma_semaphore, #tpu.memory_space<semaphore_mem>>) src(%dma_wait3A_54 : memref<64x80xf32, #tpu.memory_space<vmem>>) dst(%dma_wait3A_51 : memref<64x80xf32, #tpu.memory_space<vmem_shared>>)
      tpu.yield
    }) : () -> ()
    %barrier3A = arith.constant 0 : index
    tpu.barrier barrier_id(%barrier3A)
    %mul3A_21 = arith.constant 16 : i32
    %mul3A_22 = arith.muli %arg0, %mul3A_21 : i32
    %add3A_23 = arith.addi %mul3A_22, %arg1 : i32
    %mul3A_24 = arith.constant 108 : i32
    %mul3A_25 = arith.muli %add3A_23, %mul3A_24 : i32
    %scan3A_26 = arith.constant 0 : i32
    %scan3A_27 = arith.constant 0 : i32
    %scan3A_28 = arith.constant 108 : i32
    %scan3A_29 = arith.addi %scan3A_27, %scan3A_28 : i32
    %scan3A_30 = arith.constant 1 : i32
    %scan3A_31 = scf.for %scan3A_37 = %scan3A_27 to %scan3A_29 step %scan3A_30 iter_args(%scan3A_38 = %scan3A_26) -> (i32)  : i32 {
      %add3A_39 = arith.addi %mul3A_25, %scan3A_37 : i32
      %mul3A_40 = arith.constant 96 : i32
      %mul3A_41 = arith.muli %add3A_39, %mul3A_40 : i32
      "tpu.region"() ({
        %run_scoped3A = tpu.sem_alloc : memref<!tpu.dma_semaphore, #tpu.memory_space<semaphore_mem>>
        %dma_start3A_72 = tpu.memref_slice %arg5[%mul3A_41] : memref<331776xi32, #tpu.memory_space<hbm>> -> memref<96xi32, #tpu.memory_space<hbm>>
        %dma_start3A_73 = tpu.memref_slice %arg5[%mul3A_41] : memref<331776xi32, #tpu.memory_space<hbm>> -> memref<96xi32, #tpu.memory_space<hbm>>
        tpu.enqueue_dma source(%dma_start3A_73 : memref<96xi32, #tpu.memory_space<hbm>>) target(%arg8 : memref<96xi32, #tpu.memory_space<vmem>>) target_semaphore(%run_scoped3A : memref<!tpu.dma_semaphore, #tpu.memory_space<semaphore_mem>>)
        %dma_wait3A_74 = tpu.memref_slice %arg5[%mul3A_41] : memref<331776xi32, #tpu.memory_space<hbm>> -> memref<96xi32, #tpu.memory_space<hbm>>
        %dma_wait3A_75 = tpu.memref_slice %arg5[%mul3A_41] : memref<331776xi32, #tpu.memory_space<hbm>> -> memref<96xi32, #tpu.memory_space<hbm>>
        tpu.wait_dma2 semaphore(%run_scoped3A : memref<!tpu.dma_semaphore, #tpu.memory_space<semaphore_mem>>) src(%dma_wait3A_75 : memref<96xi32, #tpu.memory_space<hbm>>) dst(%arg8 : memref<96xi32, #tpu.memory_space<vmem>>)
        tpu.yield
      }) : () -> ()
      "tpu.region"() ({
        %run_scoped3A = tpu.sem_alloc : memref<!tpu.dma_semaphore, #tpu.memory_space<semaphore_mem>>
        %dma_start3A_72 = tpu.memref_slice %arg6[%mul3A_41] : memref<331776xi32, #tpu.memory_space<hbm>> -> memref<96xi32, #tpu.memory_space<hbm>>
        %dma_start3A_73 = tpu.memref_slice %arg6[%mul3A_41] : memref<331776xi32, #tpu.memory_space<hbm>> -> memref<96xi32, #tpu.memory_space<hbm>>
        tpu.enqueue_dma source(%dma_start3A_73 : memref<96xi32, #tpu.memory_space<hbm>>) target(%arg9 : memref<96xi32, #tpu.memory_space<vmem>>) target_semaphore(%run_scoped3A : memref<!tpu.dma_semaphore, #tpu.memory_space<semaphore_mem>>)
        %dma_wait3A_74 = tpu.memref_slice %arg6[%mul3A_41] : memref<331776xi32, #tpu.memory_space<hbm>> -> memref<96xi32, #tpu.memory_space<hbm>>
        %dma_wait3A_75 = tpu.memref_slice %arg6[%mul3A_41] : memref<331776xi32, #tpu.memory_space<hbm>> -> memref<96xi32, #tpu.memory_space<hbm>>
        tpu.wait_dma2 semaphore(%run_scoped3A : memref<!tpu.dma_semaphore, #tpu.memory_space<semaphore_mem>>) src(%dma_wait3A_75 : memref<96xi32, #tpu.memory_space<hbm>>) dst(%arg9 : memref<96xi32, #tpu.memory_space<vmem>>)
        tpu.yield
      }) : () -> ()
      %dma_start3A = arith.constant 0 : i32
      %dma_start3A_42 = arith.constant 0 : i32
      %dma_start3A_43 = tpu.memref_slice %arg3[%dma_start3A, %dma_start3A_42] : memref<10240x16xf32, #tpu.memory_space<hbm>> -> memref<10240x16xf32, #tpu.memory_space<hbm>>
      tpu.enqueue_indirect_dma source(%dma_start3A_43 : memref<10240x16xf32, #tpu.memory_space<hbm>>) target(%arg10 : memref<96x16xf32, #tpu.memory_space<vmem>>) offsets(%arg8 : memref<96xi32, #tpu.memory_space<vmem>>) semaphore(%arg15 : memref<!tpu.dma_semaphore, #tpu.memory_space<semaphore_mem>>)
      %dma_wait3A = arith.constant 0 : i32
      %dma_wait3A_44 = arith.constant 0 : i32
      %dma_wait3A_45 = tpu.memref_slice %arg3[%dma_wait3A, %dma_wait3A_44] : memref<10240x16xf32, #tpu.memory_space<hbm>> -> memref<10240x16xf32, #tpu.memory_space<hbm>>
      tpu.wait_indirect_dma semaphore(%arg15 : memref<!tpu.dma_semaphore, #tpu.memory_space<semaphore_mem>>) src(%dma_wait3A_45 : memref<10240x16xf32, #tpu.memory_space<hbm>>) dst(%arg10 : memref<96x16xf32, #tpu.memory_space<vmem>>)
      %dma_start3A_46 = arith.constant 0 : i32
      %dma_start3A_47 = arith.constant 0 : i32
      %dma_start3A_48 = tpu.memref_slice %arg4[%dma_start3A_46, %dma_start3A_47] : memref<10240x16xf32, #tpu.memory_space<hbm>> -> memref<10240x16xf32, #tpu.memory_space<hbm>>
      tpu.enqueue_indirect_dma source(%dma_start3A_48 : memref<10240x16xf32, #tpu.memory_space<hbm>>) target(%arg11 : memref<96x16xf32, #tpu.memory_space<vmem>>) offsets(%arg9 : memref<96xi32, #tpu.memory_space<vmem>>) semaphore(%arg15 : memref<!tpu.dma_semaphore, #tpu.memory_space<semaphore_mem>>)
      %dma_wait3A_49 = arith.constant 0 : i32
      %dma_wait3A_50 = arith.constant 0 : i32
      %dma_wait3A_51 = tpu.memref_slice %arg4[%dma_wait3A_49, %dma_wait3A_50] : memref<10240x16xf32, #tpu.memory_space<hbm>> -> memref<10240x16xf32, #tpu.memory_space<hbm>>
      tpu.wait_indirect_dma semaphore(%arg15 : memref<!tpu.dma_semaphore, #tpu.memory_space<semaphore_mem>>) src(%dma_wait3A_51 : memref<10240x16xf32, #tpu.memory_space<hbm>>) dst(%arg11 : memref<96x16xf32, #tpu.memory_space<vmem>>)
      %dma_start3A_52 = arith.constant 0 : i32
      %dma_start3A_53 = arith.constant 0 : i32
      %dma_start3A_54 = tpu.memref_slice %arg2[%dma_start3A_52, %dma_start3A_53] : memref<10240x64xf32, #tpu.memory_space<hbm>> -> memref<10240x64xf32, #tpu.memory_space<hbm>>
      tpu.enqueue_indirect_dma source(%dma_start3A_54 : memref<10240x64xf32, #tpu.memory_space<hbm>>) target(%arg12 : memref<96x64xf32, #tpu.memory_space<vmem>>) offsets(%arg8 : memref<96xi32, #tpu.memory_space<vmem>>) semaphore(%arg15 : memref<!tpu.dma_semaphore, #tpu.memory_space<semaphore_mem>>)
      %dma_wait3A_55 = arith.constant 0 : i32
      %dma_wait3A_56 = arith.constant 0 : i32
      %dma_wait3A_57 = tpu.memref_slice %arg2[%dma_wait3A_55, %dma_wait3A_56] : memref<10240x64xf32, #tpu.memory_space<hbm>> -> memref<10240x64xf32, #tpu.memory_space<hbm>>
      tpu.wait_indirect_dma semaphore(%arg15 : memref<!tpu.dma_semaphore, #tpu.memory_space<semaphore_mem>>) src(%dma_wait3A_57 : memref<10240x64xf32, #tpu.memory_space<hbm>>) dst(%arg12 : memref<96x64xf32, #tpu.memory_space<vmem>>)
      %scan3A_58 = arith.constant 0 : i32
      %scan3A_59 = arith.constant 0 : i32
      %scan3A_60 = arith.constant 96 : i32
      %scan3A_61 = arith.addi %scan3A_59, %scan3A_60 : i32
      %scan3A_62 = arith.constant 1 : i32
      %scan3A_63 = scf.for %scan3A_72 = %scan3A_59 to %scan3A_61 step %scan3A_62 iter_args(%scan3A_73 = %scan3A_58) -> (i32)  : i32 {
        %get3A = arith.index_cast %scan3A_72 : i32 to index
        %get3A_74 = arith.constant 0 : index
        %get3A_75 = tpu.vector_load %arg10[%get3A, %get3A_74] {strides = array<i32>} : memref<96x16xf32, #tpu.memory_space<vmem>>, vector<1x16xf32>,
        %get3A_76 = vector.shape_cast %get3A_75 : vector<1x16xf32> to vector<16xf32>
        %get3A_77 = arith.index_cast %scan3A_72 : i32 to index
        %get3A_78 = arith.constant 0 : index
        %get3A_79 = tpu.vector_load %arg11[%get3A_77, %get3A_78] {strides = array<i32>} : memref<96x16xf32, #tpu.memory_space<vmem>>, vector<1x16xf32>,
        %get3A_80 = vector.shape_cast %get3A_79 : vector<1x16xf32> to vector<16xf32>
        %add3A_81 = arith.addf %get3A_76, %get3A_80 : vector<16xf32>
        %mul3A_82 = arith.constant 2.000000e-01 : f32
        %mul3A_83 = vector.broadcast %mul3A_82 : f32 to vector<16xf32>
        %mul3A_84 = arith.mulf %add3A_81, %mul3A_83 : vector<16xf32>
        %max3A = arith.maximumf %add3A_81, %mul3A_84 : vector<16xf32>
        %exp3A = math.exp %max3A : vector<16xf32>
        %swap3A = arith.index_cast %scan3A_72 : i32 to index
        %swap3A_85 = arith.constant 64 : index
        %swap3A_86 = tpu.vector_load %arg13[%swap3A, %swap3A_85] {strides = array<i32>} : memref<96x80xf32, #tpu.memory_space<vmem>>, vector<1x16xf32>,
        %swap3A_87 = vector.shape_cast %swap3A_86 : vector<1x16xf32> to vector<16xf32>
        %swap3A_88 = vector.shape_cast %exp3A : vector<16xf32> to vector<1x16xf32>
        tpu.vector_store %arg13[%swap3A, %swap3A_85], %swap3A_88 {strides = array<i32>} : memref<96x80xf32, #tpu.memory_space<vmem>>, vector<1x16xf32>,
        %slice3A = vector.extract_strided_slice %exp3A {offsets = [0], sizes = [1], strides = [1]} : vector<16xf32> to vector<1xf32>
        %squeeze3A = vector.extract %slice3A[0] : f32 from vector<1xf32>
        %get3A_89 = arith.index_cast %scan3A_72 : i32 to index
        %get3A_90 = arith.constant 0 : index
        %get3A_91 = tpu.vector_load %arg12[%get3A_89, %get3A_90] {strides = array<i32>} : memref<96x64xf32, #tpu.memory_space<vmem>>, vector<1x16xf32>,
        %get3A_92 = vector.shape_cast %get3A_91 : vector<1x16xf32> to vector<16xf32>
        %mul3A_93 = vector.broadcast %squeeze3A : f32 to vector<16xf32>
        %mul3A_94 = arith.mulf %get3A_92, %mul3A_93 : vector<16xf32>
        %swap3A_95 = arith.index_cast %scan3A_72 : i32 to index
        %swap3A_96 = arith.constant 0 : index
        %swap3A_97 = tpu.vector_load %arg13[%swap3A_95, %swap3A_96] {strides = array<i32>} : memref<96x80xf32, #tpu.memory_space<vmem>>, vector<1x16xf32>,
        %swap3A_98 = vector.shape_cast %swap3A_97 : vector<1x16xf32> to vector<16xf32>
        %swap3A_99 = vector.shape_cast %mul3A_94 : vector<16xf32> to vector<1x16xf32>
        tpu.vector_store %arg13[%swap3A_95, %swap3A_96], %swap3A_99 {strides = array<i32>} : memref<96x80xf32, #tpu.memory_space<vmem>>, vector<1x16xf32>,
        %slice3A_100 = vector.extract_strided_slice %exp3A {offsets = [0], sizes = [1], strides = [1]} : vector<16xf32> to vector<1xf32>
        %squeeze3A_101 = vector.extract %slice3A_100[0] : f32 from vector<1xf32>
        %get3A_102 = arith.index_cast %scan3A_72 : i32 to index
        %get3A_103 = arith.constant 16 : index
        %get3A_104 = tpu.vector_load %arg12[%get3A_102, %get3A_103] {strides = array<i32>} : memref<96x64xf32, #tpu.memory_space<vmem>>, vector<1x16xf32>,
        %get3A_105 = vector.shape_cast %get3A_104 : vector<1x16xf32> to vector<16xf32>
        %mul3A_106 = vector.broadcast %squeeze3A_101 : f32 to vector<16xf32>
        %mul3A_107 = arith.mulf %get3A_105, %mul3A_106 : vector<16xf32>
        %swap3A_108 = arith.index_cast %scan3A_72 : i32 to index
        %swap3A_109 = arith.constant 16 : index
        %swap3A_110 = tpu.vector_load %arg13[%swap3A_108, %swap3A_109] {strides = array<i32>} : memref<96x80xf32, #tpu.memory_space<vmem>>, vector<1x16xf32>,
        %swap3A_111 = vector.shape_cast %swap3A_110 : vector<1x16xf32> to vector<16xf32>
        %swap3A_112 = vector.shape_cast %mul3A_107 : vector<16xf32> to vector<1x16xf32>
        tpu.vector_store %arg13[%swap3A_108, %swap3A_109], %swap3A_112 {strides = array<i32>} : memref<96x80xf32, #tpu.memory_space<vmem>>, vector<1x16xf32>,
        %slice3A_113 = vector.extract_strided_slice %exp3A {offsets = [0], sizes = [1], strides = [1]} : vector<16xf32> to vector<1xf32>
        %squeeze3A_114 = vector.extract %slice3A_113[0] : f32 from vector<1xf32>
        %get3A_115 = arith.index_cast %scan3A_72 : i32 to index
        %get3A_116 = arith.constant 32 : index
        %get3A_117 = tpu.vector_load %arg12[%get3A_115, %get3A_116] {strides = array<i32>} : memref<96x64xf32, #tpu.memory_space<vmem>>, vector<1x16xf32>,
        %get3A_118 = vector.shape_cast %get3A_117 : vector<1x16xf32> to vector<16xf32>
        %mul3A_119 = vector.broadcast %squeeze3A_114 : f32 to vector<16xf32>
        %mul3A_120 = arith.mulf %get3A_118, %mul3A_119 : vector<16xf32>
        %swap3A_121 = arith.index_cast %scan3A_72 : i32 to index
        %swap3A_122 = arith.constant 32 : index
        %swap3A_123 = tpu.vector_load %arg13[%swap3A_121, %swap3A_122] {strides = array<i32>} : memref<96x80xf32, #tpu.memory_space<vmem>>, vector<1x16xf32>,
        %swap3A_124 = vector.shape_cast %swap3A_123 : vector<1x16xf32> to vector<16xf32>
        %swap3A_125 = vector.shape_cast %mul3A_120 : vector<16xf32> to vector<1x16xf32>
        tpu.vector_store %arg13[%swap3A_121, %swap3A_122], %swap3A_125 {strides = array<i32>} : memref<96x80xf32, #tpu.memory_space<vmem>>, vector<1x16xf32>,
        %slice3A_126 = vector.extract_strided_slice %exp3A {offsets = [0], sizes = [1], strides = [1]} : vector<16xf32> to vector<1xf32>
        %squeeze3A_127 = vector.extract %slice3A_126[0] : f32 from vector<1xf32>
        %get3A_128 = arith.index_cast %scan3A_72 : i32 to index
        %get3A_129 = arith.constant 48 : index
        %get3A_130 = tpu.vector_load %arg12[%get3A_128, %get3A_129] {strides = array<i32>} : memref<96x64xf32, #tpu.memory_space<vmem>>, vector<1x16xf32>,
        %get3A_131 = vector.shape_cast %get3A_130 : vector<1x16xf32> to vector<16xf32>
        %mul3A_132 = vector.broadcast %squeeze3A_127 : f32 to vector<16xf32>
        %mul3A_133 = arith.mulf %get3A_131, %mul3A_132 : vector<16xf32>
        %swap3A_134 = arith.index_cast %scan3A_72 : i32 to index
        %swap3A_135 = arith.constant 48 : index
        %swap3A_136 = tpu.vector_load %arg13[%swap3A_134, %swap3A_135] {strides = array<i32>} : memref<96x80xf32, #tpu.memory_space<vmem>>, vector<1x16xf32>,
        %swap3A_137 = vector.shape_cast %swap3A_136 : vector<1x16xf32> to vector<16xf32>
        %swap3A_138 = vector.shape_cast %mul3A_133 : vector<16xf32> to vector<1x16xf32>
        tpu.vector_store %arg13[%swap3A_134, %swap3A_135], %swap3A_138 {strides = array<i32>} : memref<96x80xf32, #tpu.memory_space<vmem>>, vector<1x16xf32>,
        %scan3A_139 = arith.constant 0 : i32
        scf.yield %scan3A_139 : i32
      }
      %scan3A_64 = arith.constant 96 : i32
      %dma_start3A_65 = arith.constant 0 : i32
      %dma_start3A_66 = arith.constant 0 : i32
      %dma_start3A_67 = tpu.memref_slice %arg14[%dma_start3A_65, %dma_start3A_66] : memref<10240x80xf32, #tpu.memory_space<vmem_shared>> -> memref<10240x80xf32, #tpu.memory_space<vmem_shared>>
      tpu.enqueue_indirect_dma source(%arg13 : memref<96x80xf32, #tpu.memory_space<vmem>>) target(%dma_start3A_67 : memref<10240x80xf32, #tpu.memory_space<vmem_shared>>) offsets(%arg9 : memref<96xi32, #tpu.memory_space<vmem>>) semaphore(%arg15 : memref<!tpu.dma_semaphore, #tpu.memory_space<semaphore_mem>>) {add = true}
      %dma_wait3A_68 = arith.constant 0 : i32
      %dma_wait3A_69 = arith.constant 0 : i32
      %dma_wait3A_70 = tpu.memref_slice %arg14[%dma_wait3A_68, %dma_wait3A_69] : memref<10240x80xf32, #tpu.memory_space<vmem_shared>> -> memref<10240x80xf32, #tpu.memory_space<vmem_shared>>
      tpu.wait_indirect_dma semaphore(%arg15 : memref<!tpu.dma_semaphore, #tpu.memory_space<semaphore_mem>>) src(%arg13 : memref<96x80xf32, #tpu.memory_space<vmem>>) dst(%dma_wait3A_70 : memref<10240x80xf32, #tpu.memory_space<vmem_shared>>)
      %scan3A_71 = arith.constant 0 : i32
      scf.yield %scan3A_71 : i32
    }
    %scan3A_32 = arith.constant 108 : i32
    %barrier3A_33 = arith.constant 0 : index
    tpu.barrier barrier_id(%barrier3A_33)
    %mul3A_34 = arith.constant 10240 : i32
    %mul3A_35 = arith.muli %arg0, %mul3A_34 : i32
    %add3A_36 = arith.addi %mul3A_35, %mul3A_7 : i32
    "tpu.region"() ({
      %run_scoped3A = tpu.sem_alloc : memref<!tpu.dma_semaphore, #tpu.memory_space<semaphore_mem>>
      %dma_start3A = arith.constant 0 : i32
      %dma_start3A_37 = tpu.memref_slice %arg7[%add3A_36, %dma_start3A] : memref<20480x80xf32, #tpu.memory_space<hbm>> -> memref<640x80xf32, #tpu.memory_space<hbm>>
      %dma_start3A_38 = arith.constant 0 : i32
      %dma_start3A_39 = tpu.memref_slice %arg14[%mul3A_7, %dma_start3A_38] : memref<10240x80xf32, #tpu.memory_space<vmem_shared>> -> memref<640x80xf32, #tpu.memory_space<vmem_shared>>
      tpu.enqueue_dma source(%dma_start3A_39 : memref<640x80xf32, #tpu.memory_space<vmem_shared>>) target(%dma_start3A_37 : memref<640x80xf32, #tpu.memory_space<hbm>>) target_semaphore(%run_scoped3A : memref<!tpu.dma_semaphore, #tpu.memory_space<semaphore_mem>>)
      %dma_wait3A = arith.constant 0 : i32
      %dma_wait3A_40 = tpu.memref_slice %arg7[%add3A_36, %dma_wait3A] : memref<20480x80xf32, #tpu.memory_space<hbm>> -> memref<640x80xf32, #tpu.memory_space<hbm>>
      %dma_wait3A_41 = arith.constant 0 : i32
      %dma_wait3A_42 = tpu.memref_slice %arg14[%mul3A_7, %dma_wait3A_41] : memref<10240x80xf32, #tpu.memory_space<vmem_shared>> -> memref<640x80xf32, #tpu.memory_space<vmem_shared>>
      tpu.wait_dma2 semaphore(%run_scoped3A : memref<!tpu.dma_semaphore, #tpu.memory_space<semaphore_mem>>) src(%dma_wait3A_42 : memref<640x80xf32, #tpu.memory_space<vmem_shared>>) dst(%dma_wait3A_40 : memref<640x80xf32, #tpu.memory_space<hbm>>)
      tpu.yield
    }) : () -> ()
    return
  }
}

module attributes {stable_mosaic.version = 14 : i64} {
  func.func @body(%arg0: i32, %arg1: memref<512x128xf32, #tpu.memory_space<vmem>>, %arg2: memref<128x256xf32, #tpu.memory_space<vmem>>, %arg3: memref<256x16xf32, #tpu.memory_space<vmem>>, %arg4: memref<256x16xf32, #tpu.memory_space<vmem>>, %arg5: memref<512x128xf32, #tpu.memory_space<vmem>>, %arg6: memref<512x128xf32, #tpu.memory_space<vmem>>, %arg7: memref<512x16xf32, #tpu.memory_space<vmem>>, %arg8: memref<512x16xf32, #tpu.memory_space<vmem>>) attributes {dimension_semantics = [#tpu.dimension_semantics<arbitrary>], iteration_bounds = array<i64: 20>, scalar_prefetch = 0 : i64, scratch_operands = 0 : i64, tpu.core_type = #tpu.core_type<tc>, window_params = [{transform_indices = @transform_0, window_bounds = array<i64: 512, 128>}, {pipeline_mode = #tpu.pipeline_mode<synchronous>, transform_indices = @transform_1, window_bounds = array<i64: 128, 256>}, {pipeline_mode = #tpu.pipeline_mode<synchronous>, transform_indices = @transform_2, window_bounds = array<i64: 256, 16>}, {pipeline_mode = #tpu.pipeline_mode<synchronous>, transform_indices = @transform_3, window_bounds = array<i64: 256, 16>}, {transform_indices = @transform_4, window_bounds = array<i64: 512, 128>}, {transform_indices = @transform_5, window_bounds = array<i64: 512, 128>}, {transform_indices = @transform_6, window_bounds = array<i64: 512, 16>}, {transform_indices = @transform_7, window_bounds = array<i64: 512, 16>}]} {
    %get3A = arith.constant 0 : index
    %get3A_0 = arith.constant 0 : index
    %get3A_1 = vector.load %arg1[%get3A, %get3A_0] : memref<512x128xf32, #tpu.memory_space<vmem>>, vector<512x128xf32>
    %get3A_2 = arith.constant 0 : index
    %get3A_3 = arith.constant 0 : index
    %get3A_4 = vector.load %arg2[%get3A_2, %get3A_3] : memref<128x256xf32, #tpu.memory_space<vmem>>, vector<128x256xf32>
    %dot_general3A = arith.constant dense<0.000000e+00> : vector<512x256xf32>
    %dot_general3A_5 = tpu.matmul %get3A_1, %get3A_4, %dot_general3A {dimension_numbers = #tpu.dot_dimension_numbers<[1], [0], [0], [1], [0, 0, 1, 1], [], []>, transpose_lhs_hint = false} : vector<512x128xf32>, vector<128x256xf32>, vector<512x256xf32> -> vector<512x256xf32>
    %slice3A = vector.extract_strided_slice %dot_general3A_5 {offsets = [0, 0], sizes = [512, 128], strides = [1, 1]} : vector<512x256xf32> to vector<512x128xf32>
    %swap3A = arith.constant 0 : index
    %swap3A_6 = arith.constant 0 : index
    %swap3A_7 = vector.load %arg5[%swap3A, %swap3A_6] : memref<512x128xf32, #tpu.memory_space<vmem>>, vector<512x128xf32>
    tpu.vector_store %arg5[%swap3A, %swap3A_6], %slice3A {strides = array<i32>} : memref<512x128xf32, #tpu.memory_space<vmem>>, vector<512x128xf32>,
    %slice3A_8 = vector.extract_strided_slice %dot_general3A_5 {offsets = [0, 128], sizes = [512, 128], strides = [1, 1]} : vector<512x256xf32> to vector<512x128xf32>
    %swap3A_9 = arith.constant 0 : index
    %swap3A_10 = arith.constant 0 : index
    %swap3A_11 = vector.load %arg6[%swap3A_9, %swap3A_10] : memref<512x128xf32, #tpu.memory_space<vmem>>, vector<512x128xf32>
    tpu.vector_store %arg6[%swap3A_9, %swap3A_10], %slice3A_8 {strides = array<i32>} : memref<512x128xf32, #tpu.memory_space<vmem>>, vector<512x128xf32>,
    %get3A_12 = arith.constant 0 : index
    %get3A_13 = arith.constant 0 : index
    %get3A_14 = vector.load %arg3[%get3A_12, %get3A_13] : memref<256x16xf32, #tpu.memory_space<vmem>>, vector<256x16xf32>
    %dot_general3A_15 = arith.constant dense<0.000000e+00> : vector<512x16xf32>
    %dot_general3A_16 = tpu.matmul %dot_general3A_5, %get3A_14, %dot_general3A_15 {dimension_numbers = #tpu.dot_dimension_numbers<[1], [0], [0], [1], [0, 0, 1, 1], [], []>, transpose_lhs_hint = false} : vector<512x256xf32>, vector<256x16xf32>, vector<512x16xf32> -> vector<512x16xf32>
    %swap3A_17 = arith.constant 0 : index
    %swap3A_18 = arith.constant 0 : index
    %swap3A_19 = vector.load %arg7[%swap3A_17, %swap3A_18] : memref<512x16xf32, #tpu.memory_space<vmem>>, vector<512x16xf32>
    tpu.vector_store %arg7[%swap3A_17, %swap3A_18], %dot_general3A_16 {strides = array<i32>} : memref<512x16xf32, #tpu.memory_space<vmem>>, vector<512x16xf32>,
    %get3A_20 = arith.constant 0 : index
    %get3A_21 = arith.constant 0 : index
    %get3A_22 = vector.load %arg4[%get3A_20, %get3A_21] : memref<256x16xf32, #tpu.memory_space<vmem>>, vector<256x16xf32>
    %dot_general3A_23 = arith.constant dense<0.000000e+00> : vector<512x16xf32>
    %dot_general3A_24 = tpu.matmul %dot_general3A_5, %get3A_22, %dot_general3A_23 {dimension_numbers = #tpu.dot_dimension_numbers<[1], [0], [0], [1], [0, 0, 1, 1], [], []>, transpose_lhs_hint = false} : vector<512x256xf32>, vector<256x16xf32>, vector<512x16xf32> -> vector<512x16xf32>
    %swap3A_25 = arith.constant 0 : index
    %swap3A_26 = arith.constant 0 : index
    %swap3A_27 = vector.load %arg8[%swap3A_25, %swap3A_26] : memref<512x16xf32, #tpu.memory_space<vmem>>, vector<512x16xf32>
    tpu.vector_store %arg8[%swap3A_25, %swap3A_26], %dot_general3A_24 {strides = array<i32>} : memref<512x16xf32, #tpu.memory_space<vmem>>, vector<512x16xf32>,
    return
  }
  func.func @transform_0(%arg0: i32) -> (i32, i32) {
    %c0_i32 = arith.constant 0 : i32
    %c0_i32_0 = arith.constant 0 : i32
    return %arg0, %c0_i32 : i32, i32
  }
  func.func @transform_1(%arg0: i32) -> (i32, i32) {
    %c0_i32 = arith.constant 0 : i32
    %c0_i32_0 = arith.constant 0 : i32
    %c0_i32_1 = arith.constant 0 : i32
    return %c0_i32, %c0_i32_0 : i32, i32
  }
  func.func @transform_2(%arg0: i32) -> (i32, i32) {
    %c0_i32 = arith.constant 0 : i32
    %c0_i32_0 = arith.constant 0 : i32
    %c0_i32_1 = arith.constant 0 : i32
    return %c0_i32, %c0_i32_0 : i32, i32
  }
  func.func @transform_3(%arg0: i32) -> (i32, i32) {
    %c0_i32 = arith.constant 0 : i32
    %c0_i32_0 = arith.constant 0 : i32
    %c0_i32_1 = arith.constant 0 : i32
    return %c0_i32, %c0_i32_0 : i32, i32
  }
  func.func @transform_4(%arg0: i32) -> (i32, i32) {
    %c0_i32 = arith.constant 0 : i32
    %c0_i32_0 = arith.constant 0 : i32
    return %arg0, %c0_i32 : i32, i32
  }
  func.func @transform_5(%arg0: i32) -> (i32, i32) {
    %c0_i32 = arith.constant 0 : i32
    %c0_i32_0 = arith.constant 0 : i32
    return %arg0, %c0_i32 : i32, i32
  }
  func.func @transform_6(%arg0: i32) -> (i32, i32) {
    %c0_i32 = arith.constant 0 : i32
    %c0_i32_0 = arith.constant 0 : i32
    return %arg0, %c0_i32 : i32, i32
  }
  func.func @transform_7(%arg0: i32) -> (i32, i32) {
    %c0_i32 = arith.constant 0 : i32
    %c0_i32_0 = arith.constant 0 : i32
    return %arg0, %c0_i32 : i32, i32
  }
}

module attributes {stable_mosaic.version = 14 : i64} {
  func.func @body(%arg0: i32, %arg1: memref<512x128xf32, #tpu.memory_space<vmem>>, %arg2: memref<512x128xf32, #tpu.memory_space<vmem>>, %arg3: memref<512x16xf32, #tpu.memory_space<vmem>>, %arg4: memref<8x256xf32, #tpu.memory_space<vmem>>, %arg5: memref<256x256xf32, #tpu.memory_space<vmem>>, %arg6: memref<256x16xf32, #tpu.memory_space<vmem>>, %arg7: memref<256x16xf32, #tpu.memory_space<vmem>>, %arg8: memref<512x128xf32, #tpu.memory_space<vmem>>, %arg9: memref<512x128xf32, #tpu.memory_space<vmem>>, %arg10: memref<512x16xf32, #tpu.memory_space<vmem>>, %arg11: memref<512x16xf32, #tpu.memory_space<vmem>>) attributes {dimension_semantics = [#tpu.dimension_semantics<arbitrary>], iteration_bounds = array<i64: 20>, scalar_prefetch = 0 : i64, scratch_operands = 0 : i64, tpu.core_type = #tpu.core_type<tc>, window_params = [{transform_indices = @transform_0, window_bounds = array<i64: 512, 128>}, {transform_indices = @transform_1, window_bounds = array<i64: 512, 128>}, {transform_indices = @transform_2, window_bounds = array<i64: 512, 16>}, {pipeline_mode = #tpu.pipeline_mode<synchronous>, transform_indices = @transform_3, window_bounds = array<i64: 8, 256>}, {pipeline_mode = #tpu.pipeline_mode<synchronous>, transform_indices = @transform_4, window_bounds = array<i64: 256, 256>}, {pipeline_mode = #tpu.pipeline_mode<synchronous>, transform_indices = @transform_5, window_bounds = array<i64: 256, 16>}, {pipeline_mode = #tpu.pipeline_mode<synchronous>, transform_indices = @transform_6, window_bounds = array<i64: 256, 16>}, {transform_indices = @transform_7, window_bounds = array<i64: 512, 128>}, {transform_indices = @transform_8, window_bounds = array<i64: 512, 128>}, {transform_indices = @transform_9, window_bounds = array<i64: 512, 16>}, {transform_indices = @transform_10, window_bounds = array<i64: 512, 16>}]} {
    %get3A = arith.constant 0 : index
    %get3A_0 = arith.constant 0 : index
    %get3A_1 = vector.load %arg3[%get3A, %get3A_0] : memref<512x16xf32, #tpu.memory_space<vmem>>, vector<512x16xf32>
    %slice3A = vector.extract_strided_slice %get3A_1 {offsets = [0, 0], sizes = [512, 1], strides = [1, 1]} : vector<512x16xf32> to vector<512x1xf32>
    %broadcast_in_dim3A = vector.shape_cast %slice3A : vector<512x1xf32> to vector<512x1xf32>
    %broadcast_in_dim3A_2 = vector.broadcast %broadcast_in_dim3A : vector<512x1xf32> to vector<512x64xf32>
    %slice3A_3 = vector.extract_strided_slice %get3A_1 {offsets = [0, 1], sizes = [512, 1], strides = [1, 1]} : vector<512x16xf32> to vector<512x1xf32>
    %broadcast_in_dim3A_4 = vector.shape_cast %slice3A_3 : vector<512x1xf32> to vector<512x1xf32>
    %broadcast_in_dim3A_5 = vector.broadcast %broadcast_in_dim3A_4 : vector<512x1xf32> to vector<512x64xf32>
    %concatenate3A = tpu.concatenate %broadcast_in_dim3A_2, %broadcast_in_dim3A_5 in 1 : vector<512x64xf32>, vector<512x64xf32> -> vector<512x128xf32>
    %slice3A_6 = vector.extract_strided_slice %get3A_1 {offsets = [0, 2], sizes = [512, 1], strides = [1, 1]} : vector<512x16xf32> to vector<512x1xf32>
    %broadcast_in_dim3A_7 = vector.shape_cast %slice3A_6 : vector<512x1xf32> to vector<512x1xf32>
    %broadcast_in_dim3A_8 = vector.broadcast %broadcast_in_dim3A_7 : vector<512x1xf32> to vector<512x64xf32>
    %slice3A_9 = vector.extract_strided_slice %get3A_1 {offsets = [0, 3], sizes = [512, 1], strides = [1, 1]} : vector<512x16xf32> to vector<512x1xf32>
    %broadcast_in_dim3A_10 = vector.shape_cast %slice3A_9 : vector<512x1xf32> to vector<512x1xf32>
    %broadcast_in_dim3A_11 = vector.broadcast %broadcast_in_dim3A_10 : vector<512x1xf32> to vector<512x64xf32>
    %concatenate3A_12 = tpu.concatenate %broadcast_in_dim3A_8, %broadcast_in_dim3A_11 in 1 : vector<512x64xf32>, vector<512x64xf32> -> vector<512x128xf32>
    %get3A_13 = arith.constant 0 : index
    %get3A_14 = arith.constant 0 : index
    %get3A_15 = vector.load %arg4[%get3A_13, %get3A_14] : memref<8x256xf32, #tpu.memory_space<vmem>>, vector<8x256xf32>
    %get3A_16 = arith.constant 0 : index
    %get3A_17 = arith.constant 0 : index
    %get3A_18 = vector.load %arg1[%get3A_16, %get3A_17] : memref<512x128xf32, #tpu.memory_space<vmem>>, vector<512x128xf32>
    %add3A = arith.constant 1.000000e-16 : f32
    %add3A_19 = vector.broadcast %add3A : f32 to vector<512x128xf32>
    %add3A_20 = arith.addf %concatenate3A, %add3A_19 : vector<512x128xf32>
    %div3A = arith.divf %get3A_18, %add3A_20 : vector<512x128xf32>
    %slice3A_21 = vector.extract_strided_slice %get3A_15 {offsets = [0, 0], sizes = [1, 128], strides = [1, 1]} : vector<8x256xf32> to vector<1x128xf32>
    %add3A_22 = vector.broadcast %slice3A_21 : vector<1x128xf32> to vector<512x128xf32>
    %add3A_23 = arith.addf %div3A, %add3A_22 : vector<512x128xf32>
    %gt3A = arith.constant 0.000000e+00 : f32
    %gt3A_24 = vector.broadcast %gt3A : f32 to vector<512x128xf32>
    %gt3A_25 = arith.cmpf ogt, %add3A_23, %gt3A_24 : vector<512x128xf32>
    %exp3A = math.exp %add3A_23 : vector<512x128xf32>
    %sub3A = arith.constant 1.000000e+00 : f32
    %sub3A_26 = vector.broadcast %sub3A : f32 to vector<512x128xf32>
    %sub3A_27 = arith.subf %exp3A, %sub3A_26 : vector<512x128xf32>
    %select_n3A = arith.select %gt3A_25, %add3A_23, %sub3A_27 : vector<512x128xi1>, vector<512x128xf32>
    %get3A_28 = arith.constant 0 : index
    %get3A_29 = arith.constant 0 : index
    %get3A_30 = vector.load %arg2[%get3A_28, %get3A_29] : memref<512x128xf32, #tpu.memory_space<vmem>>, vector<512x128xf32>
    %add3A_31 = arith.constant 1.000000e-16 : f32
    %add3A_32 = vector.broadcast %add3A_31 : f32 to vector<512x128xf32>
    %add3A_33 = arith.addf %concatenate3A_12, %add3A_32 : vector<512x128xf32>
    %div3A_34 = arith.divf %get3A_30, %add3A_33 : vector<512x128xf32>
    %slice3A_35 = vector.extract_strided_slice %get3A_15 {offsets = [0, 128], sizes = [1, 128], strides = [1, 1]} : vector<8x256xf32> to vector<1x128xf32>
    %add3A_36 = vector.broadcast %slice3A_35 : vector<1x128xf32> to vector<512x128xf32>
    %add3A_37 = arith.addf %div3A_34, %add3A_36 : vector<512x128xf32>
    %gt3A_38 = arith.constant 0.000000e+00 : f32
    %gt3A_39 = vector.broadcast %gt3A_38 : f32 to vector<512x128xf32>
    %gt3A_40 = arith.cmpf ogt, %add3A_37, %gt3A_39 : vector<512x128xf32>
    %exp3A_41 = math.exp %add3A_37 : vector<512x128xf32>
    %sub3A_42 = arith.constant 1.000000e+00 : f32
    %sub3A_43 = vector.broadcast %sub3A_42 : f32 to vector<512x128xf32>
    %sub3A_44 = arith.subf %exp3A_41, %sub3A_43 : vector<512x128xf32>
    %select_n3A_45 = arith.select %gt3A_40, %add3A_37, %sub3A_44 : vector<512x128xi1>, vector<512x128xf32>
    %concatenate3A_46 = tpu.concatenate %select_n3A, %select_n3A_45 in 1 : vector<512x128xf32>, vector<512x128xf32> -> vector<512x256xf32>
    %get3A_47 = arith.constant 0 : index
    %get3A_48 = arith.constant 0 : index
    %get3A_49 = vector.load %arg5[%get3A_47, %get3A_48] : memref<256x256xf32, #tpu.memory_space<vmem>>, vector<256x256xf32>
    %dot_general3A = arith.constant dense<0.000000e+00> : vector<512x256xf32>
    %dot_general3A_50 = tpu.matmul %concatenate3A_46, %get3A_49, %dot_general3A {dimension_numbers = #tpu.dot_dimension_numbers<[1], [0], [0], [1], [0, 0, 1, 1], [], []>, transpose_lhs_hint = false} : vector<512x256xf32>, vector<256x256xf32>, vector<512x256xf32> -> vector<512x256xf32>
    %slice3A_51 = vector.extract_strided_slice %dot_general3A_50 {offsets = [0, 0], sizes = [512, 128], strides = [1, 1]} : vector<512x256xf32> to vector<512x128xf32>
    %swap3A = arith.constant 0 : index
    %swap3A_52 = arith.constant 0 : index
    %swap3A_53 = vector.load %arg8[%swap3A, %swap3A_52] : memref<512x128xf32, #tpu.memory_space<vmem>>, vector<512x128xf32>
    tpu.vector_store %arg8[%swap3A, %swap3A_52], %slice3A_51 {strides = array<i32>} : memref<512x128xf32, #tpu.memory_space<vmem>>, vector<512x128xf32>,
    %slice3A_54 = vector.extract_strided_slice %dot_general3A_50 {offsets = [0, 128], sizes = [512, 128], strides = [1, 1]} : vector<512x256xf32> to vector<512x128xf32>
    %swap3A_55 = arith.constant 0 : index
    %swap3A_56 = arith.constant 0 : index
    %swap3A_57 = vector.load %arg9[%swap3A_55, %swap3A_56] : memref<512x128xf32, #tpu.memory_space<vmem>>, vector<512x128xf32>
    tpu.vector_store %arg9[%swap3A_55, %swap3A_56], %slice3A_54 {strides = array<i32>} : memref<512x128xf32, #tpu.memory_space<vmem>>, vector<512x128xf32>,
    %get3A_58 = arith.constant 0 : index
    %get3A_59 = arith.constant 0 : index
    %get3A_60 = vector.load %arg6[%get3A_58, %get3A_59] : memref<256x16xf32, #tpu.memory_space<vmem>>, vector<256x16xf32>
    %dot_general3A_61 = arith.constant dense<0.000000e+00> : vector<512x16xf32>
    %dot_general3A_62 = tpu.matmul %dot_general3A_50, %get3A_60, %dot_general3A_61 {dimension_numbers = #tpu.dot_dimension_numbers<[1], [0], [0], [1], [0, 0, 1, 1], [], []>, transpose_lhs_hint = false} : vector<512x256xf32>, vector<256x16xf32>, vector<512x16xf32> -> vector<512x16xf32>
    %swap3A_63 = arith.constant 0 : index
    %swap3A_64 = arith.constant 0 : index
    %swap3A_65 = vector.load %arg10[%swap3A_63, %swap3A_64] : memref<512x16xf32, #tpu.memory_space<vmem>>, vector<512x16xf32>
    tpu.vector_store %arg10[%swap3A_63, %swap3A_64], %dot_general3A_62 {strides = array<i32>} : memref<512x16xf32, #tpu.memory_space<vmem>>, vector<512x16xf32>,
    %get3A_66 = arith.constant 0 : index
    %get3A_67 = arith.constant 0 : index
    %get3A_68 = vector.load %arg7[%get3A_66, %get3A_67] : memref<256x16xf32, #tpu.memory_space<vmem>>, vector<256x16xf32>
    %dot_general3A_69 = arith.constant dense<0.000000e+00> : vector<512x16xf32>
    %dot_general3A_70 = tpu.matmul %dot_general3A_50, %get3A_68, %dot_general3A_69 {dimension_numbers = #tpu.dot_dimension_numbers<[1], [0], [0], [1], [0, 0, 1, 1], [], []>, transpose_lhs_hint = false} : vector<512x256xf32>, vector<256x16xf32>, vector<512x16xf32> -> vector<512x16xf32>
    %swap3A_71 = arith.constant 0 : index
    %swap3A_72 = arith.constant 0 : index
    %swap3A_73 = vector.load %arg11[%swap3A_71, %swap3A_72] : memref<512x16xf32, #tpu.memory_space<vmem>>, vector<512x16xf32>
    tpu.vector_store %arg11[%swap3A_71, %swap3A_72], %dot_general3A_70 {strides = array<i32>} : memref<512x16xf32, #tpu.memory_space<vmem>>, vector<512x16xf32>,
    return
  }
  func.func @transform_0(%arg0: i32) -> (i32, i32) {
    %c0_i32 = arith.constant 0 : i32
    %c0_i32_0 = arith.constant 0 : i32
    return %arg0, %c0_i32 : i32, i32
  }
  func.func @transform_1(%arg0: i32) -> (i32, i32) {
    %c0_i32 = arith.constant 0 : i32
    %c0_i32_0 = arith.constant 0 : i32
    return %arg0, %c0_i32 : i32, i32
  }
  func.func @transform_2(%arg0: i32) -> (i32, i32) {
    %c0_i32 = arith.constant 0 : i32
    %c0_i32_0 = arith.constant 0 : i32
    return %arg0, %c0_i32 : i32, i32
  }
  func.func @transform_3(%arg0: i32) -> (i32, i32) {
    %c0_i32 = arith.constant 0 : i32
    %c0_i32_0 = arith.constant 0 : i32
    %c0_i32_1 = arith.constant 0 : i32
    return %c0_i32, %c0_i32_0 : i32, i32
  }
  func.func @transform_4(%arg0: i32) -> (i32, i32) {
    %c0_i32 = arith.constant 0 : i32
    %c0_i32_0 = arith.constant 0 : i32
    %c0_i32_1 = arith.constant 0 : i32
    return %c0_i32, %c0_i32_0 : i32, i32
  }
  func.func @transform_5(%arg0: i32) -> (i32, i32) {
    %c0_i32 = arith.constant 0 : i32
    %c0_i32_0 = arith.constant 0 : i32
    %c0_i32_1 = arith.constant 0 : i32
    return %c0_i32, %c0_i32_0 : i32, i32
  }
  func.func @transform_6(%arg0: i32) -> (i32, i32) {
    %c0_i32 = arith.constant 0 : i32
    %c0_i32_0 = arith.constant 0 : i32
    %c0_i32_1 = arith.constant 0 : i32
    return %c0_i32, %c0_i32_0 : i32, i32
  }
  func.func @transform_7(%arg0: i32) -> (i32, i32) {
    %c0_i32 = arith.constant 0 : i32
    %c0_i32_0 = arith.constant 0 : i32
    return %arg0, %c0_i32 : i32, i32
  }
  func.func @transform_8(%arg0: i32) -> (i32, i32) {
    %c0_i32 = arith.constant 0 : i32
    %c0_i32_0 = arith.constant 0 : i32
    return %arg0, %c0_i32 : i32, i32
  }
  func.func @transform_9(%arg0: i32) -> (i32, i32) {
    %c0_i32 = arith.constant 0 : i32
    %c0_i32_0 = arith.constant 0 : i32
    return %arg0, %c0_i32 : i32, i32
  }
  func.func @transform_10(%arg0: i32) -> (i32, i32) {
    %c0_i32 = arith.constant 0 : i32
    %c0_i32_0 = arith.constant 0 : i32
    return %arg0, %c0_i32 : i32, i32
  }
}

module attributes {stable_mosaic.version = 14 : i64} {
  func.func @body(%arg0: i32, %arg1: memref<512x128xf32, #tpu.memory_space<vmem>>, %arg2: memref<512x128xf32, #tpu.memory_space<vmem>>, %arg3: memref<512x16xf32, #tpu.memory_space<vmem>>, %arg4: memref<8x256xf32, #tpu.memory_space<vmem>>, %arg5: memref<256x64xf32, #tpu.memory_space<vmem>>, %arg6: memref<64x16xf32, #tpu.memory_space<vmem>>, %arg7: memref<64x16xf32, #tpu.memory_space<vmem>>, %arg8: memref<512x64xf32, #tpu.memory_space<vmem>>, %arg9: memref<512x16xf32, #tpu.memory_space<vmem>>, %arg10: memref<512x16xf32, #tpu.memory_space<vmem>>) attributes {dimension_semantics = [#tpu.dimension_semantics<arbitrary>], iteration_bounds = array<i64: 20>, scalar_prefetch = 0 : i64, scratch_operands = 0 : i64, tpu.core_type = #tpu.core_type<tc>, window_params = [{transform_indices = @transform_0, window_bounds = array<i64: 512, 128>}, {transform_indices = @transform_1, window_bounds = array<i64: 512, 128>}, {transform_indices = @transform_2, window_bounds = array<i64: 512, 16>}, {pipeline_mode = #tpu.pipeline_mode<synchronous>, transform_indices = @transform_3, window_bounds = array<i64: 8, 256>}, {pipeline_mode = #tpu.pipeline_mode<synchronous>, transform_indices = @transform_4, window_bounds = array<i64: 256, 64>}, {pipeline_mode = #tpu.pipeline_mode<synchronous>, transform_indices = @transform_5, window_bounds = array<i64: 64, 16>}, {pipeline_mode = #tpu.pipeline_mode<synchronous>, transform_indices = @transform_6, window_bounds = array<i64: 64, 16>}, {transform_indices = @transform_7, window_bounds = array<i64: 512, 64>}, {transform_indices = @transform_8, window_bounds = array<i64: 512, 16>}, {transform_indices = @transform_9, window_bounds = array<i64: 512, 16>}]} {
    %get3A = arith.constant 0 : index
    %get3A_0 = arith.constant 0 : index
    %get3A_1 = vector.load %arg3[%get3A, %get3A_0] : memref<512x16xf32, #tpu.memory_space<vmem>>, vector<512x16xf32>
    %slice3A = vector.extract_strided_slice %get3A_1 {offsets = [0, 0], sizes = [512, 1], strides = [1, 1]} : vector<512x16xf32> to vector<512x1xf32>
    %broadcast_in_dim3A = vector.shape_cast %slice3A : vector<512x1xf32> to vector<512x1xf32>
    %broadcast_in_dim3A_2 = vector.broadcast %broadcast_in_dim3A : vector<512x1xf32> to vector<512x64xf32>
    %slice3A_3 = vector.extract_strided_slice %get3A_1 {offsets = [0, 1], sizes = [512, 1], strides = [1, 1]} : vector<512x16xf32> to vector<512x1xf32>
    %broadcast_in_dim3A_4 = vector.shape_cast %slice3A_3 : vector<512x1xf32> to vector<512x1xf32>
    %broadcast_in_dim3A_5 = vector.broadcast %broadcast_in_dim3A_4 : vector<512x1xf32> to vector<512x64xf32>
    %concatenate3A = tpu.concatenate %broadcast_in_dim3A_2, %broadcast_in_dim3A_5 in 1 : vector<512x64xf32>, vector<512x64xf32> -> vector<512x128xf32>
    %slice3A_6 = vector.extract_strided_slice %get3A_1 {offsets = [0, 2], sizes = [512, 1], strides = [1, 1]} : vector<512x16xf32> to vector<512x1xf32>
    %broadcast_in_dim3A_7 = vector.shape_cast %slice3A_6 : vector<512x1xf32> to vector<512x1xf32>
    %broadcast_in_dim3A_8 = vector.broadcast %broadcast_in_dim3A_7 : vector<512x1xf32> to vector<512x64xf32>
    %slice3A_9 = vector.extract_strided_slice %get3A_1 {offsets = [0, 3], sizes = [512, 1], strides = [1, 1]} : vector<512x16xf32> to vector<512x1xf32>
    %broadcast_in_dim3A_10 = vector.shape_cast %slice3A_9 : vector<512x1xf32> to vector<512x1xf32>
    %broadcast_in_dim3A_11 = vector.broadcast %broadcast_in_dim3A_10 : vector<512x1xf32> to vector<512x64xf32>
    %concatenate3A_12 = tpu.concatenate %broadcast_in_dim3A_8, %broadcast_in_dim3A_11 in 1 : vector<512x64xf32>, vector<512x64xf32> -> vector<512x128xf32>
    %get3A_13 = arith.constant 0 : index
    %get3A_14 = arith.constant 0 : index
    %get3A_15 = vector.load %arg4[%get3A_13, %get3A_14] : memref<8x256xf32, #tpu.memory_space<vmem>>, vector<8x256xf32>
    %get3A_16 = arith.constant 0 : index
    %get3A_17 = arith.constant 0 : index
    %get3A_18 = vector.load %arg1[%get3A_16, %get3A_17] : memref<512x128xf32, #tpu.memory_space<vmem>>, vector<512x128xf32>
    %add3A = arith.constant 1.000000e-16 : f32
    %add3A_19 = vector.broadcast %add3A : f32 to vector<512x128xf32>
    %add3A_20 = arith.addf %concatenate3A, %add3A_19 : vector<512x128xf32>
    %div3A = arith.divf %get3A_18, %add3A_20 : vector<512x128xf32>
    %slice3A_21 = vector.extract_strided_slice %get3A_15 {offsets = [0, 0], sizes = [1, 128], strides = [1, 1]} : vector<8x256xf32> to vector<1x128xf32>
    %add3A_22 = vector.broadcast %slice3A_21 : vector<1x128xf32> to vector<512x128xf32>
    %add3A_23 = arith.addf %div3A, %add3A_22 : vector<512x128xf32>
    %gt3A = arith.constant 0.000000e+00 : f32
    %gt3A_24 = vector.broadcast %gt3A : f32 to vector<512x128xf32>
    %gt3A_25 = arith.cmpf ogt, %add3A_23, %gt3A_24 : vector<512x128xf32>
    %exp3A = math.exp %add3A_23 : vector<512x128xf32>
    %sub3A = arith.constant 1.000000e+00 : f32
    %sub3A_26 = vector.broadcast %sub3A : f32 to vector<512x128xf32>
    %sub3A_27 = arith.subf %exp3A, %sub3A_26 : vector<512x128xf32>
    %select_n3A = arith.select %gt3A_25, %add3A_23, %sub3A_27 : vector<512x128xi1>, vector<512x128xf32>
    %get3A_28 = arith.constant 0 : index
    %get3A_29 = arith.constant 0 : index
    %get3A_30 = vector.load %arg2[%get3A_28, %get3A_29] : memref<512x128xf32, #tpu.memory_space<vmem>>, vector<512x128xf32>
    %add3A_31 = arith.constant 1.000000e-16 : f32
    %add3A_32 = vector.broadcast %add3A_31 : f32 to vector<512x128xf32>
    %add3A_33 = arith.addf %concatenate3A_12, %add3A_32 : vector<512x128xf32>
    %div3A_34 = arith.divf %get3A_30, %add3A_33 : vector<512x128xf32>
    %slice3A_35 = vector.extract_strided_slice %get3A_15 {offsets = [0, 128], sizes = [1, 128], strides = [1, 1]} : vector<8x256xf32> to vector<1x128xf32>
    %add3A_36 = vector.broadcast %slice3A_35 : vector<1x128xf32> to vector<512x128xf32>
    %add3A_37 = arith.addf %div3A_34, %add3A_36 : vector<512x128xf32>
    %gt3A_38 = arith.constant 0.000000e+00 : f32
    %gt3A_39 = vector.broadcast %gt3A_38 : f32 to vector<512x128xf32>
    %gt3A_40 = arith.cmpf ogt, %add3A_37, %gt3A_39 : vector<512x128xf32>
    %exp3A_41 = math.exp %add3A_37 : vector<512x128xf32>
    %sub3A_42 = arith.constant 1.000000e+00 : f32
    %sub3A_43 = vector.broadcast %sub3A_42 : f32 to vector<512x128xf32>
    %sub3A_44 = arith.subf %exp3A_41, %sub3A_43 : vector<512x128xf32>
    %select_n3A_45 = arith.select %gt3A_40, %add3A_37, %sub3A_44 : vector<512x128xi1>, vector<512x128xf32>
    %concatenate3A_46 = tpu.concatenate %select_n3A, %select_n3A_45 in 1 : vector<512x128xf32>, vector<512x128xf32> -> vector<512x256xf32>
    %get3A_47 = arith.constant 0 : index
    %get3A_48 = arith.constant 0 : index
    %get3A_49 = vector.load %arg5[%get3A_47, %get3A_48] : memref<256x64xf32, #tpu.memory_space<vmem>>, vector<256x64xf32>
    %dot_general3A = arith.constant dense<0.000000e+00> : vector<512x64xf32>
    %dot_general3A_50 = tpu.matmul %concatenate3A_46, %get3A_49, %dot_general3A {dimension_numbers = #tpu.dot_dimension_numbers<[1], [0], [0], [1], [0, 0, 1, 1], [], []>, transpose_lhs_hint = false} : vector<512x256xf32>, vector<256x64xf32>, vector<512x64xf32> -> vector<512x64xf32>
    %swap3A = arith.constant 0 : index
    %swap3A_51 = arith.constant 0 : index
    %swap3A_52 = vector.load %arg8[%swap3A, %swap3A_51] : memref<512x64xf32, #tpu.memory_space<vmem>>, vector<512x64xf32>
    tpu.vector_store %arg8[%swap3A, %swap3A_51], %dot_general3A_50 {strides = array<i32>} : memref<512x64xf32, #tpu.memory_space<vmem>>, vector<512x64xf32>,
    %get3A_53 = arith.constant 0 : index
    %get3A_54 = arith.constant 0 : index
    %get3A_55 = vector.load %arg6[%get3A_53, %get3A_54] : memref<64x16xf32, #tpu.memory_space<vmem>>, vector<64x16xf32>
    %dot_general3A_56 = arith.constant dense<0.000000e+00> : vector<512x16xf32>
    %dot_general3A_57 = tpu.matmul %dot_general3A_50, %get3A_55, %dot_general3A_56 {dimension_numbers = #tpu.dot_dimension_numbers<[1], [0], [0], [1], [0, 0, 1, 1], [], []>, transpose_lhs_hint = false} : vector<512x64xf32>, vector<64x16xf32>, vector<512x16xf32> -> vector<512x16xf32>
    %swap3A_58 = arith.constant 0 : index
    %swap3A_59 = arith.constant 0 : index
    %swap3A_60 = vector.load %arg9[%swap3A_58, %swap3A_59] : memref<512x16xf32, #tpu.memory_space<vmem>>, vector<512x16xf32>
    tpu.vector_store %arg9[%swap3A_58, %swap3A_59], %dot_general3A_57 {strides = array<i32>} : memref<512x16xf32, #tpu.memory_space<vmem>>, vector<512x16xf32>,
    %get3A_61 = arith.constant 0 : index
    %get3A_62 = arith.constant 0 : index
    %get3A_63 = vector.load %arg7[%get3A_61, %get3A_62] : memref<64x16xf32, #tpu.memory_space<vmem>>, vector<64x16xf32>
    %dot_general3A_64 = arith.constant dense<0.000000e+00> : vector<512x16xf32>
    %dot_general3A_65 = tpu.matmul %dot_general3A_50, %get3A_63, %dot_general3A_64 {dimension_numbers = #tpu.dot_dimension_numbers<[1], [0], [0], [1], [0, 0, 1, 1], [], []>, transpose_lhs_hint = false} : vector<512x64xf32>, vector<64x16xf32>, vector<512x16xf32> -> vector<512x16xf32>
    %swap3A_66 = arith.constant 0 : index
    %swap3A_67 = arith.constant 0 : index
    %swap3A_68 = vector.load %arg10[%swap3A_66, %swap3A_67] : memref<512x16xf32, #tpu.memory_space<vmem>>, vector<512x16xf32>
    tpu.vector_store %arg10[%swap3A_66, %swap3A_67], %dot_general3A_65 {strides = array<i32>} : memref<512x16xf32, #tpu.memory_space<vmem>>, vector<512x16xf32>,
    return
  }
  func.func @transform_0(%arg0: i32) -> (i32, i32) {
    %c0_i32 = arith.constant 0 : i32
    %c0_i32_0 = arith.constant 0 : i32
    return %arg0, %c0_i32 : i32, i32
  }
  func.func @transform_1(%arg0: i32) -> (i32, i32) {
    %c0_i32 = arith.constant 0 : i32
    %c0_i32_0 = arith.constant 0 : i32
    return %arg0, %c0_i32 : i32, i32
  }
  func.func @transform_2(%arg0: i32) -> (i32, i32) {
    %c0_i32 = arith.constant 0 : i32
    %c0_i32_0 = arith.constant 0 : i32
    return %arg0, %c0_i32 : i32, i32
  }
  func.func @transform_3(%arg0: i32) -> (i32, i32) {
    %c0_i32 = arith.constant 0 : i32
    %c0_i32_0 = arith.constant 0 : i32
    %c0_i32_1 = arith.constant 0 : i32
    return %c0_i32, %c0_i32_0 : i32, i32
  }
  func.func @transform_4(%arg0: i32) -> (i32, i32) {
    %c0_i32 = arith.constant 0 : i32
    %c0_i32_0 = arith.constant 0 : i32
    %c0_i32_1 = arith.constant 0 : i32
    return %c0_i32, %c0_i32_0 : i32, i32
  }
  func.func @transform_5(%arg0: i32) -> (i32, i32) {
    %c0_i32 = arith.constant 0 : i32
    %c0_i32_0 = arith.constant 0 : i32
    %c0_i32_1 = arith.constant 0 : i32
    return %c0_i32, %c0_i32_0 : i32, i32
  }
  func.func @transform_6(%arg0: i32) -> (i32, i32) {
    %c0_i32 = arith.constant 0 : i32
    %c0_i32_0 = arith.constant 0 : i32
    %c0_i32_1 = arith.constant 0 : i32
    return %c0_i32, %c0_i32_0 : i32, i32
  }
  func.func @transform_7(%arg0: i32) -> (i32, i32) {
    %c0_i32 = arith.constant 0 : i32
    %c0_i32_0 = arith.constant 0 : i32
    return %arg0, %c0_i32 : i32, i32
  }
  func.func @transform_8(%arg0: i32) -> (i32, i32) {
    %c0_i32 = arith.constant 0 : i32
    %c0_i32_0 = arith.constant 0 : i32
    return %arg0, %c0_i32 : i32, i32
  }
  func.func @transform_9(%arg0: i32) -> (i32, i32) {
    %c0_i32 = arith.constant 0 : i32
    %c0_i32_0 = arith.constant 0 : i32
    return %arg0, %c0_i32 : i32, i32
  }
}

module attributes {stable_mosaic.version = 14 : i64} {
  func.func @body(%arg0: i32, %arg1: memref<400x64xf32, #tpu.memory_space<vmem>>, %arg2: memref<400x64xf32, #tpu.memory_space<vmem>>, %arg3: memref<400x16xf32, #tpu.memory_space<vmem>>, %arg4: memref<400x16xf32, #tpu.memory_space<vmem>>, %arg5: memref<8x64xf32, #tpu.memory_space<vmem>>, %arg6: memref<400x128xf32, #tpu.memory_space<vmem>>, %arg7: memref<64x16xf32, #tpu.memory_space<vmem>>, %arg8: memref<8x16xf32, #tpu.memory_space<vmem>>, %arg9: memref<64x16xf32, #tpu.memory_space<vmem>>, %arg10: memref<64x64xf32, #tpu.memory_space<vmem>>, %arg11: memref<64x8xf32, #tpu.memory_space<vmem>>) attributes {dimension_semantics = [#tpu.dimension_semantics<arbitrary>], iteration_bounds = array<i64: 25>, scalar_prefetch = 0 : i64, scratch_operands = 2 : i64, tpu.core_type = #tpu.core_type<tc>, window_params = [{transform_indices = @transform_0, window_bounds = array<i64: 400, 64>}, {transform_indices = @transform_1, window_bounds = array<i64: 400, 64>}, {transform_indices = @transform_2, window_bounds = array<i64: 400, 16>}, {transform_indices = @transform_3, window_bounds = array<i64: 400, 16>}, {pipeline_mode = #tpu.pipeline_mode<synchronous>, transform_indices = @transform_4, window_bounds = array<i64: 8, 64>}, {transform_indices = @transform_5, window_bounds = array<i64: 400, 128>}, {pipeline_mode = #tpu.pipeline_mode<synchronous>, transform_indices = @transform_6, window_bounds = array<i64: 64, 16>}, {pipeline_mode = #tpu.pipeline_mode<synchronous>, transform_indices = @transform_7, window_bounds = array<i64: 8, 16>}, {pipeline_mode = #tpu.pipeline_mode<synchronous>, transform_indices = @transform_8, window_bounds = array<i64: 64, 16>}]} {
    %eq3A = arith.constant 0 : i32
    %eq3A_0 = arith.cmpi eq, %arg0, %eq3A : i32
    %convert_element_type3A = arith.extui %eq3A_0 : i1 to i32
    %cond3A = arith.constant 0 : i32
    %cond3A_1 = arith.cmpi ne, %convert_element_type3A, %cond3A : i32
    scf.if %cond3A_1 {
      %broadcast_in_dim3A_61 = arith.constant 0.000000e+00 : f32
      %broadcast_in_dim3A_62 = vector.broadcast %broadcast_in_dim3A_61 : f32 to vector<64x64xf32>
      %swap3A_63 = arith.constant 0 : index
      %swap3A_64 = arith.constant 0 : index
      %swap3A_65 = vector.load %arg10[%swap3A_63, %swap3A_64] : memref<64x64xf32, #tpu.memory_space<vmem>>, vector<64x64xf32>
      tpu.vector_store %arg10[%swap3A_63, %swap3A_64], %broadcast_in_dim3A_62 {strides = array<i32>} : memref<64x64xf32, #tpu.memory_space<vmem>>, vector<64x64xf32>,
      %broadcast_in_dim3A_66 = arith.constant 0.000000e+00 : f32
      %broadcast_in_dim3A_67 = vector.broadcast %broadcast_in_dim3A_66 : f32 to vector<64x8xf32>
      %swap3A_68 = arith.constant 0 : index
      %swap3A_69 = arith.constant 0 : index
      %swap3A_70 = vector.load %arg11[%swap3A_68, %swap3A_69] : memref<64x8xf32, #tpu.memory_space<vmem>>, vector<64x8xf32>
      tpu.vector_store %arg11[%swap3A_68, %swap3A_69], %broadcast_in_dim3A_67 {strides = array<i32>} : memref<64x8xf32, #tpu.memory_space<vmem>>, vector<64x8xf32>,
    } else {
    }
    %get3A = arith.constant 0 : index
    %get3A_2 = arith.constant 0 : index
    %get3A_3 = vector.load %arg1[%get3A, %get3A_2] : memref<400x64xf32, #tpu.memory_space<vmem>>, vector<400x64xf32>
    %get3A_4 = arith.constant 0 : index
    %get3A_5 = arith.constant 0 : index
    %get3A_6 = vector.load %arg2[%get3A_4, %get3A_5] : memref<400x64xf32, #tpu.memory_space<vmem>>, vector<400x64xf32>
    %add3A = arith.addf %get3A_3, %get3A_6 : vector<400x64xf32>
    %get3A_7 = arith.constant 0 : index
    %get3A_8 = arith.constant 0 : index
    %get3A_9 = vector.load %arg3[%get3A_7, %get3A_8] : memref<400x16xf32, #tpu.memory_space<vmem>>, vector<400x16xf32>
    %slice3A = vector.extract_strided_slice %get3A_9 {offsets = [0, 0], sizes = [400, 1], strides = [1, 1]} : vector<400x16xf32> to vector<400x1xf32>
    %get3A_10 = arith.constant 0 : index
    %get3A_11 = arith.constant 0 : index
    %get3A_12 = vector.load %arg4[%get3A_10, %get3A_11] : memref<400x16xf32, #tpu.memory_space<vmem>>, vector<400x16xf32>
    %slice3A_13 = vector.extract_strided_slice %get3A_12 {offsets = [0, 0], sizes = [400, 1], strides = [1, 1]} : vector<400x16xf32> to vector<400x1xf32>
    %add3A_14 = arith.addf %slice3A, %slice3A_13 : vector<400x1xf32>
    %add3A_15 = arith.constant 1.000000e-16 : f32
    %add3A_16 = vector.broadcast %add3A_15 : f32 to vector<400x1xf32>
    %add3A_17 = arith.addf %add3A_14, %add3A_16 : vector<400x1xf32>
    %div3A = vector.broadcast %add3A_17 : vector<400x1xf32> to vector<400x64xf32>
    %div3A_18 = arith.divf %add3A, %div3A : vector<400x64xf32>
    %get3A_19 = arith.constant 0 : index
    %get3A_20 = arith.constant 0 : index
    %get3A_21 = vector.load %arg5[%get3A_19, %get3A_20] : memref<8x64xf32, #tpu.memory_space<vmem>>, vector<8x64xf32>
    %slice3A_22 = vector.extract_strided_slice %get3A_21 {offsets = [0, 0], sizes = [1, 64], strides = [1, 1]} : vector<8x64xf32> to vector<1x64xf32>
    %add3A_23 = vector.broadcast %slice3A_22 : vector<1x64xf32> to vector<400x64xf32>
    %add3A_24 = arith.addf %div3A_18, %add3A_23 : vector<400x64xf32>
    %gt3A = arith.constant 0.000000e+00 : f32
    %gt3A_25 = vector.broadcast %gt3A : f32 to vector<400x64xf32>
    %gt3A_26 = arith.cmpf ogt, %add3A_24, %gt3A_25 : vector<400x64xf32>
    %exp3A = math.exp %add3A_24 : vector<400x64xf32>
    %sub3A = arith.constant 1.000000e+00 : f32
    %sub3A_27 = vector.broadcast %sub3A : f32 to vector<400x64xf32>
    %sub3A_28 = arith.subf %exp3A, %sub3A_27 : vector<400x64xf32>
    %select_n3A = arith.select %gt3A_26, %add3A_24, %sub3A_28 : vector<400x64xi1>, vector<400x64xf32>
    %get3A_29 = arith.constant 0 : index
    %get3A_30 = arith.constant 0 : index
    %get3A_31 = vector.load %arg6[%get3A_29, %get3A_30] : memref<400x128xf32, #tpu.memory_space<vmem>>, vector<400x128xf32>
    %slice3A_32 = vector.extract_strided_slice %get3A_31 {offsets = [0, 0], sizes = [400, 64], strides = [1, 1]} : vector<400x128xf32> to vector<400x64xf32>
    %iota3A = tpu.iota {dimensions = array<i32: 1>} : vector<400x64xi32>
    %convert_element_type3A_33 = arith.sitofp %iota3A : vector<400x64xi32> to vector<400x64xf32>
    %eq3A_34 = arith.cmpf oeq, %slice3A_32, %convert_element_type3A_33 : vector<400x64xf32>
    %jit3A = arith.constant 1.000000e+00 : f32
    %jit3A_35 = arith.constant 0.000000e+00 : f32
    %broadcast_in_dim3A = vector.broadcast %jit3A : f32 to vector<400x64xf32>
    %broadcast_in_dim3A_36 = vector.broadcast %jit3A_35 : f32 to vector<400x64xf32>
    %select_n3A_37 = arith.select %eq3A_34, %broadcast_in_dim3A, %broadcast_in_dim3A_36 : vector<400x64xi1>, vector<400x64xf32>
    %get3A_38 = arith.constant 0 : index
    %get3A_39 = arith.constant 0 : index
    %get3A_40 = vector.load %arg10[%get3A_38, %get3A_39] : memref<64x64xf32, #tpu.memory_space<vmem>>, vector<64x64xf32>
    %dot_general3A = arith.constant dense<0.000000e+00> : vector<64x64xf32>
    %dot_general3A_41 = tpu.matmul %select_n3A_37, %select_n3A, %dot_general3A {dimension_numbers = #tpu.dot_dimension_numbers<[0], [0], [1], [1], [0, 1, 1, 1], [], []>, transpose_lhs_hint = false} : vector<400x64xf32>, vector<400x64xf32>, vector<64x64xf32> -> vector<64x64xf32>
    %add3A_42 = arith.addf %get3A_40, %dot_general3A_41 : vector<64x64xf32>
    %swap3A = arith.constant 0 : index
    %swap3A_43 = arith.constant 0 : index
    %swap3A_44 = vector.load %arg10[%swap3A, %swap3A_43] : memref<64x64xf32, #tpu.memory_space<vmem>>, vector<64x64xf32>
    tpu.vector_store %arg10[%swap3A, %swap3A_43], %add3A_42 {strides = array<i32>} : memref<64x64xf32, #tpu.memory_space<vmem>>, vector<64x64xf32>,
    %get3A_45 = arith.constant 0 : index
    %get3A_46 = arith.constant 0 : index
    %get3A_47 = vector.load %arg11[%get3A_45, %get3A_46] : memref<64x8xf32, #tpu.memory_space<vmem>>, vector<64x8xf32>
    %broadcast_in_dim3A_48 = arith.constant 1.000000e+00 : f32
    %broadcast_in_dim3A_49 = vector.broadcast %broadcast_in_dim3A_48 : f32 to vector<400x8xf32>
    %dot_general3A_50 = arith.constant dense<0.000000e+00> : vector<64x8xf32>
    %dot_general3A_51 = tpu.matmul %select_n3A_37, %broadcast_in_dim3A_49, %dot_general3A_50 {dimension_numbers = #tpu.dot_dimension_numbers<[0], [0], [1], [1], [0, 1, 1, 1], [], []>, transpose_lhs_hint = false} : vector<400x64xf32>, vector<400x8xf32>, vector<64x8xf32> -> vector<64x8xf32>
    %add3A_52 = arith.addf %get3A_47, %dot_general3A_51 : vector<64x8xf32>
    %swap3A_53 = arith.constant 0 : index
    %swap3A_54 = arith.constant 0 : index
    %swap3A_55 = vector.load %arg11[%swap3A_53, %swap3A_54] : memref<64x8xf32, #tpu.memory_space<vmem>>, vector<64x8xf32>
    tpu.vector_store %arg11[%swap3A_53, %swap3A_54], %add3A_52 {strides = array<i32>} : memref<64x8xf32, #tpu.memory_space<vmem>>, vector<64x8xf32>,
    %eq3A_56 = arith.constant 24 : i32
    %eq3A_57 = arith.cmpi eq, %arg0, %eq3A_56 : i32
    %convert_element_type3A_58 = arith.extui %eq3A_57 : i1 to i32
    %cond3A_59 = arith.constant 0 : i32
    %cond3A_60 = arith.cmpi ne, %convert_element_type3A_58, %cond3A_59 : i32
    scf.if %cond3A_60 {
      %get3A_61 = arith.constant 0 : index
      %get3A_62 = arith.constant 0 : index
      %get3A_63 = vector.load %arg10[%get3A_61, %get3A_62] : memref<64x64xf32, #tpu.memory_space<vmem>>, vector<64x64xf32>
      %get3A_64 = arith.constant 0 : index
      %get3A_65 = arith.constant 0 : index
      %get3A_66 = vector.load %arg11[%get3A_64, %get3A_65] : memref<64x8xf32, #tpu.memory_space<vmem>>, vector<64x8xf32>
      %slice3A_67 = vector.extract_strided_slice %get3A_66 {offsets = [0, 0], sizes = [64, 1], strides = [1, 1]} : vector<64x8xf32> to vector<64x1xf32>
      %max3A = arith.constant 1.000000e+00 : f32
      %max3A_68 = vector.broadcast %max3A : f32 to vector<64x1xf32>
      %max3A_69 = arith.maximumf %slice3A_67, %max3A_68 : vector<64x1xf32>
      %div3A_70 = vector.broadcast %max3A_69 : vector<64x1xf32> to vector<64x64xf32>
      %div3A_71 = arith.divf %get3A_63, %div3A_70 : vector<64x64xf32>
      %get3A_72 = arith.constant 0 : index
      %get3A_73 = arith.constant 0 : index
      %get3A_74 = vector.load %arg7[%get3A_72, %get3A_73] : memref<64x16xf32, #tpu.memory_space<vmem>>, vector<64x16xf32>
      %dot_general3A_75 = arith.constant dense<0.000000e+00> : vector<64x16xf32>
      %dot_general3A_76 = tpu.matmul %div3A_71, %get3A_74, %dot_general3A_75 {dimension_numbers = #tpu.dot_dimension_numbers<[1], [0], [0], [1], [0, 0, 1, 1], [], []>, transpose_lhs_hint = false} : vector<64x64xf32>, vector<64x16xf32>, vector<64x16xf32> -> vector<64x16xf32>
      %get3A_77 = arith.constant 0 : index
      %get3A_78 = arith.constant 0 : index
      %get3A_79 = vector.load %arg8[%get3A_77, %get3A_78] : memref<8x16xf32, #tpu.memory_space<vmem>>, vector<8x16xf32>
      %slice3A_80 = vector.extract_strided_slice %get3A_79 {offsets = [0, 0], sizes = [1, 16], strides = [1, 1]} : vector<8x16xf32> to vector<1x16xf32>
      %add3A_81 = vector.broadcast %slice3A_80 : vector<1x16xf32> to vector<64x16xf32>
      %add3A_82 = arith.addf %dot_general3A_76, %add3A_81 : vector<64x16xf32>
      %swap3A_83 = arith.constant 0 : index
      %swap3A_84 = arith.constant 0 : index
      %swap3A_85 = vector.load %arg9[%swap3A_83, %swap3A_84] : memref<64x16xf32, #tpu.memory_space<vmem>>, vector<64x16xf32>
      tpu.vector_store %arg9[%swap3A_83, %swap3A_84], %add3A_82 {strides = array<i32>} : memref<64x16xf32, #tpu.memory_space<vmem>>, vector<64x16xf32>,
    } else {
    }
    return
  }
  func.func @transform_0(%arg0: i32) -> (i32, i32) {
    %c0_i32 = arith.constant 0 : i32
    %c0_i32_0 = arith.constant 0 : i32
    return %arg0, %c0_i32 : i32, i32
  }
  func.func @transform_1(%arg0: i32) -> (i32, i32) {
    %c0_i32 = arith.constant 0 : i32
    %c0_i32_0 = arith.constant 0 : i32
    return %arg0, %c0_i32 : i32, i32
  }
  func.func @transform_2(%arg0: i32) -> (i32, i32) {
    %c0_i32 = arith.constant 0 : i32
    %c0_i32_0 = arith.constant 0 : i32
    return %arg0, %c0_i32 : i32, i32
  }
  func.func @transform_3(%arg0: i32) -> (i32, i32) {
    %c0_i32 = arith.constant 0 : i32
    %c0_i32_0 = arith.constant 0 : i32
    return %arg0, %c0_i32 : i32, i32
  }
  func.func @transform_4(%arg0: i32) -> (i32, i32) {
    %c0_i32 = arith.constant 0 : i32
    %c0_i32_0 = arith.constant 0 : i32
    %c0_i32_1 = arith.constant 0 : i32
    return %c0_i32, %c0_i32_0 : i32, i32
  }
  func.func @transform_5(%arg0: i32) -> (i32, i32) {
    %c0_i32 = arith.constant 0 : i32
    %c0_i32_0 = arith.constant 0 : i32
    return %arg0, %c0_i32 : i32, i32
  }
  func.func @transform_6(%arg0: i32) -> (i32, i32) {
    %c0_i32 = arith.constant 0 : i32
    %c0_i32_0 = arith.constant 0 : i32
    %c0_i32_1 = arith.constant 0 : i32
    return %c0_i32, %c0_i32_0 : i32, i32
  }
  func.func @transform_7(%arg0: i32) -> (i32, i32) {
    %c0_i32 = arith.constant 0 : i32
    %c0_i32_0 = arith.constant 0 : i32
    %c0_i32_1 = arith.constant 0 : i32
    return %c0_i32, %c0_i32_0 : i32, i32
  }
  func.func @transform_8(%arg0: i32) -> (i32, i32) {
    %c0_i32 = arith.constant 0 : i32
    %c0_i32_0 = arith.constant 0 : i32
    %c0_i32_1 = arith.constant 0 : i32
    return %c0_i32, %c0_i32_0 : i32, i32
  }
}

</mosaic_0001>

<sc_bundles>
// kernel: kernel.12.cloned.1.call-start
scs
__scs_entry_jumppad:
0x0: {  	(pc) =	sbr.rel $0x88, $3  }
0x1: {  	(tag) =	ssettag $0x0;
	lr =	simm.s32 $0x1  }
0x2: {  	[smem:$0x3F90] =	sst lr;
	_ =	strace $0xD0000000  }
0x3: {  	_ = 	snop  }
0x4: {  	_ = 	snop  }
0x5: {  	_ = 	snop  }
0x6: {  	_ = 	snop  }
0x7: {  	_ = 	snop  }
__scs_overlays_trampoline_lowered:
0x8: {  	[smem:$0x3F9F] =	sst s0  }
0x9: {  	[smem:$0x3FA0] =	sst s1  }
0xa: {  	[smem:$0x3FA1] =	sst s2  }
0xb: {  	[smem:$0x3FA2] =	sst s3  }
0xc: {  	[smem:$0x3FA3] =	sst s4  }
0xd: {  	[smem:$0x3FA4] =	sst s5  }
0xe: {  	[smem:$0x3FA5] =	sst s6  }
0xf: {  	[smem:$0x3FA6] =	sst s7  }
0x10: {  	[smem:$0x3FA7] =	sst s8  }
0x11: {  	[smem:$0x3FA8] =	sst s9;
	s0 =	simm.s32 @!p0 $0x0  }
0x12: {  	s1 =	sld [smem:$0x3F8E];
	s0 =	simm.s32 @p0 $0x1  }
0x13: {  	[smem:$0x3FA9] =	sst s0;
	s0 =	simm.s32 @!p1 $0x0  }
0x14: {  	s2 =	sld [smem:$0x3F8D];
	s0 =	simm.s32 @p1 $0x1  }
0x15: {  	[smem:$0x3FAA] =	sst s0;
	s0 =	simm.s32 @!p2 $0x0  }
0x16: {  	s3 =	sld [smem:$0x3FDB];
	s0 =	simm.s32 @p2 $0x1  }
0x17: {  	s4 =	simm.s32 $0x1BF5;
	[smem:$0x3FAC] =	sst s0  }
0x18: {  	s0 =	sld [smem:$0x3F8F];
	_ =	swait.ge [sflag:s4], $0x0  }
0x19: {  	s7 =	sld [smem:$0x3F90]  }
0x1a: {  	s8 =	sadd.s32 $0xFFFFE003, lr  }
0x1b: {  	s9 =	sadd.s32 $0xFFFFFEF7, lr;
	s5 =	simm.s32 $0xFFFFFFFF;
	p2 =	slt.u32 s8, $0xFFFFF086  }
0x1c: {  	p1 =	slt.u32 s9, $0xF7A;
	s5 =	simm.s32 @!p2 $0x0  }
0x1d: {  	s5 =	simm.s32 @p1 $0x1;
	p0 =	seq.s32 s7, s2  }
0x1e: {  	s7 =	smul.u32 @!p0 $0xF7A, s2;
	p2 =	seq.s32 @!p0 s5, $0x0  }
0x1f: {  	s9 =	smul.u32 $0xF7A, s1;
	s8 =	simm.s32 @!p0 $0x1BF5;
	p2 =	por !p2, p0  }
0x20: {  	[sflag:s8] =	ssyncset.s32 @!p0 $0xFFFFF086;
	s6 =	sadd.s32 @!p0 s3, s7;
	s7 =	simm.s32 @!p0 $0x108  }
0x21: {  	s3 =	sadd.s32 s3, s9;
	s6 =	sadd.s32 @!p0 $0x88, s6;
	s7 =	simm.s32 @p2 $0x1082  }
0x22: {  	[simem:s7], [sflag:s8] =	dma.local @!p0 [hbm:s6], $0xF7A  }
0x23: {  	s9 =	sor.u32 $0xD0000000, s2;
	s6 =	simm.s32 $0x108;
	_ =	swait.ge @!p0 [sflag:s8], $0x0  }
0x24: {  	s3 =	sadd.s32 $0x88, s3;
	s6 =	simm.s32 @!p1 $0x1082;
	[sflag:s4] =	ssyncset.s32 $0xFFFFF086  }
0x25: {  	[simem:s6], [sflag:s4] =	dma.local [hbm:s3], $0xF7A  }
0x26: {  	[smem:$0x3F90] =	sst s1;
	(tag) =	ssettag s2;
	_ =	strace s9  }
0x27: {  	s1 =	sld [smem:$0x3FA0]  }
0x28: {  	s2 =	sld [smem:$0x3FA1]  }
0x29: {  	s4 =	sld [smem:$0x3FA3]  }
0x2a: {  	p0 =	seq.s32 s5, $0x0;
	s5 =	sld [smem:$0x3FA4]  }
0x2b: {  	s6 =	sld [smem:$0x3FA5]  }
0x2c: {  	s7 =	sld [smem:$0x3FA6]  }
0x2d: {  	s3 =	simm.s32 $0x108;
	s8 =	sld [smem:$0x3FA7]  }
0x2e: {  	s3 =	simm.s32 @!p0 $0x1082;
	s9 =	sld [smem:$0x3FA8]  }
0x2f: {  	lr =	sadd.s32 s0, s3;
	s0 =	sld [smem:$0x3F9F]  }
0x30: {  	s3 =	sld [smem:$0x3FA2]  }
0x31: {  	[smem:$0x3FAB] =	sst s10  }
0x32: {  	s10 =	sld [smem:$0x3FA9];
	_ =	sdelay $0x3  }
0x33: {  	p0 =	seq.s32 s10, $0x1;
	s10 =	sld [smem:$0x3FAB];
	_ =	sdelay $0x3  }
0x34: {  	[smem:$0x3FAB] =	sst s10  }
0x35: {  	s10 =	sld [smem:$0x3FAA];
	_ =	sdelay $0x3  }
0x36: {  	p1 =	seq.s32 s10, $0x1;
	s10 =	sld [smem:$0x3FAB];
	_ =	sdelay $0x3  }
0x37: {  	[smem:$0x3FAB] =	sst s10  }
0x38: {  	s10 =	sld [smem:$0x3FAC]  }
0x39: {  	_ = 	snop;
	(pc) =	sbr.ind lr, $3  }
0x3a: {  	_ = 	snop  }
0x3b: {  	_ = 	snop  }
0x3c: {  	p2 =	seq.s32 s10, $0x1;
	s10 =	sld [smem:$0x3FAB]  }
0x3d: {  	_ =	shalt  }
0x3e: {  	_ =	shalt  }
0x3f: {  	_ =	shalt  }
0x40: {  	_ =	shalt  }
0x41: {  	_ =	shalt  }
0x42: {  	_ =	shalt  }
0x43: {  	_ =	shalt  }
0x44: {  	_ =	shalt  }
0x45: {  	_ =	shalt  }
0x46: {  	_ =	shalt  }
0x47: {  	_ =	shalt  }
0x48: {  	_ =	shalt  }
0x49: {  	_ =	shalt  }
0x4a: {  	_ =	shalt  }
0x4b: {  	_ =	shalt  }
0x4c: {  	_ =	shalt  }
0x4d: {  	_ =	shalt  }
0x4e: {  	_ =	shalt  }
0x4f: {  	_ =	shalt  }
0x50: {  	_ =	shalt  }
0x51: {  	_ =	shalt  }
0x52: {  	_ =	shalt  }
0x53: {  	_ =	shalt  }
0x54: {  	_ =	shalt  }
0x55: {  	_ =	shalt  }
0x56: {  	_ =	shalt  }
0x57: {  	_ =	shalt  }
0x58: {  	_ =	shalt  }
0x59: {  	_ =	shalt  }
0x5a: {  	_ =	shalt  }
0x5b: {  	_ =	shalt  }
0x5c: {  	_ =	shalt  }
0x5d: {  	_ =	shalt  }
0x5e: {  	_ =	shalt  }
0x5f: {  	_ =	shalt  }
0x60: {  	_ =	shalt  }
0x61: {  	_ =	shalt  }
0x62: {  	_ =	shalt  }
0x63: {  	_ =	shalt  }
0x64: {  	_ =	shalt  }
0x65: {  	_ =	shalt  }
0x66: {  	_ =	shalt  }
0x67: {  	_ =	shalt  }
0x68: {  	_ =	shalt  }
0x69: {  	_ =	shalt  }
0x6a: {  	_ =	shalt  }
0x6b: {  	_ =	shalt  }
0x6c: {  	_ =	shalt  }
0x6d: {  	_ =	shalt  }
0x6e: {  	_ =	shalt  }
0x6f: {  	_ =	shalt  }
0x70: {  	_ =	shalt  }
0x71: {  	_ =	shalt  }
0x72: {  	_ =	shalt  }
0x73: {  	_ =	shalt  }
0x74: {  	_ =	shalt  }
0x75: {  	_ =	shalt  }
0x76: {  	_ =	shalt  }
0x77: {  	_ =	shalt  }
0x78: {  	_ =	shalt  }
0x79: {  	_ =	shalt  }
0x7a: {  	_ =	shalt  }
0x7b: {  	_ =	shalt  }
0x7c: {  	_ =	shalt  }
0x7d: {  	_ =	shalt  }
0x7e: {  	_ =	shalt  }
0x7f: {  	_ =	shalt  }
0x80: {  	_ =	shalt  }
0x81: {  	_ =	shalt  }
0x82: {  	_ =	shalt  }
0x83: {  	_ =	shalt  }
0x84: {  	_ =	shalt  }
0x85: {  	_ =	shalt  }
0x86: {  	_ =	shalt  }
0x87: {  	_ =	shalt  }
.Lfunc_end0:
.L_simem_size_0:
called_computation.1_lowered:
.L_overlay_start_0:
0x88: {  	s2 =	sld [smem:$0x3FD9]  }
0x89: {  	s3 =	sld [smem:$0x3FFE];
	_ =	sdelay $0x1  }
0x8a: {  	s1 =	srdreg.scid  }
0x8b: {  	s0 =	sand.u32 $0x1, s1  }
0x8c: {  	s16 =	sshll.u32 s0, $0xA;
	s2 =	sadd.s32 s3, s2  }
0x8d: {  	s2 =	sadd.s32 s2, s16  }
0x8e: {  	[smem:$0x3FB7] =	sst s2  }
0x8f: {  	_ = 	snop  }
0x90: {  	(tm) =	ssettm $0x1  }
0x91: {  	s17 =	sld [smem:$0x3FFB];
	_ =	sdelay $0x3  }
0x92: {  	_ =	strace s17  }
0x93: {  	s2 =	sld [smem:$0x3FFC];
	_ =	sdelay $0x3  }
0x94: {  	_ =	strace s2  }
0x95: {  	s2 =	sld [smem:$0x3FFD];
	_ =	sdelay $0x3  }
0x96: {  	_ =	strace s2  }
0x97: {  	_ =	strace $0x8FFFFFFF  }
0x98: {  	s18 =	sld [smem:$0x3FDB];
	_ =	sdelay $0x1  }
0x99: {  	s19 =	simm.s32 $_scs_section_size  }
0x9a: {  	s4 =	simm.s32 $_size__tile_overlayer_lowered;
	s5 =	simm.s32 $_tile_overlayer_lowered  }
0x9b: {  	s22 =	simm.s32 $0x1BFF;
	s21 =	sshll.u32 s5, $0x1;
	s2 =	sadd.s32 s19, s18  }
0x9c: {  	s6 =	simm.s32 $0x0;
	s20 =	sshll.u32 s4, $0x1;
	s4 =	sadd.s32 s21, s2  }
0x9d: {  	[timem:s6], [sflag:s22] =	dma.local [hbm:s4], s20  }
0x9e: {  	_ =	swait.ge [sflag:s22], s20  }
0x9f: {  	s3 =	ssub.s32 $0x0, s20;
	[sflag:s22] =	ssyncset.done $0x0  }
0xa0: {  	[sflag:s22] =	ssyncadd.s32 s3;
	_ =	sdelay $0x1  }
0xa1: {  	s23 =	simm.s32 $0x1B8B  }
0xa2: {  	_ =	swait.ge [sflag:s23], $0x1  }
0xa3: {  	[sflag:s23] =	ssyncset.done $0x0  }
0xa4: {  	s25 =	simm.s32 $0x1B8E;
	s24 =	sld [smem:$0x3FFE];
	[sflag:s23] =	ssyncadd.s32 $0xFFFFFFFF  }
0xa5: {  	s26 =	simm.s32 $execute0_lowered;
	[smem:$0x3FD2] =	sst s25  }
0xa6: {  	s4 =	sshll.u32 s26, $0x1;
	_ =	strace $0x80000049;
	[dreg:$0x1] =	wrdreg $0xFFFFFFFF  }
0xa7: {  	s28 =	simm.s32 $_size_execute0_lowered;
	s2 =	sadd.s32 s2, s4;
	[dreg:$0x0] =	wrdreg $0x0  }
0xa8: {  	s4 =	sshll.u32 s28, $0x1;
	[dreg:$0x2] =	wrdreg s2  }
0xa9: {  	[dreg:$0x3] =	wrdreg s4  }
0xaa: {  	[dreg:$0x4] =	wrdreg $0xC0  }
0xab: {  	_ =	task [dreg:s6], $0x5FFFF  }
0xac: {  	[dreg:$0x1] =	wrdreg $0xFFFFFFFF  }
0xad: {  	[dreg:$0x0] =	wrdreg $0x60  }
0xae: {  	[dreg:$0x2] =	wrdreg s24  }
0xaf: {  	[dreg:$0x3] =	wrdreg $0x72C00  }
0xb0: {  	[dreg:$0x4] =	wrdreg $0x9  }
0xb1: {  	_ =	task.clear_ibuf [dreg:s6], $0x5FFFF;
	_ =	strace $0x90000049  }
0xb2: {  	s29 =	simm.s32 $0x9;
	_ =	strace $0x8000004B  }
0xb3: {  	_ =	swait.ge [sflag:s29], $0x1  }
0xb4: {  	[sflag:s29] =	ssyncadd.s32 $0xFFFFFFFF  }
0xb5: {  	_ =	strace $0x9000004B  }
0xb6: {  	_ =	sfence  }
0xb7: {  	s30 =	sld [smem:$0x0];
	_ =	sdelay $0x2  }
0xb8: {  	s31 =	sshll.u32 s1, $0xD;
	s1 =	sshrl.u32 s1, $0x2  }
0xb9: {  	s3 =	sand.u32 $0x4000, s31;
	s1 =	sadd.s32 s1, s30  }
0xba: {  	s0 =	sor.u32 s3, s0;
	s1 =	sshll.u32 s1, $0x11  }
0xbb: {  	s0 =	sor.u32 s1, s0  }
0xbc: {  	s0 =	sadd.s32 $0x8F2B, s0  }
0xbd: {  	[sflag:s0] =	ssyncadd.remote.s32 $0x1  }
0xbe: {  	_ =	sfence.sel $0xFFFF  }
0xbf: {  	[dreg:$0x0] =	wrdreg $0xFFFFFFFF;
	(pc) =	sbr.abs _section_cstart, $3  }
0xc0: {  	[dreg:$0x1] =	wrdreg $0xFFFFFFFF  }
0xc1: {  	_ =	task.clear_ibuf [dreg:s6], $0x2FFFF;
	_ =	strace $0x9FFFFFFF  }
0xc2: {  	(tm) =	ssettm $0x7FFFFFFF  }
0xc3: {  	_ =	shalt  }
tec
execute0_lowered:
.L_overlay_start_1:
0x0: {  	(tag) =	ssettag $0x1  }
0x1: {  	s0 =	rddreg [dreg:$0x0]  }
0x2: {  	s2 =	rddreg [dreg:$0x1];
	s3 =	simm.s32 $0x0  }
0x3: {  	s1 =	srdreg.scid;
	s17 =	stileid.u32;
	s20 =	simm.s32 $0x3CC0  }
0x4: {  	s21 =	simm.s32 $0x2;
	s22 =	simm.s32 $0x60;
	s23 =	simm.s32 $0xC0  }
0x5: {  	s24 =	simm.s32 $0x1;
	s25 =	simm.s32 $0x6C0;
	s26 =	simm.s32 $0xCC0  }
0x6: {  	[smem:$0x7FF] =	sst s3;
	s1 =	sand.u32 $0x1, s1;
	s10 =	smul.u32 $0x2D00, s17  }
0x7: {  	s4 =	sadd.s32 $0x3600, s0;
	s5 =	sadd.s32 $0x2B600, s0;
	s12 =	smul.u32 $0x5A000, s17  }
0x8: {  	s6 =	sadd.s32 $0x58600, s0;
	s7 =	sadd.s32 $0x53600, s0;
	s17 =	smul.u32 $0xD8, s17  }
0x9: {  	s8 =	sadd.s32 $0x67800, s0;
	s9 =	sadd.s32 $0x5D600, s0;
	s11 =	smul.u32 $0x2D000, s1  }
0xa: {  	_ =	strace $0x8000004A;
	s31 =	ssub.s32 $0x2, s1;
	s12 =	sshrl.u32 s12, $0x2  }
.Ltmp0:
0xb: {  	s13 =	sshrl.u32 s31, $0x1;
	s10 =	sadd.s32 s10, s11;
	(pc) =	sbr.rel .LBB2_1-.Ltmp0, $4  }
0xc: {  	s19 =	ssub.s32 s31, s13;
	s0 =	sadd.s32 s10, s0;
	s10 =	sadd.s32 s12, s2  }
0xd: {  	p0 =	seq.s32 s1, $0x1;
	s19 =	smax.u32 s19, $0x1;
	s11 =	sadd.s32 $0x3600, s10  }
0xe: {  	s12 =	sadd.s32 $0x6C00, s10;
	s13 =	sadd.s32 $0xA200, s10;
	s14 =	sadd.s32 $0xD800, s10  }
0xf: {  	v0 =	vimm.f32 $0.0e+00;
	s15 =	sadd.s32 $0x10E00, s10;
	s16 =	sadd.s32 $0x14400, s10;
	s18 =	sadd.s32 $0x71A00, s0  }
.LBB2_10:
0x10: {  	s0 =	stileid.u32;
	s3 =	sadd.s32 $0x1, s3  }
0x11: {  	[bflag:$0x0] =	sbarrier.arrive $0xFFFF;
	s0 =	sshll.u32 s0, $0x6;
	p1 =	sne.s32 s3, s19  }
.Ltmp1:
0x12: {  	s1 =	sshrl.u32 s10, $0x3;
	s0 =	sor.u32 $0x1C02, s0;
	(pc) =	sbr.rel @!p1 .LBB2_11-.Ltmp1, $4  }
0x13: {  	[hbm:s18], [sflag:s0] =	dma.local [spmem:s1], $0x2D00  }
0x14: {  	_ =	swait.ge [sflag:s21], $0x2D00  }
0x15: {  	[sflag:s21] =	ssyncset.done $0x0  }
0x16: {  	[sflag:s21] =	ssyncadd.s32 $0xFFFFD300  }
.LBB2_1:
0x17: {  	s0 =	simm.s32 $0x0;
	s28 =	simm.s32 $0x240  }
.LBB2_2:
0x18: {  	p1 =	sne.s32 s28, $0xD5C0;
	[tilespmem:s0+$0x3D40] =	vst v0  }
0x19: {  	[tilespmem:s0+$0x3CC0] =	vst v0  }
0x1a: {  	[tilespmem:s0+$0x3CD0] =	vst v0  }
0x1b: {  	[tilespmem:s0+$0x3CE0] =	vst v0  }
.Ltmp2:
0x1c: {  	[tilespmem:s0+$0x3CF0] =	vst v0;
	(pc) =	sbr.rel @p1 .LBB2_2-.Ltmp2, $4  }
0x1d: {  	[tilespmem:s0+$0x3D00] =	vst v0  }
0x1e: {  	[tilespmem:s0+$0x3D10] =	vst v0  }
0x1f: {  	[tilespmem:s0+$0x3D20] =	vst v0  }
0x20: {  	[tilespmem:s0+$0x3D30] =	vst v0;
	s0 =	sshra.s32 s28, $0x2;
	s28 =	sadd.s32 $0x240, s28  }
0x21: {  	[tilespmem:s0+$0x3D40] =	vst v0  }
0x22: {  	[tilespmem:s0+$0x3CC0] =	vst v0  }
0x23: {  	[tilespmem:s0+$0x3CD0] =	vst v0  }
0x24: {  	[tilespmem:s0+$0x3CE0] =	vst v0  }
0x25: {  	[tilespmem:s0+$0x3CF0] =	vst v0  }
0x26: {  	[tilespmem:s0+$0x3D00] =	vst v0  }
0x27: {  	[tilespmem:s0+$0x3D10] =	vst v0  }
0x28: {  	[tilespmem:s0+$0x3D20] =	vst v0  }
0x29: {  	[tilespmem:s0+$0x3D30] =	vst v0  }
0x2a: {  	[spmem:s10] =	stream.linear.scatter [tilespmem:s20], [sflag:$0x2], $0x3600, $0x38;
	[tilespmem:$0x1DAC0] =	vst v63  }
0x2b: {  	_ =	swait.ge [sflag:s21], $0x3600  }
0x2c: {  	[sflag:s21] =	ssyncset.done $0x0  }
0x2d: {  	[sflag:s21] =	ssyncadd.s32 $0xFFFFCA00  }
0x2e: {  	[spmem:s11] =	stream.linear.scatter [tilespmem:s20], [sflag:$0x2], $0x3600, $0x38;
	[tilespmem:$0x1DAC0] =	vst v63  }
0x2f: {  	_ =	swait.ge [sflag:s21], $0x3600  }
0x30: {  	[sflag:s21] =	ssyncset.done $0x0  }
0x31: {  	[sflag:s21] =	ssyncadd.s32 $0xFFFFCA00  }
0x32: {  	[spmem:s12] =	stream.linear.scatter [tilespmem:s20], [sflag:$0x2], $0x3600, $0x38;
	[tilespmem:$0x1DAC0] =	vst v63  }
0x33: {  	_ =	swait.ge [sflag:s21], $0x3600  }
0x34: {  	[sflag:s21] =	ssyncset.done $0x0  }
0x35: {  	[sflag:s21] =	ssyncadd.s32 $0xFFFFCA00  }
0x36: {  	[spmem:s13] =	stream.linear.scatter [tilespmem:s20], [sflag:$0x2], $0x3600, $0x38;
	[tilespmem:$0x1DAC0] =	vst v63  }
0x37: {  	_ =	swait.ge [sflag:s21], $0x3600  }
0x38: {  	[sflag:s21] =	ssyncset.done $0x0  }
0x39: {  	[sflag:s21] =	ssyncadd.s32 $0xFFFFCA00  }
0x3a: {  	[spmem:s14] =	stream.linear.scatter [tilespmem:s20], [sflag:$0x2], $0x3600, $0x38;
	[tilespmem:$0x1DAC0] =	vst v63  }
0x3b: {  	_ =	swait.ge [sflag:s21], $0x3600  }
0x3c: {  	[sflag:s21] =	ssyncset.done $0x0  }
0x3d: {  	[sflag:s21] =	ssyncadd.s32 $0xFFFFCA00  }
0x3e: {  	[spmem:s15] =	stream.linear.scatter [tilespmem:s20], [sflag:$0x2], $0x3600, $0x38;
	[tilespmem:$0x1DAC0] =	vst v63  }
0x3f: {  	_ =	swait.ge [sflag:s21], $0x3600  }
0x40: {  	[sflag:s21] =	ssyncset.done $0x0  }
0x41: {  	[sflag:s21] =	ssyncadd.s32 $0xFFFFCA00  }
0x42: {  	[spmem:s16] =	stream.linear.scatter [tilespmem:s20], [sflag:$0x2], $0x2400, $0x38;
	[tilespmem:$0x1DAC0] =	vst v63  }
.Ltmp3:
0x43: {  	_ =	swait.ge [sflag:s21], $0x2400;
	(pc) =	sbr.rel @!p0 .LBB2_4-.Ltmp3, $4  }
0x44: {  	[sflag:s21] =	ssyncset.done $0x0  }
0x45: {  	[sflag:s21] =	ssyncadd.s32 $0xFFFFDC00  }
0x46: {  	[bflag:$0x0] =	sbarrier.arrive $0xFFFF  }
0x47: {  	s28 =	simm.s32 $0x0;
	s29 =	simm.s32 $0x0;
	s30 =	simm.s32 $0x0  }
.LBB2_7:
0x48: {  	s0 =	sadd.s32 s17, s30  }
0x49: {  	s0 =	smul.u32 $0xC, s0;
	_ =	sdelay $0x1  }
0x4a: {  	s1 =	sadd.s32 s8, s0  }
0x4b: {  	[tilespmem:s28], [sflag:$0x2] =	stream.linear.gather [hbm4b:s1+s28], $0x60, $0x38;
	[tilespmem:$0x1DAC0] =	vst v63  }
0x4c: {  	_ =	swait.ge [sflag:s21], $0x60  }
0x4d: {  	[sflag:s21] =	ssyncset.done $0x0  }
0x4e: {  	s0 =	sadd.s32 s9, s0;
	[sflag:s21] =	ssyncadd.s32 $0xFFFFFFA0  }
0x4f: {  	[tilespmem:s22], [sflag:$0x2] =	stream.linear.gather [hbm4b:s0+s28], $0x60, $0x38;
	[tilespmem:$0x1DAC0] =	vst v63  }
0x50: {  	_ =	swait.ge [sflag:s21], $0x60  }
0x51: {  	[sflag:s21] =	ssyncset.done $0x0  }
0x52: {  	[sflag:s21] =	ssyncadd.s32 $0xFFFFFFA0  }
0x53: {  	[tilespmem:s23], [sflag:$0x1] =	stream.indirect.gather [hbm4b:s6+s22], $0x10, s28, s22, $0xb8;
	[tilespmem:$0x1DAC0] =	vst v63  }
0x54: {  	_ =	swait.ge [sflag:s24], $0x600  }
0x55: {  	[sflag:s24] =	ssyncset.done $0x0  }
0x56: {  	[sflag:s24] =	ssyncadd.s32 $0xFFFFFA00  }
0x57: {  	[tilespmem:s25], [sflag:$0x1] =	stream.indirect.gather [hbm4b:s7+s22], $0x10, s22, s22, $0xb8;
	[tilespmem:$0x1DAC0] =	vst v63  }
0x58: {  	_ =	swait.ge [sflag:s24], $0x600  }
0x59: {  	[sflag:s24] =	ssyncset.done $0x0  }
0x5a: {  	[sflag:s24] =	ssyncadd.s32 $0xFFFFFA00  }
0x5b: {  	[tilespmem:s26], [sflag:$0x1] =	stream.indirect.gather [hbm4b:s5+s22], $0x80, s28, s22, $0xb8;
	[tilespmem:$0x1DAC0] =	vst v63  }
0x5c: {  	_ =	swait.ge [sflag:s24], $0x3000  }
0x5d: {  	[sflag:s24] =	ssyncset.done $0x0  }
0x5e: {  	s1 =	simm.s32 $0x0;
	[sflag:s24] =	ssyncadd.s32 $0xFFFFD000  }
0x5f: {  	v1 =	vld [tilespmem:s1+$0xC0]  }
0x60: {  	v2 =	vld [tilespmem:s1+$0x6C0];
	_ =	sdelay $0x4  }
0x61: {  	v1 =	vadd.f32 v2, v1;
	_ =	sdelay $0x1  }
0x62: {  	v2 =	vmul.f32 $2.000000030e-01, v1;
	_ =	sdelay $0x1  }
0x63: {  	v1 =	vmax.f32 v1, v2  }
0x64: {  	v1 =	vmul.f32 $1.442695020e+00, v1;
	_ =	sdelay $0x1  }
0x65: {  	(erf) = vpow2.f32 v1;
	_ =	sdelay $0x8  }
0x66: {  	s29 =	simm.s32 $0x3D00;
	v1 =	vpop (erf)  }
0x67: {  	s31 =	simm.s32 $0xD00;
	[tilespmem:s29+$0x40] =	vst v1  }
0x68: {  	v2 =	vld [tilespmem:s31+$0xFFFFFFC0];
	_ =	sdelay $0x2  }
0x69: {  	v3 =	vbroadcast v1, $0x2;
	_ =	sdelay $0x1  }
0x6a: {  	v2 =	vmul.f32 v3, v2;
	_ =	sdelay $0x1  }
0x6b: {  	[tilespmem:s29+$0xFFFFFFC0] =	vst v2  }
0x6c: {  	v2 =	vld [tilespmem:s31+$0xFFFFFFD0];
	_ =	sdelay $0x4  }
0x6d: {  	v2 =	vmul.f32 v3, v2;
	_ =	sdelay $0x1  }
0x6e: {  	[tilespmem:s29+$0xFFFFFFD0] =	vst v2  }
0x6f: {  	v2 =	vld [tilespmem:s31+$0xFFFFFFE0];
	_ =	sdelay $0x4  }
0x70: {  	v2 =	vmul.f32 v3, v2;
	_ =	sdelay $0x1  }
0x71: {  	[tilespmem:s29+$0xFFFFFFE0] =	vst v2  }
0x72: {  	v2 =	vld [tilespmem:s31+$0xFFFFFFF0];
	_ =	sdelay $0x4  }
0x73: {  	v2 =	vmul.f32 v2, v3;
	_ =	sdelay $0x1  }
0x74: {  	[tilespmem:s29+$0xFFFFFFF0] =	vst v2  }
0x75: {  	v2 =	vld [tilespmem:s31+$0x0];
	_ =	sdelay $0x2  }
0x76: {  	v1 =	vbroadcast v1, $0x3;
	_ =	sdelay $0x1  }
0x77: {  	v2 =	vmul.f32 v2, v1;
	_ =	sdelay $0x1  }
0x78: {  	[tilespmem:s29+$0x0] =	vst v2  }
0x79: {  	v2 =	vld [tilespmem:s31+$0x10];
	_ =	sdelay $0x4  }
0x7a: {  	v2 =	vmul.f32 v2, v1;
	_ =	sdelay $0x1  }
0x7b: {  	[tilespmem:s29+$0x10] =	vst v2  }
0x7c: {  	v2 =	vld [tilespmem:s31+$0x20];
	_ =	sdelay $0x4  }
0x7d: {  	v2 =	vmul.f32 v2, v1;
	_ =	sdelay $0x1  }
0x7e: {  	[tilespmem:s29+$0x20] =	vst v2  }
0x7f: {  	v2 =	vld [tilespmem:s31+$0x30];
	_ =	sdelay $0x4  }
0x80: {  	v1 =	vmul.f32 v2, v1;
	_ =	sdelay $0x1  }
0x81: {  	s1 =	simm.s32 $0x10;
	[tilespmem:s29+$0x30] =	vst v1  }
0x82: {  	s0 =	simm.s32 $0x80;
	v1 =	vld [tilespmem:s1+$0xC0]  }
.LBB2_8:
0x83: {  	p1 =	sne.s32 s0, $0x17C0;
	v2 =	vld [tilespmem:s1+$0x6C0];
	_ =	sdelay $0x4  }
0x84: {  	v1 =	vadd.f32 v2, v1;
	_ =	sdelay $0x1  }
0x85: {  	v2 =	vmul.f32 $2.000000030e-01, v1;
	_ =	sdelay $0x1  }
0x86: {  	v1 =	vmax.f32 v1, v2  }
0x87: {  	v1 =	vmul.f32 $1.442695020e+00, v1;
	_ =	sdelay $0x1  }
0x88: {  	(erf) = vpow2.f32 v1;
	_ =	sdelay $0x8  }
0x89: {  	s29 =	sadd.s32 $0x90, s29;
	v1 =	vpop (erf)  }
0x8a: {  	s31 =	sadd.s32 $0x80, s31;
	[tilespmem:s29+$0x40] =	vst v1  }
0x8b: {  	v2 =	vld [tilespmem:s31+$0xFFFFFFC0];
	_ =	sdelay $0x2  }
0x8c: {  	v3 =	vbroadcast v1, $0x2;
	_ =	sdelay $0x1  }
0x8d: {  	v2 =	vmul.f32 v3, v2;
	_ =	sdelay $0x1  }
0x8e: {  	[tilespmem:s29+$0xFFFFFFC0] =	vst v2  }
0x8f: {  	v2 =	vld [tilespmem:s31+$0xFFFFFFD0];
	_ =	sdelay $0x4  }
0x90: {  	v2 =	vmul.f32 v3, v2;
	_ =	sdelay $0x1  }
0x91: {  	[tilespmem:s29+$0xFFFFFFD0] =	vst v2  }
0x92: {  	v2 =	vld [tilespmem:s31+$0xFFFFFFE0];
	_ =	sdelay $0x4  }
0x93: {  	v2 =	vmul.f32 v3, v2;
	_ =	sdelay $0x1  }
0x94: {  	[tilespmem:s29+$0xFFFFFFE0] =	vst v2  }
0x95: {  	v2 =	vld [tilespmem:s31+$0xFFFFFFF0];
	_ =	sdelay $0x4  }
0x96: {  	v2 =	vmul.f32 v2, v3;
	_ =	sdelay $0x1  }
0x97: {  	[tilespmem:s29+$0xFFFFFFF0] =	vst v2  }
0x98: {  	v2 =	vld [tilespmem:s31+$0x0];
	_ =	sdelay $0x2  }
0x99: {  	v1 =	vbroadcast v1, $0x3;
	_ =	sdelay $0x1  }
0x9a: {  	v2 =	vmul.f32 v2, v1;
	_ =	sdelay $0x1  }
0x9b: {  	[tilespmem:s29+$0x0] =	vst v2  }
0x9c: {  	v2 =	vld [tilespmem:s31+$0x10];
	_ =	sdelay $0x4  }
0x9d: {  	v2 =	vmul.f32 v2, v1;
	_ =	sdelay $0x1  }
0x9e: {  	[tilespmem:s29+$0x10] =	vst v2  }
0x9f: {  	v2 =	vld [tilespmem:s31+$0x20];
	_ =	sdelay $0x4  }
0xa0: {  	v2 =	vmul.f32 v2, v1;
	_ =	sdelay $0x1  }
0xa1: {  	[tilespmem:s29+$0x20] =	vst v2  }
0xa2: {  	v2 =	vld [tilespmem:s31+$0x30];
	_ =	sdelay $0x3  }
.Ltmp4:
0xa3: {  	(pc) =	sbr.rel @p1 .LBB2_8-.Ltmp4, $3  }
0xa4: {  	v1 =	vmul.f32 v2, v1;
	_ =	sdelay $0x1  }
0xa5: {  	s1 =	sshra.s32 s0, $0x2;
	[tilespmem:s29+$0x30] =	vst v1  }
0xa6: {  	s0 =	sadd.s32 $0x40, s0;
	v1 =	vld [tilespmem:s1+$0xC0]  }
0xa7: {  	v2 =	vld [tilespmem:s1+$0x6C0];
	_ =	sdelay $0x4  }
0xa8: {  	v1 =	vadd.f32 v2, v1;
	_ =	sdelay $0x1  }
0xa9: {  	v2 =	vmul.f32 $2.000000030e-01, v1;
	_ =	sdelay $0x1  }
0xaa: {  	v1 =	vmax.f32 v1, v2  }
0xab: {  	v1 =	vmul.f32 $1.442695020e+00, v1;
	_ =	sdelay $0x1  }
0xac: {  	(erf) = vpow2.f32 v1;
	_ =	sdelay $0x8  }
0xad: {  	s0 =	sadd.s32 $0x90, s29;
	v1 =	vpop (erf)  }
0xae: {  	s31 =	sadd.s32 $0x80, s31;
	[tilespmem:s0+$0x40] =	vst v1  }
0xaf: {  	v2 =	vld [tilespmem:s31+$0xFFFFFFC0];
	_ =	sdelay $0x2  }
0xb0: {  	v3 =	vbroadcast v1, $0x2;
	_ =	sdelay $0x1  }
0xb1: {  	v2 =	vmul.f32 v3, v2;
	_ =	sdelay $0x1  }
0xb2: {  	[tilespmem:s0+$0xFFFFFFC0] =	vst v2  }
0xb3: {  	v2 =	vld [tilespmem:s31+$0xFFFFFFD0];
	_ =	sdelay $0x4  }
0xb4: {  	v2 =	vmul.f32 v3, v2;
	_ =	sdelay $0x1  }
0xb5: {  	[tilespmem:s0+$0xFFFFFFD0] =	vst v2  }
0xb6: {  	v2 =	vld [tilespmem:s31+$0xFFFFFFE0];
	_ =	sdelay $0x4  }
0xb7: {  	v2 =	vmul.f32 v3, v2;
	_ =	sdelay $0x1  }
0xb8: {  	[tilespmem:s0+$0xFFFFFFE0] =	vst v2  }
0xb9: {  	v2 =	vld [tilespmem:s31+$0xFFFFFFF0];
	_ =	sdelay $0x4  }
0xba: {  	v2 =	vmul.f32 v2, v3;
	_ =	sdelay $0x1  }
0xbb: {  	[tilespmem:s0+$0xFFFFFFF0] =	vst v2  }
0xbc: {  	v2 =	vld [tilespmem:s31+$0x0];
	_ =	sdelay $0x2  }
0xbd: {  	v1 =	vbroadcast v1, $0x3;
	_ =	sdelay $0x1  }
0xbe: {  	v2 =	vmul.f32 v2, v1;
	_ =	sdelay $0x1  }
0xbf: {  	[tilespmem:s0+$0x0] =	vst v2  }
0xc0: {  	v2 =	vld [tilespmem:s31+$0x10];
	_ =	sdelay $0x4  }
0xc1: {  	v2 =	vmul.f32 v2, v1;
	_ =	sdelay $0x1  }
0xc2: {  	[tilespmem:s0+$0x10] =	vst v2  }
0xc3: {  	v2 =	vld [tilespmem:s31+$0x20];
	_ =	sdelay $0x4  }
0xc4: {  	v2 =	vmul.f32 v2, v1;
	_ =	sdelay $0x1  }
0xc5: {  	[tilespmem:s0+$0x20] =	vst v2  }
0xc6: {  	v2 =	vld [tilespmem:s31+$0x30];
	_ =	sdelay $0x4  }
0xc7: {  	v1 =	vmul.f32 v2, v1  }
0xc8: {  	s30 =	sadd.s32 $0x1, s30  }
0xc9: {  	p1 =	sne.s32 s30, $0xD8;
	[tilespmem:s0+$0x30] =	vst v1  }
0xca: {  	[spmem:s2] =	stream.indirect.scatter.add.f32 [tilespmem:s20], [sflag:$0x1], $0x90, s22, s22, $0xb8;
	[tilespmem:$0x1DAC0] =	vst v63  }
.Ltmp5:
0xcb: {  	_ = 	snop;
	(pc) =	sbr.rel @p1 .LBB2_7-.Ltmp5, $4  }
.Ltmp6:
0xcc: {  	_ = 	snop;
	(pc) =	sbr.rel @!p1 .LBB2_10-.Ltmp6, $4  }
0xcd: {  	_ =	swait.ge [sflag:s24], $0x3600  }
0xce: {  	[sflag:s24] =	ssyncset.done $0x0  }
0xcf: {  	[sflag:s24] =	ssyncadd.s32 $0xFFFFCA00  }
0xd0: {  	_ = 	snop  }
.LBB2_4:
0xd1: {  	s0 =	sadd.s32 s17, s29  }
0xd2: {  	s0 =	smul.u32 $0xC, s0;
	_ =	sdelay $0x1  }
0xd3: {  	s1 =	sadd.s32 s8, s0  }
0xd4: {  	[tilespmem:s28], [sflag:$0x2] =	stream.linear.gather [hbm4b:s1+s28], $0x60, $0x38;
	[tilespmem:$0x1DAC0] =	vst v63  }
0xd5: {  	_ =	swait.ge [sflag:s21], $0x60  }
0xd6: {  	[sflag:s21] =	ssyncset.done $0x0  }
0xd7: {  	s0 =	sadd.s32 s9, s0;
	[sflag:s21] =	ssyncadd.s32 $0xFFFFFFA0  }
0xd8: {  	[tilespmem:s22], [sflag:$0x2] =	stream.linear.gather [hbm4b:s0+s28], $0x60, $0x38;
	[tilespmem:$0x1DAC0] =	vst v63  }
0xd9: {  	_ =	swait.ge [sflag:s21], $0x60  }
0xda: {  	[sflag:s21] =	ssyncset.done $0x0  }
0xdb: {  	[sflag:s21] =	ssyncadd.s32 $0xFFFFFFA0  }
0xdc: {  	[tilespmem:s23], [sflag:$0x1] =	stream.indirect.gather [hbm4b:s6+s22], $0x10, s28, s22, $0xb8;
	[tilespmem:$0x1DAC0] =	vst v63  }
0xdd: {  	_ =	swait.ge [sflag:s24], $0x600  }
0xde: {  	[sflag:s24] =	ssyncset.done $0x0  }
0xdf: {  	[sflag:s24] =	ssyncadd.s32 $0xFFFFFA00  }
0xe0: {  	[tilespmem:s25], [sflag:$0x1] =	stream.indirect.gather [hbm4b:s7+s22], $0x10, s22, s22, $0xb8;
	[tilespmem:$0x1DAC0] =	vst v63  }
0xe1: {  	_ =	swait.ge [sflag:s24], $0x600  }
0xe2: {  	[sflag:s24] =	ssyncset.done $0x0  }
0xe3: {  	[sflag:s24] =	ssyncadd.s32 $0xFFFFFA00  }
0xe4: {  	[tilespmem:s26], [sflag:$0x1] =	stream.indirect.gather [hbm4b:s4+s22], $0x80, s28, s22, $0xb8;
	[tilespmem:$0x1DAC0] =	vst v63  }
0xe5: {  	_ =	swait.ge [sflag:s24], $0x3000  }
0xe6: {  	[sflag:s24] =	ssyncset.done $0x0  }
0xe7: {  	s1 =	simm.s32 $0x0;
	[sflag:s24] =	ssyncadd.s32 $0xFFFFD000  }
0xe8: {  	v1 =	vld [tilespmem:s1+$0xC0]  }
0xe9: {  	v2 =	vld [tilespmem:s1+$0x6C0];
	_ =	sdelay $0x4  }
0xea: {  	v1 =	vadd.f32 v2, v1;
	_ =	sdelay $0x1  }
0xeb: {  	v2 =	vmul.f32 $2.000000030e-01, v1;
	_ =	sdelay $0x1  }
0xec: {  	v1 =	vmax.f32 v1, v2  }
0xed: {  	v1 =	vmul.f32 $1.442695020e+00, v1;
	_ =	sdelay $0x1  }
0xee: {  	(erf) = vpow2.f32 v1;
	_ =	sdelay $0x8  }
0xef: {  	s30 =	simm.s32 $0x3D00;
	v1 =	vpop (erf)  }
0xf0: {  	s31 =	simm.s32 $0xD00;
	[tilespmem:s30+$0x40] =	vst v1  }
0xf1: {  	v2 =	vld [tilespmem:s31+$0xFFFFFFC0];
	_ =	sdelay $0x2  }
0xf2: {  	v3 =	vbroadcast v1, $0x0;
	_ =	sdelay $0x1  }
0xf3: {  	v2 =	vmul.f32 v3, v2;
	_ =	sdelay $0x1  }
0xf4: {  	[tilespmem:s30+$0xFFFFFFC0] =	vst v2  }
0xf5: {  	v2 =	vld [tilespmem:s31+$0xFFFFFFD0];
	_ =	sdelay $0x4  }
0xf6: {  	v2 =	vmul.f32 v3, v2;
	_ =	sdelay $0x1  }
0xf7: {  	[tilespmem:s30+$0xFFFFFFD0] =	vst v2  }
0xf8: {  	v2 =	vld [tilespmem:s31+$0xFFFFFFE0];
	_ =	sdelay $0x4  }
0xf9: {  	v2 =	vmul.f32 v3, v2;
	_ =	sdelay $0x1  }
0xfa: {  	[tilespmem:s30+$0xFFFFFFE0] =	vst v2  }
0xfb: {  	v2 =	vld [tilespmem:s31+$0xFFFFFFF0];
	_ =	sdelay $0x4  }
0xfc: {  	v2 =	vmul.f32 v2, v3;
	_ =	sdelay $0x1  }
0xfd: {  	[tilespmem:s30+$0xFFFFFFF0] =	vst v2  }
0xfe: {  	v2 =	vld [tilespmem:s31+$0x0];
	_ =	sdelay $0x2  }
0xff: {  	v1 =	vbroadcast v1, $0x1;
	_ =	sdelay $0x1  }
0x100: {  	v2 =	vmul.f32 v2, v1;
	_ =	sdelay $0x1  }
0x101: {  	[tilespmem:s30+$0x0] =	vst v2  }
0x102: {  	v2 =	vld [tilespmem:s31+$0x10];
	_ =	sdelay $0x4  }
0x103: {  	v2 =	vmul.f32 v2, v1;
	_ =	sdelay $0x1  }
0x104: {  	[tilespmem:s30+$0x10] =	vst v2  }
0x105: {  	v2 =	vld [tilespmem:s31+$0x20];
	_ =	sdelay $0x4  }
0x106: {  	v2 =	vmul.f32 v2, v1;
	_ =	sdelay $0x1  }
0x107: {  	[tilespmem:s30+$0x20] =	vst v2  }
0x108: {  	v2 =	vld [tilespmem:s31+$0x30];
	_ =	sdelay $0x4  }
0x109: {  	v1 =	vmul.f32 v2, v1;
	_ =	sdelay $0x1  }
0x10a: {  	s1 =	simm.s32 $0x10;
	[tilespmem:s30+$0x30] =	vst v1  }
0x10b: {  	s0 =	simm.s32 $0x80;
	v1 =	vld [tilespmem:s1+$0xC0]  }
.LBB2_5:
0x10c: {  	p1 =	sne.s32 s0, $0x17C0;
	v2 =	vld [tilespmem:s1+$0x6C0];
	_ =	sdelay $0x4  }
0x10d: {  	v1 =	vadd.f32 v2, v1;
	_ =	sdelay $0x1  }
0x10e: {  	v2 =	vmul.f32 $2.000000030e-01, v1;
	_ =	sdelay $0x1  }
0x10f: {  	v1 =	vmax.f32 v1, v2  }
0x110: {  	v1 =	vmul.f32 $1.442695020e+00, v1;
	_ =	sdelay $0x1  }
0x111: {  	(erf) = vpow2.f32 v1;
	_ =	sdelay $0x8  }
0x112: {  	s30 =	sadd.s32 $0x90, s30;
	v1 =	vpop (erf)  }
0x113: {  	s31 =	sadd.s32 $0x80, s31;
	[tilespmem:s30+$0x40] =	vst v1  }
0x114: {  	v2 =	vld [tilespmem:s31+$0xFFFFFFC0];
	_ =	sdelay $0x2  }
0x115: {  	v3 =	vbroadcast v1, $0x0;
	_ =	sdelay $0x1  }
0x116: {  	v2 =	vmul.f32 v3, v2;
	_ =	sdelay $0x1  }
0x117: {  	[tilespmem:s30+$0xFFFFFFC0] =	vst v2  }
0x118: {  	v2 =	vld [tilespmem:s31+$0xFFFFFFD0];
	_ =	sdelay $0x4  }
0x119: {  	v2 =	vmul.f32 v3, v2;
	_ =	sdelay $0x1  }
0x11a: {  	[tilespmem:s30+$0xFFFFFFD0] =	vst v2  }
0x11b: {  	v2 =	vld [tilespmem:s31+$0xFFFFFFE0];
	_ =	sdelay $0x4  }
0x11c: {  	v2 =	vmul.f32 v3, v2;
	_ =	sdelay $0x1  }
0x11d: {  	[tilespmem:s30+$0xFFFFFFE0] =	vst v2  }
0x11e: {  	v2 =	vld [tilespmem:s31+$0xFFFFFFF0];
	_ =	sdelay $0x4  }
0x11f: {  	v2 =	vmul.f32 v2, v3;
	_ =	sdelay $0x1  }
0x120: {  	[tilespmem:s30+$0xFFFFFFF0] =	vst v2  }
0x121: {  	v2 =	vld [tilespmem:s31+$0x0];
	_ =	sdelay $0x2  }
0x122: {  	v1 =	vbroadcast v1, $0x1;
	_ =	sdelay $0x1  }
0x123: {  	v2 =	vmul.f32 v2, v1;
	_ =	sdelay $0x1  }
0x124: {  	[tilespmem:s30+$0x0] =	vst v2  }
0x125: {  	v2 =	vld [tilespmem:s31+$0x10];
	_ =	sdelay $0x4  }
0x126: {  	v2 =	vmul.f32 v2, v1;
	_ =	sdelay $0x1  }
0x127: {  	[tilespmem:s30+$0x10] =	vst v2  }
0x128: {  	v2 =	vld [tilespmem:s31+$0x20];
	_ =	sdelay $0x4  }
0x129: {  	v2 =	vmul.f32 v2, v1;
	_ =	sdelay $0x1  }
0x12a: {  	[tilespmem:s30+$0x20] =	vst v2  }
0x12b: {  	v2 =	vld [tilespmem:s31+$0x30];
	_ =	sdelay $0x3  }
.Ltmp7:
0x12c: {  	(pc) =	sbr.rel @p1 .LBB2_5-.Ltmp7, $3  }
0x12d: {  	v1 =	vmul.f32 v2, v1;
	_ =	sdelay $0x1  }
0x12e: {  	s1 =	sshra.s32 s0, $0x2;
	[tilespmem:s30+$0x30] =	vst v1  }
0x12f: {  	s0 =	sadd.s32 $0x40, s0;
	v1 =	vld [tilespmem:s1+$0xC0]  }
0x130: {  	v2 =	vld [tilespmem:s1+$0x6C0];
	_ =	sdelay $0x4  }
0x131: {  	v1 =	vadd.f32 v2, v1;
	_ =	sdelay $0x1  }
0x132: {  	v2 =	vmul.f32 $2.000000030e-01, v1;
	_ =	sdelay $0x1  }
0x133: {  	v1 =	vmax.f32 v1, v2  }
0x134: {  	v1 =	vmul.f32 $1.442695020e+00, v1;
	_ =	sdelay $0x1  }
0x135: {  	(erf) = vpow2.f32 v1;
	_ =	sdelay $0x8  }
0x136: {  	s0 =	sadd.s32 $0x90, s30;
	v1 =	vpop (erf)  }
0x137: {  	s31 =	sadd.s32 $0x80, s31;
	[tilespmem:s0+$0x40] =	vst v1  }
0x138: {  	v2 =	vld [tilespmem:s31+$0xFFFFFFC0];
	_ =	sdelay $0x2  }
0x139: {  	v3 =	vbroadcast v1, $0x0;
	_ =	sdelay $0x1  }
0x13a: {  	v2 =	vmul.f32 v3, v2;
	_ =	sdelay $0x1  }
0x13b: {  	[tilespmem:s0+$0xFFFFFFC0] =	vst v2  }
0x13c: {  	v2 =	vld [tilespmem:s31+$0xFFFFFFD0];
	_ =	sdelay $0x4  }
0x13d: {  	v2 =	vmul.f32 v3, v2;
	_ =	sdelay $0x1  }
0x13e: {  	[tilespmem:s0+$0xFFFFFFD0] =	vst v2  }
0x13f: {  	v2 =	vld [tilespmem:s31+$0xFFFFFFE0];
	_ =	sdelay $0x4  }
0x140: {  	v2 =	vmul.f32 v3, v2;
	_ =	sdelay $0x1  }
0x141: {  	[tilespmem:s0+$0xFFFFFFE0] =	vst v2  }
0x142: {  	v2 =	vld [tilespmem:s31+$0xFFFFFFF0];
	_ =	sdelay $0x4  }
0x143: {  	v2 =	vmul.f32 v2, v3;
	_ =	sdelay $0x1  }
0x144: {  	[tilespmem:s0+$0xFFFFFFF0] =	vst v2  }
0x145: {  	v2 =	vld [tilespmem:s31+$0x0];
	_ =	sdelay $0x2  }
0x146: {  	v1 =	vbroadcast v1, $0x1;
	_ =	sdelay $0x1  }
0x147: {  	v2 =	vmul.f32 v2, v1;
	_ =	sdelay $0x1  }
0x148: {  	[tilespmem:s0+$0x0] =	vst v2  }
0x149: {  	v2 =	vld [tilespmem:s31+$0x10];
	_ =	sdelay $0x4  }
0x14a: {  	v2 =	vmul.f32 v2, v1;
	_ =	sdelay $0x1  }
0x14b: {  	[tilespmem:s0+$0x10] =	vst v2  }
0x14c: {  	v2 =	vld [tilespmem:s31+$0x20];
	_ =	sdelay $0x4  }
0x14d: {  	v2 =	vmul.f32 v2, v1;
	_ =	sdelay $0x1  }
0x14e: {  	[tilespmem:s0+$0x20] =	vst v2  }
0x14f: {  	v2 =	vld [tilespmem:s31+$0x30];
	_ =	sdelay $0x4  }
0x150: {  	v1 =	vmul.f32 v2, v1  }
0x151: {  	s29 =	sadd.s32 $0x1, s29  }
0x152: {  	p1 =	seq.s32 s29, $0xD8;
	[tilespmem:s0+$0x30] =	vst v1  }
0x153: {  	[spmem:s2] =	stream.indirect.scatter.add.f32 [tilespmem:s20], [sflag:$0x1], $0x90, s22, s22, $0xb8;
	[tilespmem:$0x1DAC0] =	vst v63  }
.Ltmp8:
0x154: {  	_ = 	snop;
	(pc) =	sbr.rel @!p1 .LBB2_4-.Ltmp8, $4  }
.Ltmp9:
0x155: {  	_ = 	snop;
	(pc) =	sbr.rel @p1 .LBB2_10-.Ltmp9, $4  }
0x156: {  	_ =	swait.ge [sflag:s24], $0x3600  }
0x157: {  	[sflag:s24] =	ssyncset.done $0x0  }
0x158: {  	[sflag:s24] =	ssyncadd.s32 $0xFFFFCA00  }
0x159: {  	_ = 	snop  }
.LBB2_11:
0x15a: {  	_ =	sfence.sel $0x180000  }
0x15b: {  	[bflag:$0x0] =	sbarrier.arrive $0xFFFF  }
0x15c: {  	_ =	strace $0x9000004A  }
0x15d: {  	s0 =	stileid.u32;
	[bflag:$0x2] =	sbarrier.arrive $0xFFFF  }
0x15e: {  	p0 =	sne.s32 s0, $0x0;
	s0 =	rddreg [dreg:$0x2]  }
0x15f: {  	s0 =	sadd.s32 @!p0 $0x100000, s0  }
0x160: {  	[sflag:s0] =	ssyncadd.tile.s32 @!p0 $0x1;
	_ =	shalt  }
.Lfunc_end2:
_tile_overlayer_lowered:
.L_overlay_start_2:
0x161: {  	(tag) =	ssettag $0x2  }
0x162: {  	s0 =	rddreg [dreg:$0x0];
	s2 =	stileid.u32  }
0x163: {  	s1 =	rddreg [dreg:$0x1];
	p0 =	sne.s32 s2, $0x0  }
0x164: {  	s3 =	rddreg [dreg:$0x2];
	[bflag:$0x3] =	sbarrier.arrive $0xFFFF;
	s2 =	simm.s32 @!p0 $0x1C02  }
0x165: {  	[timem:s3], [sflag:s2] =	dma.local @!p0 [hbm:s0], s1  }
0x166: {  	s0 =	simm.s32 @!p0 $0x2  }
0x167: {  	_ =	swait.ge @!p0 [sflag:s0], s1  }
0x168: {  	s1 =	ssub.s32 @!p0 $0x0, s1;
	[sflag:s0] =	ssyncset.done @!p0 $0x0  }
0x169: {  	[sflag:s0] =	ssyncadd.s32 @!p0 s1  }
0x16a: {  	[bflag:$0x3] =	sbarrier.arrive $0xFFFF  }
0x16b: {  	_ =	shalt  }

// kernel: kernel.15.cloned.1.call-start
scs
__scs_entry_jumppad:
0x0: {  	(pc) =	sbr.rel $0x88, $3  }
0x1: {  	(tag) =	ssettag $0x0;
	lr =	simm.s32 $0x1  }
0x2: {  	[smem:$0x3F90] =	sst lr;
	_ =	strace $0xD0000000  }
0x3: {  	_ = 	snop  }
0x4: {  	_ = 	snop  }
0x5: {  	_ = 	snop  }
0x6: {  	_ = 	snop  }
0x7: {  	_ = 	snop  }
__scs_overlays_trampoline_lowered:
0x8: {  	[smem:$0x3F9F] =	sst s0  }
0x9: {  	[smem:$0x3FA0] =	sst s1  }
0xa: {  	[smem:$0x3FA1] =	sst s2  }
0xb: {  	[smem:$0x3FA2] =	sst s3  }
0xc: {  	[smem:$0x3FA3] =	sst s4  }
0xd: {  	[smem:$0x3FA4] =	sst s5  }
0xe: {  	[smem:$0x3FA5] =	sst s6  }
0xf: {  	[smem:$0x3FA6] =	sst s7  }
0x10: {  	[smem:$0x3FA7] =	sst s8  }
0x11: {  	[smem:$0x3FA8] =	sst s9;
	s0 =	simm.s32 @!p0 $0x0  }
0x12: {  	s1 =	sld [smem:$0x3F8E];
	s0 =	simm.s32 @p0 $0x1  }
0x13: {  	[smem:$0x3FA9] =	sst s0;
	s0 =	simm.s32 @!p1 $0x0  }
0x14: {  	s2 =	sld [smem:$0x3F8D];
	s0 =	simm.s32 @p1 $0x1  }
0x15: {  	[smem:$0x3FAA] =	sst s0;
	s0 =	simm.s32 @!p2 $0x0  }
0x16: {  	s3 =	sld [smem:$0x3FDB];
	s0 =	simm.s32 @p2 $0x1  }
0x17: {  	s4 =	simm.s32 $0x1BF5;
	[smem:$0x3FAC] =	sst s0  }
0x18: {  	s0 =	sld [smem:$0x3F8F];
	_ =	swait.ge [sflag:s4], $0x0  }
0x19: {  	s7 =	sld [smem:$0x3F90]  }
0x1a: {  	s8 =	sadd.s32 $0xFFFFE003, lr  }
0x1b: {  	s9 =	sadd.s32 $0xFFFFFEF7, lr;
	s5 =	simm.s32 $0xFFFFFFFF;
	p2 =	slt.u32 s8, $0xFFFFF086  }
0x1c: {  	p1 =	slt.u32 s9, $0xF7A;
	s5 =	simm.s32 @!p2 $0x0  }
0x1d: {  	s5 =	simm.s32 @p1 $0x1;
	p0 =	seq.s32 s7, s2  }
0x1e: {  	s7 =	smul.u32 @!p0 $0xF7A, s2;
	p2 =	seq.s32 @!p0 s5, $0x0  }
0x1f: {  	s9 =	smul.u32 $0xF7A, s1;
	s8 =	simm.s32 @!p0 $0x1BF5;
	p2 =	por !p2, p0  }
0x20: {  	[sflag:s8] =	ssyncset.s32 @!p0 $0xFFFFF086;
	s6 =	sadd.s32 @!p0 s3, s7;
	s7 =	simm.s32 @!p0 $0x108  }
0x21: {  	s3 =	sadd.s32 s3, s9;
	s6 =	sadd.s32 @!p0 $0x88, s6;
	s7 =	simm.s32 @p2 $0x1082  }
0x22: {  	[simem:s7], [sflag:s8] =	dma.local @!p0 [hbm:s6], $0xF7A  }
0x23: {  	s9 =	sor.u32 $0xD0000000, s2;
	s6 =	simm.s32 $0x108;
	_ =	swait.ge @!p0 [sflag:s8], $0x0  }
0x24: {  	s3 =	sadd.s32 $0x88, s3;
	s6 =	simm.s32 @!p1 $0x1082;
	[sflag:s4] =	ssyncset.s32 $0xFFFFF086  }
0x25: {  	[simem:s6], [sflag:s4] =	dma.local [hbm:s3], $0xF7A  }
0x26: {  	[smem:$0x3F90] =	sst s1;
	(tag) =	ssettag s2;
	_ =	strace s9  }
0x27: {  	s1 =	sld [smem:$0x3FA0]  }
0x28: {  	s2 =	sld [smem:$0x3FA1]  }
0x29: {  	s4 =	sld [smem:$0x3FA3]  }
0x2a: {  	p0 =	seq.s32 s5, $0x0;
	s5 =	sld [smem:$0x3FA4]  }
0x2b: {  	s6 =	sld [smem:$0x3FA5]  }
0x2c: {  	s7 =	sld [smem:$0x3FA6]  }
0x2d: {  	s3 =	simm.s32 $0x108;
	s8 =	sld [smem:$0x3FA7]  }
0x2e: {  	s3 =	simm.s32 @!p0 $0x1082;
	s9 =	sld [smem:$0x3FA8]  }
0x2f: {  	lr =	sadd.s32 s0, s3;
	s0 =	sld [smem:$0x3F9F]  }
0x30: {  	s3 =	sld [smem:$0x3FA2]  }
0x31: {  	[smem:$0x3FAB] =	sst s10  }
0x32: {  	s10 =	sld [smem:$0x3FA9];
	_ =	sdelay $0x3  }
0x33: {  	p0 =	seq.s32 s10, $0x1;
	s10 =	sld [smem:$0x3FAB];
	_ =	sdelay $0x3  }
0x34: {  	[smem:$0x3FAB] =	sst s10  }
0x35: {  	s10 =	sld [smem:$0x3FAA];
	_ =	sdelay $0x3  }
0x36: {  	p1 =	seq.s32 s10, $0x1;
	s10 =	sld [smem:$0x3FAB];
	_ =	sdelay $0x3  }
0x37: {  	[smem:$0x3FAB] =	sst s10  }
0x38: {  	s10 =	sld [smem:$0x3FAC]  }
0x39: {  	_ = 	snop;
	(pc) =	sbr.ind lr, $3  }
0x3a: {  	_ = 	snop  }
0x3b: {  	_ = 	snop  }
0x3c: {  	p2 =	seq.s32 s10, $0x1;
	s10 =	sld [smem:$0x3FAB]  }
0x3d: {  	_ =	shalt  }
0x3e: {  	_ =	shalt  }
0x3f: {  	_ =	shalt  }
0x40: {  	_ =	shalt  }
0x41: {  	_ =	shalt  }
0x42: {  	_ =	shalt  }
0x43: {  	_ =	shalt  }
0x44: {  	_ =	shalt  }
0x45: {  	_ =	shalt  }
0x46: {  	_ =	shalt  }
0x47: {  	_ =	shalt  }
0x48: {  	_ =	shalt  }
0x49: {  	_ =	shalt  }
0x4a: {  	_ =	shalt  }
0x4b: {  	_ =	shalt  }
0x4c: {  	_ =	shalt  }
0x4d: {  	_ =	shalt  }
0x4e: {  	_ =	shalt  }
0x4f: {  	_ =	shalt  }
0x50: {  	_ =	shalt  }
0x51: {  	_ =	shalt  }
0x52: {  	_ =	shalt  }
0x53: {  	_ =	shalt  }
0x54: {  	_ =	shalt  }
0x55: {  	_ =	shalt  }
0x56: {  	_ =	shalt  }
0x57: {  	_ =	shalt  }
0x58: {  	_ =	shalt  }
0x59: {  	_ =	shalt  }
0x5a: {  	_ =	shalt  }
0x5b: {  	_ =	shalt  }
0x5c: {  	_ =	shalt  }
0x5d: {  	_ =	shalt  }
0x5e: {  	_ =	shalt  }
0x5f: {  	_ =	shalt  }
0x60: {  	_ =	shalt  }
0x61: {  	_ =	shalt  }
0x62: {  	_ =	shalt  }
0x63: {  	_ =	shalt  }
0x64: {  	_ =	shalt  }
0x65: {  	_ =	shalt  }
0x66: {  	_ =	shalt  }
0x67: {  	_ =	shalt  }
0x68: {  	_ =	shalt  }
0x69: {  	_ =	shalt  }
0x6a: {  	_ =	shalt  }
0x6b: {  	_ =	shalt  }
0x6c: {  	_ =	shalt  }
0x6d: {  	_ =	shalt  }
0x6e: {  	_ =	shalt  }
0x6f: {  	_ =	shalt  }
0x70: {  	_ =	shalt  }
0x71: {  	_ =	shalt  }
0x72: {  	_ =	shalt  }
0x73: {  	_ =	shalt  }
0x74: {  	_ =	shalt  }
0x75: {  	_ =	shalt  }
0x76: {  	_ =	shalt  }
0x77: {  	_ =	shalt  }
0x78: {  	_ =	shalt  }
0x79: {  	_ =	shalt  }
0x7a: {  	_ =	shalt  }
0x7b: {  	_ =	shalt  }
0x7c: {  	_ =	shalt  }
0x7d: {  	_ =	shalt  }
0x7e: {  	_ =	shalt  }
0x7f: {  	_ =	shalt  }
0x80: {  	_ =	shalt  }
0x81: {  	_ =	shalt  }
0x82: {  	_ =	shalt  }
0x83: {  	_ =	shalt  }
0x84: {  	_ =	shalt  }
0x85: {  	_ =	shalt  }
0x86: {  	_ =	shalt  }
0x87: {  	_ =	shalt  }
.Lfunc_end0:
.L_simem_size_0:
called_computation.2_lowered:
.L_overlay_start_0:
0x88: {  	s2 =	sld [smem:$0x3FD9]  }
0x89: {  	s3 =	sld [smem:$0x3FFE];
	_ =	sdelay $0x1  }
0x8a: {  	s1 =	srdreg.scid  }
0x8b: {  	s0 =	sand.u32 $0x1, s1  }
0x8c: {  	s16 =	sshll.u32 s0, $0xA;
	s2 =	sadd.s32 s3, s2  }
0x8d: {  	s2 =	sadd.s32 s2, s16  }
0x8e: {  	[smem:$0x3FB7] =	sst s2  }
0x8f: {  	_ = 	snop  }
0x90: {  	(tm) =	ssettm $0x1  }
0x91: {  	s17 =	sld [smem:$0x3FFB];
	_ =	sdelay $0x3  }
0x92: {  	_ =	strace s17  }
0x93: {  	s2 =	sld [smem:$0x3FFC];
	_ =	sdelay $0x3  }
0x94: {  	_ =	strace s2  }
0x95: {  	s2 =	sld [smem:$0x3FFD];
	_ =	sdelay $0x3  }
0x96: {  	_ =	strace s2  }
0x97: {  	_ =	strace $0x8FFFFFFF  }
0x98: {  	s18 =	sld [smem:$0x3FDB];
	_ =	sdelay $0x1  }
0x99: {  	s19 =	simm.s32 $_scs_section_size  }
0x9a: {  	s4 =	simm.s32 $_size__tile_overlayer_lowered;
	s5 =	simm.s32 $_tile_overlayer_lowered  }
0x9b: {  	s22 =	simm.s32 $0x1BFF;
	s21 =	sshll.u32 s5, $0x1;
	s2 =	sadd.s32 s19, s18  }
0x9c: {  	s6 =	simm.s32 $0x0;
	s20 =	sshll.u32 s4, $0x1;
	s4 =	sadd.s32 s21, s2  }
0x9d: {  	[timem:s6], [sflag:s22] =	dma.local [hbm:s4], s20  }
0x9e: {  	_ =	swait.ge [sflag:s22], s20  }
0x9f: {  	s3 =	ssub.s32 $0x0, s20;
	[sflag:s22] =	ssyncset.done $0x0  }
0xa0: {  	[sflag:s22] =	ssyncadd.s32 s3;
	_ =	sdelay $0x1  }
0xa1: {  	s23 =	simm.s32 $0x1B8B  }
0xa2: {  	_ =	swait.ge [sflag:s23], $0x1  }
0xa3: {  	[sflag:s23] =	ssyncset.done $0x0  }
0xa4: {  	s25 =	simm.s32 $0x1B8E;
	s24 =	sld [smem:$0x3FFE];
	[sflag:s23] =	ssyncadd.s32 $0xFFFFFFFF  }
0xa5: {  	s26 =	simm.s32 $execute0_lowered;
	[smem:$0x3FD2] =	sst s25  }
0xa6: {  	s4 =	sshll.u32 s26, $0x1;
	_ =	strace $0x8000004C;
	[dreg:$0x1] =	wrdreg $0xFFFFFFFF  }
0xa7: {  	s28 =	simm.s32 $_size_execute0_lowered;
	s2 =	sadd.s32 s2, s4;
	[dreg:$0x0] =	wrdreg $0x0  }
0xa8: {  	s4 =	sshll.u32 s28, $0x1;
	[dreg:$0x2] =	wrdreg s2  }
0xa9: {  	[dreg:$0x3] =	wrdreg s4  }
0xaa: {  	[dreg:$0x4] =	wrdreg $0xC0  }
0xab: {  	_ =	task [dreg:s6], $0x5FFFF  }
0xac: {  	[dreg:$0x1] =	wrdreg $0xFFFFFFFF  }
0xad: {  	[dreg:$0x0] =	wrdreg $0x60  }
0xae: {  	[dreg:$0x2] =	wrdreg s24  }
0xaf: {  	[dreg:$0x3] =	wrdreg $0x42C00  }
0xb0: {  	[dreg:$0x4] =	wrdreg $0x9  }
0xb1: {  	_ =	task.clear_ibuf [dreg:s6], $0x5FFFF;
	_ =	strace $0x9000004C  }
0xb2: {  	s29 =	simm.s32 $0x9;
	_ =	strace $0x8000004E  }
0xb3: {  	_ =	swait.ge [sflag:s29], $0x1  }
0xb4: {  	[sflag:s29] =	ssyncadd.s32 $0xFFFFFFFF  }
0xb5: {  	_ =	strace $0x9000004E  }
0xb6: {  	_ =	sfence  }
0xb7: {  	s30 =	sld [smem:$0x0];
	_ =	sdelay $0x2  }
0xb8: {  	s31 =	sshll.u32 s1, $0xD;
	s1 =	sshrl.u32 s1, $0x2  }
0xb9: {  	s3 =	sand.u32 $0x4000, s31;
	s1 =	sadd.s32 s1, s30  }
0xba: {  	s0 =	sor.u32 s3, s0;
	s1 =	sshll.u32 s1, $0x11  }
0xbb: {  	s0 =	sor.u32 s1, s0  }
0xbc: {  	s0 =	sadd.s32 $0x8F2B, s0  }
0xbd: {  	[sflag:s0] =	ssyncadd.remote.s32 $0x1  }
0xbe: {  	_ =	sfence.sel $0xFFFF  }
0xbf: {  	[dreg:$0x0] =	wrdreg $0xFFFFFFFF;
	(pc) =	sbr.abs _section_cstart, $3  }
0xc0: {  	[dreg:$0x1] =	wrdreg $0xFFFFFFFF  }
0xc1: {  	_ =	task.clear_ibuf [dreg:s6], $0x2FFFF;
	_ =	strace $0x9FFFFFFF  }
0xc2: {  	(tm) =	ssettm $0x7FFFFFFF  }
0xc3: {  	_ =	shalt  }
tec
execute0_lowered:
.L_overlay_start_1:
0x0: {  	(tag) =	ssettag $0x1  }
0x1: {  	s0 =	rddreg [dreg:$0x0]  }
0x2: {  	s2 =	rddreg [dreg:$0x1]  }
0x3: {  	s3 =	simm.s32 $0x0;
	s4 =	srdreg.scid;
	s1 =	stileid.u32  }
0x4: {  	s19 =	simm.s32 $0x24C0;
	s20 =	simm.s32 $0x2;
	s21 =	simm.s32 $0x60  }
0x5: {  	s22 =	simm.s32 $0xC0;
	s23 =	simm.s32 $0x1;
	s24 =	simm.s32 $0x6C0  }
0x6: {  	s25 =	simm.s32 $0xCC0;
	[smem:$0x7FF] =	sst s3;
	s12 =	sand.u32 $0x1, s4  }
0x7: {  	s9 =	smul.u32 $0x1900, s1;
	s4 =	sadd.s32 $0x3600, s0;
	s5 =	sadd.s32 $0x1C600, s0  }
0x8: {  	s6 =	sadd.s32 $0x17600, s0;
	s11 =	smul.u32 $0x32000, s1;
	s7 =	sadd.s32 $0x67800, s0  }
0x9: {  	s8 =	sadd.s32 $0x5D600, s0;
	s10 =	smul.u32 $0x19000, s12;
	s13 =	ssub.s32 $0x2, s12  }
0xa: {  	_ =	strace $0x8000004D;
	s14 =	sshll.u32 s12, $0x4;
	s31 =	sshrl.u32 s13, $0x1  }
0xb: {  	s11 =	sshrl.u32 s11, $0x2;
	s16 =	sor.u32 s1, s14;
	s9 =	sadd.s32 s9, s10  }
0xc: {  	s18 =	ssub.s32 s13, s31;
	s0 =	sadd.s32 s9, s0;
	s9 =	sadd.s32 s11, s2  }
0xd: {  	s16 =	smul.u32 $0x6C, s16;
	s18 =	smax.u32 s18, $0x1;
	s10 =	sadd.s32 $0x1E00, s9  }
0xe: {  	s11 =	sadd.s32 $0x3C00, s9;
	s12 =	sadd.s32 $0x5A00, s9;
	s13 =	sadd.s32 $0x7800, s9  }
0xf: {  	v0 =	vimm.f32 $0.0e+00;
	s14 =	sadd.s32 $0x9600, s9;
	s15 =	sadd.s32 $0xB400, s9;
	s17 =	sadd.s32 $0x21600, s0  }
.LBB2_1:
0x10: {  	s28 =	simm.s32 $0x140;
	s26 =	simm.s32 $0x0  }
.LBB2_2:
0x11: {  	p0 =	sne.s32 s28, $0x76C0;
	[tilespmem:s26+$0x2500] =	vst v0;
	s0 =	smov.u32 s28;
	s28 =	sadd.s32 $0x140, s28  }
.Ltmp0:
0x12: {  	[tilespmem:s26+$0x24F0] =	vst v0;
	(pc) =	sbr.rel @p0 .LBB2_2-.Ltmp0, $4  }
0x13: {  	[tilespmem:s26+$0x24E0] =	vst v0  }
0x14: {  	[tilespmem:s26+$0x24C0] =	vst v0  }
0x15: {  	[tilespmem:s26+$0x24D0] =	vst v0  }
0x16: {  	s26 =	sshra.s32 s0, $0x2  }
0x17: {  	[tilespmem:s26+$0x2500] =	vst v0  }
0x18: {  	[tilespmem:s26+$0x24F0] =	vst v0  }
0x19: {  	[tilespmem:s26+$0x24E0] =	vst v0  }
0x1a: {  	[tilespmem:s26+$0x24C0] =	vst v0  }
0x1b: {  	[tilespmem:s26+$0x24D0] =	vst v0  }
0x1c: {  	[spmem:s9] =	stream.linear.scatter [tilespmem:s19], [sflag:$0x2], $0x1E00, $0x38;
	[tilespmem:$0x10AC0] =	vst v63  }
0x1d: {  	_ =	swait.ge [sflag:s20], $0x1E00  }
0x1e: {  	[sflag:s20] =	ssyncset.done $0x0  }
0x1f: {  	[sflag:s20] =	ssyncadd.s32 $0xFFFFE200  }
0x20: {  	[spmem:s10] =	stream.linear.scatter [tilespmem:s19], [sflag:$0x2], $0x1E00, $0x38;
	[tilespmem:$0x10AC0] =	vst v63  }
0x21: {  	_ =	swait.ge [sflag:s20], $0x1E00  }
0x22: {  	[sflag:s20] =	ssyncset.done $0x0  }
0x23: {  	[sflag:s20] =	ssyncadd.s32 $0xFFFFE200  }
0x24: {  	[spmem:s11] =	stream.linear.scatter [tilespmem:s19], [sflag:$0x2], $0x1E00, $0x38;
	[tilespmem:$0x10AC0] =	vst v63  }
0x25: {  	_ =	swait.ge [sflag:s20], $0x1E00  }
0x26: {  	[sflag:s20] =	ssyncset.done $0x0  }
0x27: {  	[sflag:s20] =	ssyncadd.s32 $0xFFFFE200  }
0x28: {  	[spmem:s12] =	stream.linear.scatter [tilespmem:s19], [sflag:$0x2], $0x1E00, $0x38;
	[tilespmem:$0x10AC0] =	vst v63  }
0x29: {  	_ =	swait.ge [sflag:s20], $0x1E00  }
0x2a: {  	[sflag:s20] =	ssyncset.done $0x0  }
0x2b: {  	[sflag:s20] =	ssyncadd.s32 $0xFFFFE200  }
0x2c: {  	[spmem:s13] =	stream.linear.scatter [tilespmem:s19], [sflag:$0x2], $0x1E00, $0x38;
	[tilespmem:$0x10AC0] =	vst v63  }
0x2d: {  	_ =	swait.ge [sflag:s20], $0x1E00  }
0x2e: {  	[sflag:s20] =	ssyncset.done $0x0  }
0x2f: {  	[sflag:s20] =	ssyncadd.s32 $0xFFFFE200  }
0x30: {  	[spmem:s14] =	stream.linear.scatter [tilespmem:s19], [sflag:$0x2], $0x1E00, $0x38;
	[tilespmem:$0x10AC0] =	vst v63  }
0x31: {  	_ =	swait.ge [sflag:s20], $0x1E00  }
0x32: {  	[sflag:s20] =	ssyncset.done $0x0  }
0x33: {  	[sflag:s20] =	ssyncadd.s32 $0xFFFFE200  }
0x34: {  	[spmem:s15] =	stream.linear.scatter [tilespmem:s19], [sflag:$0x2], $0x1400, $0x38;
	[tilespmem:$0x10AC0] =	vst v63  }
0x35: {  	_ =	swait.ge [sflag:s20], $0x1400  }
0x36: {  	[sflag:s20] =	ssyncset.done $0x0  }
0x37: {  	[sflag:s20] =	ssyncadd.s32 $0xFFFFEC00  }
0x38: {  	s26 =	simm.s32 $0x0;
	s28 =	simm.s32 $0x0;
	[bflag:$0x0] =	sbarrier.arrive $0xFFFF  }
.LBB2_4:
0x39: {  	s0 =	sadd.s32 s16, s28  }
0x3a: {  	s0 =	smul.u32 $0xC, s0;
	_ =	sdelay $0x1  }
0x3b: {  	s29 =	sadd.s32 s7, s0  }
0x3c: {  	[tilespmem:s26], [sflag:$0x2] =	stream.linear.gather [hbm4b:s29+s26], $0x60, $0x38;
	[tilespmem:$0x10AC0] =	vst v63  }
0x3d: {  	_ =	swait.ge [sflag:s20], $0x60  }
0x3e: {  	[sflag:s20] =	ssyncset.done $0x0  }
0x3f: {  	s0 =	sadd.s32 s8, s0;
	[sflag:s20] =	ssyncadd.s32 $0xFFFFFFA0  }
0x40: {  	[tilespmem:s21], [sflag:$0x2] =	stream.linear.gather [hbm4b:s0+s26], $0x60, $0x38;
	[tilespmem:$0x10AC0] =	vst v63  }
0x41: {  	_ =	swait.ge [sflag:s20], $0x60  }
0x42: {  	[sflag:s20] =	ssyncset.done $0x0  }
0x43: {  	[sflag:s20] =	ssyncadd.s32 $0xFFFFFFA0  }
0x44: {  	[tilespmem:s22], [sflag:$0x1] =	stream.indirect.gather [hbm4b:s5+s21], $0x10, s26, s21, $0xb8;
	[tilespmem:$0x10AC0] =	vst v63  }
0x45: {  	_ =	swait.ge [sflag:s23], $0x600  }
0x46: {  	[sflag:s23] =	ssyncset.done $0x0  }
0x47: {  	[sflag:s23] =	ssyncadd.s32 $0xFFFFFA00  }
0x48: {  	[tilespmem:s24], [sflag:$0x1] =	stream.indirect.gather [hbm4b:s6+s21], $0x10, s21, s21, $0xb8;
	[tilespmem:$0x10AC0] =	vst v63  }
0x49: {  	_ =	swait.ge [sflag:s23], $0x600  }
0x4a: {  	[sflag:s23] =	ssyncset.done $0x0  }
0x4b: {  	[sflag:s23] =	ssyncadd.s32 $0xFFFFFA00  }
0x4c: {  	[tilespmem:s25], [sflag:$0x1] =	stream.indirect.gather [hbm4b:s4+s21], $0x40, s26, s21, $0xb8;
	[tilespmem:$0x10AC0] =	vst v63  }
0x4d: {  	_ =	swait.ge [sflag:s23], $0x1800  }
0x4e: {  	[sflag:s23] =	ssyncset.done $0x0  }
0x4f: {  	s0 =	simm.s32 $0x0;
	[sflag:s23] =	ssyncadd.s32 $0xFFFFE800  }
0x50: {  	v1 =	vld [tilespmem:s0+$0xC0]  }
0x51: {  	v2 =	vld [tilespmem:s0+$0x6C0];
	_ =	sdelay $0x4  }
0x52: {  	v1 =	vadd.f32 v2, v1;
	_ =	sdelay $0x1  }
0x53: {  	v2 =	vmul.f32 $2.000000030e-01, v1;
	_ =	sdelay $0x1  }
0x54: {  	v1 =	vmax.f32 v1, v2  }
0x55: {  	v1 =	vmul.f32 $1.442695020e+00, v1;
	_ =	sdelay $0x1  }
0x56: {  	(erf) = vpow2.f32 v1;
	_ =	sdelay $0x8  }
0x57: {  	s29 =	simm.s32 $0x24E0;
	v1 =	vpop (erf)  }
0x58: {  	s30 =	simm.s32 $0xCE0;
	[tilespmem:s29+$0x20] =	vst v1  }
0x59: {  	v2 =	vld [tilespmem:s30+$0xFFFFFFE0];
	_ =	sdelay $0x2  }
0x5a: {  	v1 =	vbroadcast v1, $0x0;
	_ =	sdelay $0x1  }
0x5b: {  	v2 =	vmul.f32 v1, v2;
	_ =	sdelay $0x1  }
0x5c: {  	[tilespmem:s29+$0xFFFFFFE0] =	vst v2  }
0x5d: {  	v2 =	vld [tilespmem:s30+$0xFFFFFFF0];
	_ =	sdelay $0x4  }
0x5e: {  	v2 =	vmul.f32 v1, v2;
	_ =	sdelay $0x1  }
0x5f: {  	[tilespmem:s29+$0xFFFFFFF0] =	vst v2  }
0x60: {  	v2 =	vld [tilespmem:s30+$0x0];
	_ =	sdelay $0x4  }
0x61: {  	v2 =	vmul.f32 v1, v2;
	_ =	sdelay $0x1  }
0x62: {  	[tilespmem:s29+$0x0] =	vst v2  }
0x63: {  	v2 =	vld [tilespmem:s30+$0x10];
	_ =	sdelay $0x4  }
0x64: {  	v1 =	vmul.f32 v2, v1;
	_ =	sdelay $0x1  }
0x65: {  	s0 =	simm.s32 $0x10;
	[tilespmem:s29+$0x10] =	vst v1  }
0x66: {  	s31 =	simm.s32 $0x80;
	v1 =	vld [tilespmem:s0+$0xC0]  }
.LBB2_5:
0x67: {  	p0 =	sne.s32 s31, $0x17C0;
	v2 =	vld [tilespmem:s0+$0x6C0];
	_ =	sdelay $0x4  }
0x68: {  	v1 =	vadd.f32 v2, v1;
	_ =	sdelay $0x1  }
0x69: {  	v2 =	vmul.f32 $2.000000030e-01, v1;
	_ =	sdelay $0x1  }
0x6a: {  	v1 =	vmax.f32 v1, v2  }
0x6b: {  	v1 =	vmul.f32 $1.442695020e+00, v1;
	_ =	sdelay $0x1  }
0x6c: {  	(erf) = vpow2.f32 v1;
	_ =	sdelay $0x8  }
0x6d: {  	s29 =	sadd.s32 $0x50, s29;
	v1 =	vpop (erf)  }
0x6e: {  	s30 =	sadd.s32 $0x40, s30;
	[tilespmem:s29+$0x20] =	vst v1  }
0x6f: {  	v2 =	vld [tilespmem:s30+$0xFFFFFFE0];
	_ =	sdelay $0x2  }
0x70: {  	v1 =	vbroadcast v1, $0x0;
	_ =	sdelay $0x1  }
0x71: {  	v2 =	vmul.f32 v1, v2;
	_ =	sdelay $0x1  }
0x72: {  	[tilespmem:s29+$0xFFFFFFE0] =	vst v2  }
0x73: {  	v2 =	vld [tilespmem:s30+$0xFFFFFFF0];
	_ =	sdelay $0x4  }
0x74: {  	v2 =	vmul.f32 v1, v2;
	_ =	sdelay $0x1  }
0x75: {  	[tilespmem:s29+$0xFFFFFFF0] =	vst v2  }
0x76: {  	v2 =	vld [tilespmem:s30+$0x0];
	_ =	sdelay $0x4  }
0x77: {  	v2 =	vmul.f32 v1, v2;
	_ =	sdelay $0x1  }
0x78: {  	[tilespmem:s29+$0x0] =	vst v2  }
0x79: {  	v2 =	vld [tilespmem:s30+$0x10];
	_ =	sdelay $0x3  }
.Ltmp1:
0x7a: {  	(pc) =	sbr.rel @p0 .LBB2_5-.Ltmp1, $3  }
0x7b: {  	v1 =	vmul.f32 v2, v1;
	_ =	sdelay $0x1  }
0x7c: {  	s0 =	sshra.s32 s31, $0x2;
	[tilespmem:s29+$0x10] =	vst v1  }
0x7d: {  	s31 =	sadd.s32 $0x40, s31;
	v1 =	vld [tilespmem:s0+$0xC0]  }
0x7e: {  	v2 =	vld [tilespmem:s0+$0x6C0];
	_ =	sdelay $0x4  }
0x7f: {  	v1 =	vadd.f32 v2, v1;
	_ =	sdelay $0x1  }
0x80: {  	v2 =	vmul.f32 $2.000000030e-01, v1;
	_ =	sdelay $0x1  }
0x81: {  	v1 =	vmax.f32 v1, v2  }
0x82: {  	v1 =	vmul.f32 $1.442695020e+00, v1;
	_ =	sdelay $0x1  }
0x83: {  	(erf) = vpow2.f32 v1;
	_ =	sdelay $0x8  }
0x84: {  	s0 =	sadd.s32 $0x50, s29;
	v1 =	vpop (erf)  }
0x85: {  	s31 =	sadd.s32 $0x40, s30;
	[tilespmem:s0+$0x20] =	vst v1  }
0x86: {  	v2 =	vld [tilespmem:s31+$0xFFFFFFE0];
	_ =	sdelay $0x2  }
0x87: {  	v1 =	vbroadcast v1, $0x0;
	_ =	sdelay $0x1  }
0x88: {  	v2 =	vmul.f32 v1, v2;
	_ =	sdelay $0x1  }
0x89: {  	[tilespmem:s0+$0xFFFFFFE0] =	vst v2  }
0x8a: {  	v2 =	vld [tilespmem:s31+$0xFFFFFFF0];
	_ =	sdelay $0x4  }
0x8b: {  	v2 =	vmul.f32 v1, v2;
	_ =	sdelay $0x1  }
0x8c: {  	[tilespmem:s0+$0xFFFFFFF0] =	vst v2  }
0x8d: {  	v2 =	vld [tilespmem:s31+$0x0];
	_ =	sdelay $0x4  }
0x8e: {  	v2 =	vmul.f32 v1, v2;
	_ =	sdelay $0x1  }
0x8f: {  	[tilespmem:s0+$0x0] =	vst v2  }
0x90: {  	v2 =	vld [tilespmem:s31+$0x10];
	_ =	sdelay $0x4  }
0x91: {  	s28 =	sadd.s32 $0x1, s28;
	v1 =	vmul.f32 v2, v1  }
0x92: {  	p0 =	sne.s32 s28, $0x6C  }
.Ltmp2:
0x93: {  	[tilespmem:s0+$0x10] =	vst v1;
	(pc) =	sbr.rel @p0 .LBB2_4-.Ltmp2, $4  }
0x94: {  	[spmem:s2] =	stream.indirect.scatter.add.f32 [tilespmem:s19], [sflag:$0x1], $0x50, s21, s21, $0xb8;
	[tilespmem:$0x10AC0] =	vst v63  }
0x95: {  	_ =	swait.ge [sflag:s23], $0x1E00  }
0x96: {  	[sflag:s23] =	ssyncset.done $0x0  }
0x97: {  	[sflag:s23] =	ssyncadd.s32 $0xFFFFE200  }
0x98: {  	s3 =	sadd.s32 $0x1, s3  }
0x99: {  	s0 =	sshll.u32 s1, $0x6;
	[bflag:$0x0] =	sbarrier.arrive $0xFFFF;
	p0 =	sne.s32 s3, s18  }
.Ltmp3:
0x9a: {  	s26 =	sshrl.u32 s9, $0x3;
	s0 =	sor.u32 $0x1C02, s0;
	(pc) =	sbr.rel @p0 .LBB2_1-.Ltmp3, $4  }
0x9b: {  	[hbm:s17], [sflag:s0] =	dma.local [spmem:s26], $0x1900  }
0x9c: {  	_ =	swait.ge [sflag:s20], $0x1900  }
0x9d: {  	[sflag:s20] =	ssyncset.done $0x0  }
0x9e: {  	[sflag:s20] =	ssyncadd.s32 $0xFFFFE700  }
0x9f: {  	_ =	sfence.sel $0x180000  }
0xa0: {  	[bflag:$0x0] =	sbarrier.arrive $0xFFFF  }
0xa1: {  	_ =	strace $0x9000004D  }
0xa2: {  	[bflag:$0x2] =	sbarrier.arrive $0xFFFF  }
0xa3: {  	p0 =	sne.s32 s1, $0x0;
	s0 =	rddreg [dreg:$0x2]  }
0xa4: {  	s0 =	sadd.s32 @!p0 $0x100000, s0  }
0xa5: {  	[sflag:s0] =	ssyncadd.tile.s32 @!p0 $0x1;
	_ =	shalt  }
.Lfunc_end2:
_tile_overlayer_lowered:
.L_overlay_start_2:
0xa6: {  	(tag) =	ssettag $0x2  }
0xa7: {  	s0 =	rddreg [dreg:$0x0];
	s2 =	stileid.u32  }
0xa8: {  	s1 =	rddreg [dreg:$0x1];
	p0 =	sne.s32 s2, $0x0  }
0xa9: {  	s3 =	rddreg [dreg:$0x2];
	[bflag:$0x3] =	sbarrier.arrive $0xFFFF;
	s2 =	simm.s32 @!p0 $0x1C02  }
0xaa: {  	[timem:s3], [sflag:s2] =	dma.local @!p0 [hbm:s0], s1  }
0xab: {  	s0 =	simm.s32 @!p0 $0x2  }
0xac: {  	_ =	swait.ge @!p0 [sflag:s0], s1  }
0xad: {  	s1 =	ssub.s32 @!p0 $0x0, s1;
	[sflag:s0] =	ssyncset.done @!p0 $0x0  }
0xae: {  	[sflag:s0] =	ssyncadd.s32 @!p0 s1  }
0xaf: {  	[bflag:$0x3] =	sbarrier.arrive $0xFFFF  }
0xb0: {  	_ =	shalt  }

// kernel: kernel.9.cloned.1.call-start
scs
__scs_entry_jumppad:
0x0: {  	(pc) =	sbr.rel $0x88, $3  }
0x1: {  	(tag) =	ssettag $0x0;
	lr =	simm.s32 $0x1  }
0x2: {  	[smem:$0x3F90] =	sst lr;
	_ =	strace $0xD0000000  }
0x3: {  	_ = 	snop  }
0x4: {  	_ = 	snop  }
0x5: {  	_ = 	snop  }
0x6: {  	_ = 	snop  }
0x7: {  	_ = 	snop  }
__scs_overlays_trampoline_lowered:
0x8: {  	[smem:$0x3F9F] =	sst s0  }
0x9: {  	[smem:$0x3FA0] =	sst s1  }
0xa: {  	[smem:$0x3FA1] =	sst s2  }
0xb: {  	[smem:$0x3FA2] =	sst s3  }
0xc: {  	[smem:$0x3FA3] =	sst s4  }
0xd: {  	[smem:$0x3FA4] =	sst s5  }
0xe: {  	[smem:$0x3FA5] =	sst s6  }
0xf: {  	[smem:$0x3FA6] =	sst s7  }
0x10: {  	[smem:$0x3FA7] =	sst s8  }
0x11: {  	[smem:$0x3FA8] =	sst s9;
	s0 =	simm.s32 @!p0 $0x0  }
0x12: {  	s1 =	sld [smem:$0x3F8E];
	s0 =	simm.s32 @p0 $0x1  }
0x13: {  	[smem:$0x3FA9] =	sst s0;
	s0 =	simm.s32 @!p1 $0x0  }
0x14: {  	s2 =	sld [smem:$0x3F8D];
	s0 =	simm.s32 @p1 $0x1  }
0x15: {  	[smem:$0x3FAA] =	sst s0;
	s0 =	simm.s32 @!p2 $0x0  }
0x16: {  	s3 =	sld [smem:$0x3FDB];
	s0 =	simm.s32 @p2 $0x1  }
0x17: {  	s4 =	simm.s32 $0x1BF5;
	[smem:$0x3FAC] =	sst s0  }
0x18: {  	s0 =	sld [smem:$0x3F8F];
	_ =	swait.ge [sflag:s4], $0x0  }
0x19: {  	s7 =	sld [smem:$0x3F90]  }
0x1a: {  	s8 =	sadd.s32 $0xFFFFE003, lr  }
0x1b: {  	s9 =	sadd.s32 $0xFFFFFEF7, lr;
	s5 =	simm.s32 $0xFFFFFFFF;
	p2 =	slt.u32 s8, $0xFFFFF086  }
0x1c: {  	p1 =	slt.u32 s9, $0xF7A;
	s5 =	simm.s32 @!p2 $0x0  }
0x1d: {  	s5 =	simm.s32 @p1 $0x1;
	p0 =	seq.s32 s7, s2  }
0x1e: {  	s7 =	smul.u32 @!p0 $0xF7A, s2;
	p2 =	seq.s32 @!p0 s5, $0x0  }
0x1f: {  	s9 =	smul.u32 $0xF7A, s1;
	s8 =	simm.s32 @!p0 $0x1BF5;
	p2 =	por !p2, p0  }
0x20: {  	[sflag:s8] =	ssyncset.s32 @!p0 $0xFFFFF086;
	s6 =	sadd.s32 @!p0 s3, s7;
	s7 =	simm.s32 @!p0 $0x108  }
0x21: {  	s3 =	sadd.s32 s3, s9;
	s6 =	sadd.s32 @!p0 $0x88, s6;
	s7 =	simm.s32 @p2 $0x1082  }
0x22: {  	[simem:s7], [sflag:s8] =	dma.local @!p0 [hbm:s6], $0xF7A  }
0x23: {  	s9 =	sor.u32 $0xD0000000, s2;
	s6 =	simm.s32 $0x108;
	_ =	swait.ge @!p0 [sflag:s8], $0x0  }
0x24: {  	s3 =	sadd.s32 $0x88, s3;
	s6 =	simm.s32 @!p1 $0x1082;
	[sflag:s4] =	ssyncset.s32 $0xFFFFF086  }
0x25: {  	[simem:s6], [sflag:s4] =	dma.local [hbm:s3], $0xF7A  }
0x26: {  	[smem:$0x3F90] =	sst s1;
	(tag) =	ssettag s2;
	_ =	strace s9  }
0x27: {  	s1 =	sld [smem:$0x3FA0]  }
0x28: {  	s2 =	sld [smem:$0x3FA1]  }
0x29: {  	s4 =	sld [smem:$0x3FA3]  }
0x2a: {  	p0 =	seq.s32 s5, $0x0;
	s5 =	sld [smem:$0x3FA4]  }
0x2b: {  	s6 =	sld [smem:$0x3FA5]  }
0x2c: {  	s7 =	sld [smem:$0x3FA6]  }
0x2d: {  	s3 =	simm.s32 $0x108;
	s8 =	sld [smem:$0x3FA7]  }
0x2e: {  	s3 =	simm.s32 @!p0 $0x1082;
	s9 =	sld [smem:$0x3FA8]  }
0x2f: {  	lr =	sadd.s32 s0, s3;
	s0 =	sld [smem:$0x3F9F]  }
0x30: {  	s3 =	sld [smem:$0x3FA2]  }
0x31: {  	[smem:$0x3FAB] =	sst s10  }
0x32: {  	s10 =	sld [smem:$0x3FA9];
	_ =	sdelay $0x3  }
0x33: {  	p0 =	seq.s32 s10, $0x1;
	s10 =	sld [smem:$0x3FAB];
	_ =	sdelay $0x3  }
0x34: {  	[smem:$0x3FAB] =	sst s10  }
0x35: {  	s10 =	sld [smem:$0x3FAA];
	_ =	sdelay $0x3  }
0x36: {  	p1 =	seq.s32 s10, $0x1;
	s10 =	sld [smem:$0x3FAB];
	_ =	sdelay $0x3  }
0x37: {  	[smem:$0x3FAB] =	sst s10  }
0x38: {  	s10 =	sld [smem:$0x3FAC]  }
0x39: {  	_ = 	snop;
	(pc) =	sbr.ind lr, $3  }
0x3a: {  	_ = 	snop  }
0x3b: {  	_ = 	snop  }
0x3c: {  	p2 =	seq.s32 s10, $0x1;
	s10 =	sld [smem:$0x3FAB]  }
0x3d: {  	_ =	shalt  }
0x3e: {  	_ =	shalt  }
0x3f: {  	_ =	shalt  }
0x40: {  	_ =	shalt  }
0x41: {  	_ =	shalt  }
0x42: {  	_ =	shalt  }
0x43: {  	_ =	shalt  }
0x44: {  	_ =	shalt  }
0x45: {  	_ =	shalt  }
0x46: {  	_ =	shalt  }
0x47: {  	_ =	shalt  }
0x48: {  	_ =	shalt  }
0x49: {  	_ =	shalt  }
0x4a: {  	_ =	shalt  }
0x4b: {  	_ =	shalt  }
0x4c: {  	_ =	shalt  }
0x4d: {  	_ =	shalt  }
0x4e: {  	_ =	shalt  }
0x4f: {  	_ =	shalt  }
0x50: {  	_ =	shalt  }
0x51: {  	_ =	shalt  }
0x52: {  	_ =	shalt  }
0x53: {  	_ =	shalt  }
0x54: {  	_ =	shalt  }
0x55: {  	_ =	shalt  }
0x56: {  	_ =	shalt  }
0x57: {  	_ =	shalt  }
0x58: {  	_ =	shalt  }
0x59: {  	_ =	shalt  }
0x5a: {  	_ =	shalt  }
0x5b: {  	_ =	shalt  }
0x5c: {  	_ =	shalt  }
0x5d: {  	_ =	shalt  }
0x5e: {  	_ =	shalt  }
0x5f: {  	_ =	shalt  }
0x60: {  	_ =	shalt  }
0x61: {  	_ =	shalt  }
0x62: {  	_ =	shalt  }
0x63: {  	_ =	shalt  }
0x64: {  	_ =	shalt  }
0x65: {  	_ =	shalt  }
0x66: {  	_ =	shalt  }
0x67: {  	_ =	shalt  }
0x68: {  	_ =	shalt  }
0x69: {  	_ =	shalt  }
0x6a: {  	_ =	shalt  }
0x6b: {  	_ =	shalt  }
0x6c: {  	_ =	shalt  }
0x6d: {  	_ =	shalt  }
0x6e: {  	_ =	shalt  }
0x6f: {  	_ =	shalt  }
0x70: {  	_ =	shalt  }
0x71: {  	_ =	shalt  }
0x72: {  	_ =	shalt  }
0x73: {  	_ =	shalt  }
0x74: {  	_ =	shalt  }
0x75: {  	_ =	shalt  }
0x76: {  	_ =	shalt  }
0x77: {  	_ =	shalt  }
0x78: {  	_ =	shalt  }
0x79: {  	_ =	shalt  }
0x7a: {  	_ =	shalt  }
0x7b: {  	_ =	shalt  }
0x7c: {  	_ =	shalt  }
0x7d: {  	_ =	shalt  }
0x7e: {  	_ =	shalt  }
0x7f: {  	_ =	shalt  }
0x80: {  	_ =	shalt  }
0x81: {  	_ =	shalt  }
0x82: {  	_ =	shalt  }
0x83: {  	_ =	shalt  }
0x84: {  	_ =	shalt  }
0x85: {  	_ =	shalt  }
0x86: {  	_ =	shalt  }
0x87: {  	_ =	shalt  }
.Lfunc_end0:
.L_simem_size_0:
called_computation_lowered:
.L_overlay_start_0:
0x88: {  	s2 =	sld [smem:$0x3FD9]  }
0x89: {  	s3 =	sld [smem:$0x3FFE];
	_ =	sdelay $0x1  }
0x8a: {  	s1 =	srdreg.scid  }
0x8b: {  	s0 =	sand.u32 $0x1, s1  }
0x8c: {  	s16 =	sshll.u32 s0, $0xA;
	s2 =	sadd.s32 s3, s2  }
0x8d: {  	s2 =	sadd.s32 s2, s16  }
0x8e: {  	[smem:$0x3FB7] =	sst s2  }
0x8f: {  	_ = 	snop  }
0x90: {  	(tm) =	ssettm $0x1  }
0x91: {  	s17 =	sld [smem:$0x3FFB];
	_ =	sdelay $0x3  }
0x92: {  	_ =	strace s17  }
0x93: {  	s2 =	sld [smem:$0x3FFC];
	_ =	sdelay $0x3  }
0x94: {  	_ =	strace s2  }
0x95: {  	s2 =	sld [smem:$0x3FFD];
	_ =	sdelay $0x3  }
0x96: {  	_ =	strace s2  }
0x97: {  	_ =	strace $0x8FFFFFFF  }
0x98: {  	s18 =	sld [smem:$0x3FDB];
	_ =	sdelay $0x1  }
0x99: {  	s19 =	simm.s32 $_scs_section_size  }
0x9a: {  	s4 =	simm.s32 $_size__tile_overlayer_lowered;
	s5 =	simm.s32 $_tile_overlayer_lowered  }
0x9b: {  	s22 =	simm.s32 $0x1BFF;
	s21 =	sshll.u32 s5, $0x1;
	s2 =	sadd.s32 s19, s18  }
0x9c: {  	s6 =	simm.s32 $0x0;
	s20 =	sshll.u32 s4, $0x1;
	s4 =	sadd.s32 s21, s2  }
0x9d: {  	[timem:s6], [sflag:s22] =	dma.local [hbm:s4], s20  }
0x9e: {  	_ =	swait.ge [sflag:s22], s20  }
0x9f: {  	s3 =	ssub.s32 $0x0, s20;
	[sflag:s22] =	ssyncset.done $0x0  }
0xa0: {  	[sflag:s22] =	ssyncadd.s32 s3;
	_ =	sdelay $0x1  }
0xa1: {  	s23 =	simm.s32 $0x1B8B  }
0xa2: {  	_ =	swait.ge [sflag:s23], $0x1  }
0xa3: {  	[sflag:s23] =	ssyncset.done $0x0  }
0xa4: {  	s25 =	simm.s32 $0x1B8E;
	s24 =	sld [smem:$0x3FFE];
	[sflag:s23] =	ssyncadd.s32 $0xFFFFFFFF  }
0xa5: {  	s26 =	simm.s32 $execute0_lowered;
	[smem:$0x3FD2] =	sst s25  }
0xa6: {  	s4 =	sshll.u32 s26, $0x1;
	_ =	strace $0x80000046;
	[dreg:$0x1] =	wrdreg $0xFFFFFFFF  }
0xa7: {  	s28 =	simm.s32 $_size_execute0_lowered;
	s2 =	sadd.s32 s2, s4;
	[dreg:$0x0] =	wrdreg $0x0  }
0xa8: {  	s4 =	sshll.u32 s28, $0x1;
	[dreg:$0x2] =	wrdreg s2  }
0xa9: {  	[dreg:$0x3] =	wrdreg s4  }
0xaa: {  	[dreg:$0x4] =	wrdreg $0xC0  }
0xab: {  	_ =	task [dreg:s6], $0x5FFFF  }
0xac: {  	[dreg:$0x1] =	wrdreg $0xFFFFFFFF  }
0xad: {  	[dreg:$0x0] =	wrdreg $0x60  }
0xae: {  	[dreg:$0x2] =	wrdreg s24  }
0xaf: {  	[dreg:$0x3] =	wrdreg $0x72C00  }
0xb0: {  	[dreg:$0x4] =	wrdreg $0x9  }
0xb1: {  	_ =	task.clear_ibuf [dreg:s6], $0x5FFFF;
	_ =	strace $0x90000046  }
0xb2: {  	s29 =	simm.s32 $0x9;
	_ =	strace $0x80000048  }
0xb3: {  	_ =	swait.ge [sflag:s29], $0x1  }
0xb4: {  	[sflag:s29] =	ssyncadd.s32 $0xFFFFFFFF  }
0xb5: {  	_ =	strace $0x90000048  }
0xb6: {  	_ =	sfence  }
0xb7: {  	s30 =	sld [smem:$0x0];
	_ =	sdelay $0x2  }
0xb8: {  	s31 =	sshll.u32 s1, $0xD;
	s1 =	sshrl.u32 s1, $0x2  }
0xb9: {  	s3 =	sand.u32 $0x4000, s31;
	s1 =	sadd.s32 s1, s30  }
0xba: {  	s0 =	sor.u32 s3, s0;
	s1 =	sshll.u32 s1, $0x11  }
0xbb: {  	s0 =	sor.u32 s1, s0  }
0xbc: {  	s0 =	sadd.s32 $0x8F2B, s0  }
0xbd: {  	[sflag:s0] =	ssyncadd.remote.s32 $0x1  }
0xbe: {  	_ =	sfence.sel $0xFFFF  }
0xbf: {  	[dreg:$0x0] =	wrdreg $0xFFFFFFFF;
	(pc) =	sbr.abs _section_cstart, $3  }
0xc0: {  	[dreg:$0x1] =	wrdreg $0xFFFFFFFF  }
0xc1: {  	_ =	task.clear_ibuf [dreg:s6], $0x2FFFF;
	_ =	strace $0x9FFFFFFF  }
0xc2: {  	(tm) =	ssettm $0x7FFFFFFF  }
0xc3: {  	_ =	shalt  }
tec
execute0_lowered:
.L_overlay_start_1:
0x0: {  	(tag) =	ssettag $0x1  }
0x1: {  	s0 =	rddreg [dreg:$0x0]  }
0x2: {  	s2 =	rddreg [dreg:$0x1];
	s3 =	simm.s32 $0x0  }
0x3: {  	s1 =	srdreg.scid;
	s17 =	stileid.u32;
	s20 =	simm.s32 $0x3CC0  }
0x4: {  	s21 =	simm.s32 $0x2;
	s22 =	simm.s32 $0x60;
	s23 =	simm.s32 $0xC0  }
0x5: {  	s24 =	simm.s32 $0x1;
	s25 =	simm.s32 $0x6C0;
	s26 =	simm.s32 $0xCC0  }
0x6: {  	[smem:$0x7FF] =	sst s3;
	s1 =	sand.u32 $0x1, s1;
	s10 =	smul.u32 $0x2D00, s17  }
0x7: {  	s4 =	sadd.s32 $0x3600, s0;
	s5 =	sadd.s32 $0x2B600, s0;
	s12 =	smul.u32 $0x5A000, s17  }
0x8: {  	s6 =	sadd.s32 $0x58600, s0;
	s7 =	sadd.s32 $0x53600, s0;
	s17 =	smul.u32 $0xD8, s17  }
0x9: {  	s8 =	sadd.s32 $0x67800, s0;
	s9 =	sadd.s32 $0x5D600, s0;
	s11 =	smul.u32 $0x2D000, s1  }
0xa: {  	_ =	strace $0x80000047;
	s31 =	ssub.s32 $0x2, s1;
	s12 =	sshrl.u32 s12, $0x2  }
.Ltmp0:
0xb: {  	s13 =	sshrl.u32 s31, $0x1;
	s10 =	sadd.s32 s10, s11;
	(pc) =	sbr.rel .LBB2_1-.Ltmp0, $4  }
0xc: {  	s19 =	ssub.s32 s31, s13;
	s0 =	sadd.s32 s10, s0;
	s10 =	sadd.s32 s12, s2  }
0xd: {  	p0 =	seq.s32 s1, $0x1;
	s19 =	smax.u32 s19, $0x1;
	s11 =	sadd.s32 $0x3600, s10  }
0xe: {  	s12 =	sadd.s32 $0x6C00, s10;
	s13 =	sadd.s32 $0xA200, s10;
	s14 =	sadd.s32 $0xD800, s10  }
0xf: {  	v0 =	vimm.f32 $0.0e+00;
	s15 =	sadd.s32 $0x10E00, s10;
	s16 =	sadd.s32 $0x14400, s10;
	s18 =	sadd.s32 $0x71A00, s0  }
.LBB2_10:
0x10: {  	s0 =	stileid.u32;
	s3 =	sadd.s32 $0x1, s3  }
0x11: {  	[bflag:$0x0] =	sbarrier.arrive $0xFFFF;
	s0 =	sshll.u32 s0, $0x6;
	p1 =	sne.s32 s3, s19  }
.Ltmp1:
0x12: {  	s1 =	sshrl.u32 s10, $0x3;
	s0 =	sor.u32 $0x1C02, s0;
	(pc) =	sbr.rel @!p1 .LBB2_11-.Ltmp1, $4  }
0x13: {  	[hbm:s18], [sflag:s0] =	dma.local [spmem:s1], $0x2D00  }
0x14: {  	_ =	swait.ge [sflag:s21], $0x2D00  }
0x15: {  	[sflag:s21] =	ssyncset.done $0x0  }
0x16: {  	[sflag:s21] =	ssyncadd.s32 $0xFFFFD300  }
.LBB2_1:
0x17: {  	s0 =	simm.s32 $0x0;
	s28 =	simm.s32 $0x240  }
.LBB2_2:
0x18: {  	p1 =	sne.s32 s28, $0xD5C0;
	[tilespmem:s0+$0x3D40] =	vst v0  }
0x19: {  	[tilespmem:s0+$0x3CC0] =	vst v0  }
0x1a: {  	[tilespmem:s0+$0x3CD0] =	vst v0  }
0x1b: {  	[tilespmem:s0+$0x3CE0] =	vst v0  }
.Ltmp2:
0x1c: {  	[tilespmem:s0+$0x3CF0] =	vst v0;
	(pc) =	sbr.rel @p1 .LBB2_2-.Ltmp2, $4  }
0x1d: {  	[tilespmem:s0+$0x3D00] =	vst v0  }
0x1e: {  	[tilespmem:s0+$0x3D10] =	vst v0  }
0x1f: {  	[tilespmem:s0+$0x3D20] =	vst v0  }
0x20: {  	[tilespmem:s0+$0x3D30] =	vst v0;
	s0 =	sshra.s32 s28, $0x2;
	s28 =	sadd.s32 $0x240, s28  }
0x21: {  	[tilespmem:s0+$0x3D40] =	vst v0  }
0x22: {  	[tilespmem:s0+$0x3CC0] =	vst v0  }
0x23: {  	[tilespmem:s0+$0x3CD0] =	vst v0  }
0x24: {  	[tilespmem:s0+$0x3CE0] =	vst v0  }
0x25: {  	[tilespmem:s0+$0x3CF0] =	vst v0  }
0x26: {  	[tilespmem:s0+$0x3D00] =	vst v0  }
0x27: {  	[tilespmem:s0+$0x3D10] =	vst v0  }
0x28: {  	[tilespmem:s0+$0x3D20] =	vst v0  }
0x29: {  	[tilespmem:s0+$0x3D30] =	vst v0  }
0x2a: {  	[spmem:s10] =	stream.linear.scatter [tilespmem:s20], [sflag:$0x2], $0x3600, $0x38;
	[tilespmem:$0x1DAC0] =	vst v63  }
0x2b: {  	_ =	swait.ge [sflag:s21], $0x3600  }
0x2c: {  	[sflag:s21] =	ssyncset.done $0x0  }
0x2d: {  	[sflag:s21] =	ssyncadd.s32 $0xFFFFCA00  }
0x2e: {  	[spmem:s11] =	stream.linear.scatter [tilespmem:s20], [sflag:$0x2], $0x3600, $0x38;
	[tilespmem:$0x1DAC0] =	vst v63  }
0x2f: {  	_ =	swait.ge [sflag:s21], $0x3600  }
0x30: {  	[sflag:s21] =	ssyncset.done $0x0  }
0x31: {  	[sflag:s21] =	ssyncadd.s32 $0xFFFFCA00  }
0x32: {  	[spmem:s12] =	stream.linear.scatter [tilespmem:s20], [sflag:$0x2], $0x3600, $0x38;
	[tilespmem:$0x1DAC0] =	vst v63  }
0x33: {  	_ =	swait.ge [sflag:s21], $0x3600  }
0x34: {  	[sflag:s21] =	ssyncset.done $0x0  }
0x35: {  	[sflag:s21] =	ssyncadd.s32 $0xFFFFCA00  }
0x36: {  	[spmem:s13] =	stream.linear.scatter [tilespmem:s20], [sflag:$0x2], $0x3600, $0x38;
	[tilespmem:$0x1DAC0] =	vst v63  }
0x37: {  	_ =	swait.ge [sflag:s21], $0x3600  }
0x38: {  	[sflag:s21] =	ssyncset.done $0x0  }
0x39: {  	[sflag:s21] =	ssyncadd.s32 $0xFFFFCA00  }
0x3a: {  	[spmem:s14] =	stream.linear.scatter [tilespmem:s20], [sflag:$0x2], $0x3600, $0x38;
	[tilespmem:$0x1DAC0] =	vst v63  }
0x3b: {  	_ =	swait.ge [sflag:s21], $0x3600  }
0x3c: {  	[sflag:s21] =	ssyncset.done $0x0  }
0x3d: {  	[sflag:s21] =	ssyncadd.s32 $0xFFFFCA00  }
0x3e: {  	[spmem:s15] =	stream.linear.scatter [tilespmem:s20], [sflag:$0x2], $0x3600, $0x38;
	[tilespmem:$0x1DAC0] =	vst v63  }
0x3f: {  	_ =	swait.ge [sflag:s21], $0x3600  }
0x40: {  	[sflag:s21] =	ssyncset.done $0x0  }
0x41: {  	[sflag:s21] =	ssyncadd.s32 $0xFFFFCA00  }
0x42: {  	[spmem:s16] =	stream.linear.scatter [tilespmem:s20], [sflag:$0x2], $0x2400, $0x38;
	[tilespmem:$0x1DAC0] =	vst v63  }
.Ltmp3:
0x43: {  	_ =	swait.ge [sflag:s21], $0x2400;
	(pc) =	sbr.rel @!p0 .LBB2_4-.Ltmp3, $4  }
0x44: {  	[sflag:s21] =	ssyncset.done $0x0  }
0x45: {  	[sflag:s21] =	ssyncadd.s32 $0xFFFFDC00  }
0x46: {  	[bflag:$0x0] =	sbarrier.arrive $0xFFFF  }
0x47: {  	s28 =	simm.s32 $0x0;
	s29 =	simm.s32 $0x0;
	s30 =	simm.s32 $0x0  }
.LBB2_7:
0x48: {  	s0 =	sadd.s32 s17, s30  }
0x49: {  	s0 =	smul.u32 $0xC, s0;
	_ =	sdelay $0x1  }
0x4a: {  	s1 =	sadd.s32 s8, s0  }
0x4b: {  	[tilespmem:s28], [sflag:$0x2] =	stream.linear.gather [hbm4b:s1+s28], $0x60, $0x38;
	[tilespmem:$0x1DAC0] =	vst v63  }
0x4c: {  	_ =	swait.ge [sflag:s21], $0x60  }
0x4d: {  	[sflag:s21] =	ssyncset.done $0x0  }
0x4e: {  	s0 =	sadd.s32 s9, s0;
	[sflag:s21] =	ssyncadd.s32 $0xFFFFFFA0  }
0x4f: {  	[tilespmem:s22], [sflag:$0x2] =	stream.linear.gather [hbm4b:s0+s28], $0x60, $0x38;
	[tilespmem:$0x1DAC0] =	vst v63  }
0x50: {  	_ =	swait.ge [sflag:s21], $0x60  }
0x51: {  	[sflag:s21] =	ssyncset.done $0x0  }
0x52: {  	[sflag:s21] =	ssyncadd.s32 $0xFFFFFFA0  }
0x53: {  	[tilespmem:s23], [sflag:$0x1] =	stream.indirect.gather [hbm4b:s6+s22], $0x10, s28, s22, $0xb8;
	[tilespmem:$0x1DAC0] =	vst v63  }
0x54: {  	_ =	swait.ge [sflag:s24], $0x600  }
0x55: {  	[sflag:s24] =	ssyncset.done $0x0  }
0x56: {  	[sflag:s24] =	ssyncadd.s32 $0xFFFFFA00  }
0x57: {  	[tilespmem:s25], [sflag:$0x1] =	stream.indirect.gather [hbm4b:s7+s22], $0x10, s22, s22, $0xb8;
	[tilespmem:$0x1DAC0] =	vst v63  }
0x58: {  	_ =	swait.ge [sflag:s24], $0x600  }
0x59: {  	[sflag:s24] =	ssyncset.done $0x0  }
0x5a: {  	[sflag:s24] =	ssyncadd.s32 $0xFFFFFA00  }
0x5b: {  	[tilespmem:s26], [sflag:$0x1] =	stream.indirect.gather [hbm4b:s5+s22], $0x80, s28, s22, $0xb8;
	[tilespmem:$0x1DAC0] =	vst v63  }
0x5c: {  	_ =	swait.ge [sflag:s24], $0x3000  }
0x5d: {  	[sflag:s24] =	ssyncset.done $0x0  }
0x5e: {  	s1 =	simm.s32 $0x0;
	[sflag:s24] =	ssyncadd.s32 $0xFFFFD000  }
0x5f: {  	v1 =	vld [tilespmem:s1+$0xC0]  }
0x60: {  	v2 =	vld [tilespmem:s1+$0x6C0];
	_ =	sdelay $0x4  }
0x61: {  	v1 =	vadd.f32 v2, v1;
	_ =	sdelay $0x1  }
0x62: {  	v2 =	vmul.f32 $2.000000030e-01, v1;
	_ =	sdelay $0x1  }
0x63: {  	v1 =	vmax.f32 v1, v2  }
0x64: {  	v1 =	vmul.f32 $1.442695020e+00, v1;
	_ =	sdelay $0x1  }
0x65: {  	(erf) = vpow2.f32 v1;
	_ =	sdelay $0x8  }
0x66: {  	s29 =	simm.s32 $0x3D00;
	v1 =	vpop (erf)  }
0x67: {  	s31 =	simm.s32 $0xD00;
	[tilespmem:s29+$0x40] =	vst v1  }
0x68: {  	v2 =	vld [tilespmem:s31+$0xFFFFFFC0];
	_ =	sdelay $0x2  }
0x69: {  	v3 =	vbroadcast v1, $0x2;
	_ =	sdelay $0x1  }
0x6a: {  	v2 =	vmul.f32 v3, v2;
	_ =	sdelay $0x1  }
0x6b: {  	[tilespmem:s29+$0xFFFFFFC0] =	vst v2  }
0x6c: {  	v2 =	vld [tilespmem:s31+$0xFFFFFFD0];
	_ =	sdelay $0x4  }
0x6d: {  	v2 =	vmul.f32 v3, v2;
	_ =	sdelay $0x1  }
0x6e: {  	[tilespmem:s29+$0xFFFFFFD0] =	vst v2  }
0x6f: {  	v2 =	vld [tilespmem:s31+$0xFFFFFFE0];
	_ =	sdelay $0x4  }
0x70: {  	v2 =	vmul.f32 v3, v2;
	_ =	sdelay $0x1  }
0x71: {  	[tilespmem:s29+$0xFFFFFFE0] =	vst v2  }
0x72: {  	v2 =	vld [tilespmem:s31+$0xFFFFFFF0];
	_ =	sdelay $0x4  }
0x73: {  	v2 =	vmul.f32 v2, v3;
	_ =	sdelay $0x1  }
0x74: {  	[tilespmem:s29+$0xFFFFFFF0] =	vst v2  }
0x75: {  	v2 =	vld [tilespmem:s31+$0x0];
	_ =	sdelay $0x2  }
0x76: {  	v1 =	vbroadcast v1, $0x3;
	_ =	sdelay $0x1  }
0x77: {  	v2 =	vmul.f32 v2, v1;
	_ =	sdelay $0x1  }
0x78: {  	[tilespmem:s29+$0x0] =	vst v2  }
0x79: {  	v2 =	vld [tilespmem:s31+$0x10];
	_ =	sdelay $0x4  }
0x7a: {  	v2 =	vmul.f32 v2, v1;
	_ =	sdelay $0x1  }
0x7b: {  	[tilespmem:s29+$0x10] =	vst v2  }
0x7c: {  	v2 =	vld [tilespmem:s31+$0x20];
	_ =	sdelay $0x4  }
0x7d: {  	v2 =	vmul.f32 v2, v1;
	_ =	sdelay $0x1  }
0x7e: {  	[tilespmem:s29+$0x20] =	vst v2  }
0x7f: {  	v2 =	vld [tilespmem:s31+$0x30];
	_ =	sdelay $0x4  }
0x80: {  	v1 =	vmul.f32 v2, v1;
	_ =	sdelay $0x1  }
0x81: {  	s1 =	simm.s32 $0x10;
	[tilespmem:s29+$0x30] =	vst v1  }
0x82: {  	s0 =	simm.s32 $0x80;
	v1 =	vld [tilespmem:s1+$0xC0]  }
.LBB2_8:
0x83: {  	p1 =	sne.s32 s0, $0x17C0;
	v2 =	vld [tilespmem:s1+$0x6C0];
	_ =	sdelay $0x4  }
0x84: {  	v1 =	vadd.f32 v2, v1;
	_ =	sdelay $0x1  }
0x85: {  	v2 =	vmul.f32 $2.000000030e-01, v1;
	_ =	sdelay $0x1  }
0x86: {  	v1 =	vmax.f32 v1, v2  }
0x87: {  	v1 =	vmul.f32 $1.442695020e+00, v1;
	_ =	sdelay $0x1  }
0x88: {  	(erf) = vpow2.f32 v1;
	_ =	sdelay $0x8  }
0x89: {  	s29 =	sadd.s32 $0x90, s29;
	v1 =	vpop (erf)  }
0x8a: {  	s31 =	sadd.s32 $0x80, s31;
	[tilespmem:s29+$0x40] =	vst v1  }
0x8b: {  	v2 =	vld [tilespmem:s31+$0xFFFFFFC0];
	_ =	sdelay $0x2  }
0x8c: {  	v3 =	vbroadcast v1, $0x2;
	_ =	sdelay $0x1  }
0x8d: {  	v2 =	vmul.f32 v3, v2;
	_ =	sdelay $0x1  }
0x8e: {  	[tilespmem:s29+$0xFFFFFFC0] =	vst v2  }
0x8f: {  	v2 =	vld [tilespmem:s31+$0xFFFFFFD0];
	_ =	sdelay $0x4  }
0x90: {  	v2 =	vmul.f32 v3, v2;
	_ =	sdelay $0x1  }
0x91: {  	[tilespmem:s29+$0xFFFFFFD0] =	vst v2  }
0x92: {  	v2 =	vld [tilespmem:s31+$0xFFFFFFE0];
	_ =	sdelay $0x4  }
0x93: {  	v2 =	vmul.f32 v3, v2;
	_ =	sdelay $0x1  }
0x94: {  	[tilespmem:s29+$0xFFFFFFE0] =	vst v2  }
0x95: {  	v2 =	vld [tilespmem:s31+$0xFFFFFFF0];
	_ =	sdelay $0x4  }
0x96: {  	v2 =	vmul.f32 v2, v3;
	_ =	sdelay $0x1  }
0x97: {  	[tilespmem:s29+$0xFFFFFFF0] =	vst v2  }
0x98: {  	v2 =	vld [tilespmem:s31+$0x0];
	_ =	sdelay $0x2  }
0x99: {  	v1 =	vbroadcast v1, $0x3;
	_ =	sdelay $0x1  }
0x9a: {  	v2 =	vmul.f32 v2, v1;
	_ =	sdelay $0x1  }
0x9b: {  	[tilespmem:s29+$0x0] =	vst v2  }
0x9c: {  	v2 =	vld [tilespmem:s31+$0x10];
	_ =	sdelay $0x4  }
0x9d: {  	v2 =	vmul.f32 v2, v1;
	_ =	sdelay $0x1  }
0x9e: {  	[tilespmem:s29+$0x10] =	vst v2  }
0x9f: {  	v2 =	vld [tilespmem:s31+$0x20];
	_ =	sdelay $0x4  }
0xa0: {  	v2 =	vmul.f32 v2, v1;
	_ =	sdelay $0x1  }
0xa1: {  	[tilespmem:s29+$0x20] =	vst v2  }
0xa2: {  	v2 =	vld [tilespmem:s31+$0x30];
	_ =	sdelay $0x3  }
.Ltmp4:
0xa3: {  	(pc) =	sbr.rel @p1 .LBB2_8-.Ltmp4, $3  }
0xa4: {  	v1 =	vmul.f32 v2, v1;
	_ =	sdelay $0x1  }
0xa5: {  	s1 =	sshra.s32 s0, $0x2;
	[tilespmem:s29+$0x30] =	vst v1  }
0xa6: {  	s0 =	sadd.s32 $0x40, s0;
	v1 =	vld [tilespmem:s1+$0xC0]  }
0xa7: {  	v2 =	vld [tilespmem:s1+$0x6C0];
	_ =	sdelay $0x4  }
0xa8: {  	v1 =	vadd.f32 v2, v1;
	_ =	sdelay $0x1  }
0xa9: {  	v2 =	vmul.f32 $2.000000030e-01, v1;
	_ =	sdelay $0x1  }
0xaa: {  	v1 =	vmax.f32 v1, v2  }
0xab: {  	v1 =	vmul.f32 $1.442695020e+00, v1;
	_ =	sdelay $0x1  }
0xac: {  	(erf) = vpow2.f32 v1;
	_ =	sdelay $0x8  }
0xad: {  	s0 =	sadd.s32 $0x90, s29;
	v1 =	vpop (erf)  }
0xae: {  	s31 =	sadd.s32 $0x80, s31;
	[tilespmem:s0+$0x40] =	vst v1  }
0xaf: {  	v2 =	vld [tilespmem:s31+$0xFFFFFFC0];
	_ =	sdelay $0x2  }
0xb0: {  	v3 =	vbroadcast v1, $0x2;
	_ =	sdelay $0x1  }
0xb1: {  	v2 =	vmul.f32 v3, v2;
	_ =	sdelay $0x1  }
0xb2: {  	[tilespmem:s0+$0xFFFFFFC0] =	vst v2  }
0xb3: {  	v2 =	vld [tilespmem:s31+$0xFFFFFFD0];
	_ =	sdelay $0x4  }
0xb4: {  	v2 =	vmul.f32 v3, v2;
	_ =	sdelay $0x1  }
0xb5: {  	[tilespmem:s0+$0xFFFFFFD0] =	vst v2  }
0xb6: {  	v2 =	vld [tilespmem:s31+$0xFFFFFFE0];
	_ =	sdelay $0x4  }
0xb7: {  	v2 =	vmul.f32 v3, v2;
	_ =	sdelay $0x1  }
0xb8: {  	[tilespmem:s0+$0xFFFFFFE0] =	vst v2  }
0xb9: {  	v2 =	vld [tilespmem:s31+$0xFFFFFFF0];
	_ =	sdelay $0x4  }
0xba: {  	v2 =	vmul.f32 v2, v3;
	_ =	sdelay $0x1  }
0xbb: {  	[tilespmem:s0+$0xFFFFFFF0] =	vst v2  }
0xbc: {  	v2 =	vld [tilespmem:s31+$0x0];
	_ =	sdelay $0x2  }
0xbd: {  	v1 =	vbroadcast v1, $0x3;
	_ =	sdelay $0x1  }
0xbe: {  	v2 =	vmul.f32 v2, v1;
	_ =	sdelay $0x1  }
0xbf: {  	[tilespmem:s0+$0x0] =	vst v2  }
0xc0: {  	v2 =	vld [tilespmem:s31+$0x10];
	_ =	sdelay $0x4  }
0xc1: {  	v2 =	vmul.f32 v2, v1;
	_ =	sdelay $0x1  }
0xc2: {  	[tilespmem:s0+$0x10] =	vst v2  }
0xc3: {  	v2 =	vld [tilespmem:s31+$0x20];
	_ =	sdelay $0x4  }
0xc4: {  	v2 =	vmul.f32 v2, v1;
	_ =	sdelay $0x1  }
0xc5: {  	[tilespmem:s0+$0x20] =	vst v2  }
0xc6: {  	v2 =	vld [tilespmem:s31+$0x30];
	_ =	sdelay $0x4  }
0xc7: {  	v1 =	vmul.f32 v2, v1  }
0xc8: {  	s30 =	sadd.s32 $0x1, s30  }
0xc9: {  	p1 =	sne.s32 s30, $0xD8;
	[tilespmem:s0+$0x30] =	vst v1  }
0xca: {  	[spmem:s2] =	stream.indirect.scatter.add.f32 [tilespmem:s20], [sflag:$0x1], $0x90, s22, s22, $0xb8;
	[tilespmem:$0x1DAC0] =	vst v63  }
.Ltmp5:
0xcb: {  	_ = 	snop;
	(pc) =	sbr.rel @p1 .LBB2_7-.Ltmp5, $4  }
.Ltmp6:
0xcc: {  	_ = 	snop;
	(pc) =	sbr.rel @!p1 .LBB2_10-.Ltmp6, $4  }
0xcd: {  	_ =	swait.ge [sflag:s24], $0x3600  }
0xce: {  	[sflag:s24] =	ssyncset.done $0x0  }
0xcf: {  	[sflag:s24] =	ssyncadd.s32 $0xFFFFCA00  }
0xd0: {  	_ = 	snop  }
.LBB2_4:
0xd1: {  	s0 =	sadd.s32 s17, s29  }
0xd2: {  	s0 =	smul.u32 $0xC, s0;
	_ =	sdelay $0x1  }
0xd3: {  	s1 =	sadd.s32 s8, s0  }
0xd4: {  	[tilespmem:s28], [sflag:$0x2] =	stream.linear.gather [hbm4b:s1+s28], $0x60, $0x38;
	[tilespmem:$0x1DAC0] =	vst v63  }
0xd5: {  	_ =	swait.ge [sflag:s21], $0x60  }
0xd6: {  	[sflag:s21] =	ssyncset.done $0x0  }
0xd7: {  	s0 =	sadd.s32 s9, s0;
	[sflag:s21] =	ssyncadd.s32 $0xFFFFFFA0  }
0xd8: {  	[tilespmem:s22], [sflag:$0x2] =	stream.linear.gather [hbm4b:s0+s28], $0x60, $0x38;
	[tilespmem:$0x1DAC0] =	vst v63  }
0xd9: {  	_ =	swait.ge [sflag:s21], $0x60  }
0xda: {  	[sflag:s21] =	ssyncset.done $0x0  }
0xdb: {  	[sflag:s21] =	ssyncadd.s32 $0xFFFFFFA0  }
0xdc: {  	[tilespmem:s23], [sflag:$0x1] =	stream.indirect.gather [hbm4b:s6+s22], $0x10, s28, s22, $0xb8;
	[tilespmem:$0x1DAC0] =	vst v63  }
0xdd: {  	_ =	swait.ge [sflag:s24], $0x600  }
0xde: {  	[sflag:s24] =	ssyncset.done $0x0  }
0xdf: {  	[sflag:s24] =	ssyncadd.s32 $0xFFFFFA00  }
0xe0: {  	[tilespmem:s25], [sflag:$0x1] =	stream.indirect.gather [hbm4b:s7+s22], $0x10, s22, s22, $0xb8;
	[tilespmem:$0x1DAC0] =	vst v63  }
0xe1: {  	_ =	swait.ge [sflag:s24], $0x600  }
0xe2: {  	[sflag:s24] =	ssyncset.done $0x0  }
0xe3: {  	[sflag:s24] =	ssyncadd.s32 $0xFFFFFA00  }
0xe4: {  	[tilespmem:s26], [sflag:$0x1] =	stream.indirect.gather [hbm4b:s4+s22], $0x80, s28, s22, $0xb8;
	[tilespmem:$0x1DAC0] =	vst v63  }
0xe5: {  	_ =	swait.ge [sflag:s24], $0x3000  }
0xe6: {  	[sflag:s24] =	ssyncset.done $0x0  }
0xe7: {  	s1 =	simm.s32 $0x0;
	[sflag:s24] =	ssyncadd.s32 $0xFFFFD000  }
0xe8: {  	v1 =	vld [tilespmem:s1+$0xC0]  }
0xe9: {  	v2 =	vld [tilespmem:s1+$0x6C0];
	_ =	sdelay $0x4  }
0xea: {  	v1 =	vadd.f32 v2, v1;
	_ =	sdelay $0x1  }
0xeb: {  	v2 =	vmul.f32 $2.000000030e-01, v1;
	_ =	sdelay $0x1  }
0xec: {  	v1 =	vmax.f32 v1, v2  }
0xed: {  	v1 =	vmul.f32 $1.442695020e+00, v1;
	_ =	sdelay $0x1  }
0xee: {  	(erf) = vpow2.f32 v1;
	_ =	sdelay $0x8  }
0xef: {  	s30 =	simm.s32 $0x3D00;
	v1 =	vpop (erf)  }
0xf0: {  	s31 =	simm.s32 $0xD00;
	[tilespmem:s30+$0x40] =	vst v1  }
0xf1: {  	v2 =	vld [tilespmem:s31+$0xFFFFFFC0];
	_ =	sdelay $0x2  }
0xf2: {  	v3 =	vbroadcast v1, $0x0;
	_ =	sdelay $0x1  }
0xf3: {  	v2 =	vmul.f32 v3, v2;
	_ =	sdelay $0x1  }
0xf4: {  	[tilespmem:s30+$0xFFFFFFC0] =	vst v2  }
0xf5: {  	v2 =	vld [tilespmem:s31+$0xFFFFFFD0];
	_ =	sdelay $0x4  }
0xf6: {  	v2 =	vmul.f32 v3, v2;
	_ =	sdelay $0x1  }
0xf7: {  	[tilespmem:s30+$0xFFFFFFD0] =	vst v2  }
0xf8: {  	v2 =	vld [tilespmem:s31+$0xFFFFFFE0];
	_ =	sdelay $0x4  }
0xf9: {  	v2 =	vmul.f32 v3, v2;
	_ =	sdelay $0x1  }
0xfa: {  	[tilespmem:s30+$0xFFFFFFE0] =	vst v2  }
0xfb: {  	v2 =	vld [tilespmem:s31+$0xFFFFFFF0];
	_ =	sdelay $0x4  }
0xfc: {  	v2 =	vmul.f32 v2, v3;
	_ =	sdelay $0x1  }
0xfd: {  	[tilespmem:s30+$0xFFFFFFF0] =	vst v2  }
0xfe: {  	v2 =	vld [tilespmem:s31+$0x0];
	_ =	sdelay $0x2  }
0xff: {  	v1 =	vbroadcast v1, $0x1;
	_ =	sdelay $0x1  }
0x100: {  	v2 =	vmul.f32 v2, v1;
	_ =	sdelay $0x1  }
0x101: {  	[tilespmem:s30+$0x0] =	vst v2  }
0x102: {  	v2 =	vld [tilespmem:s31+$0x10];
	_ =	sdelay $0x4  }
0x103: {  	v2 =	vmul.f32 v2, v1;
	_ =	sdelay $0x1  }
0x104: {  	[tilespmem:s30+$0x10] =	vst v2  }
0x105: {  	v2 =	vld [tilespmem:s31+$0x20];
	_ =	sdelay $0x4  }
0x106: {  	v2 =	vmul.f32 v2, v1;
	_ =	sdelay $0x1  }
0x107: {  	[tilespmem:s30+$0x20] =	vst v2  }
0x108: {  	v2 =	vld [tilespmem:s31+$0x30];
	_ =	sdelay $0x4  }
0x109: {  	v1 =	vmul.f32 v2, v1;
	_ =	sdelay $0x1  }
0x10a: {  	s1 =	simm.s32 $0x10;
	[tilespmem:s30+$0x30] =	vst v1  }
0x10b: {  	s0 =	simm.s32 $0x80;
	v1 =	vld [tilespmem:s1+$0xC0]  }
.LBB2_5:
0x10c: {  	p1 =	sne.s32 s0, $0x17C0;
	v2 =	vld [tilespmem:s1+$0x6C0];
	_ =	sdelay $0x4  }
0x10d: {  	v1 =	vadd.f32 v2, v1;
	_ =	sdelay $0x1  }
0x10e: {  	v2 =	vmul.f32 $2.000000030e-01, v1;
	_ =	sdelay $0x1  }
0x10f: {  	v1 =	vmax.f32 v1, v2  }
0x110: {  	v1 =	vmul.f32 $1.442695020e+00, v1;
	_ =	sdelay $0x1  }
0x111: {  	(erf) = vpow2.f32 v1;
	_ =	sdelay $0x8  }
0x112: {  	s30 =	sadd.s32 $0x90, s30;
	v1 =	vpop (erf)  }
0x113: {  	s31 =	sadd.s32 $0x80, s31;
	[tilespmem:s30+$0x40] =	vst v1  }
0x114: {  	v2 =	vld [tilespmem:s31+$0xFFFFFFC0];
	_ =	sdelay $0x2  }
0x115: {  	v3 =	vbroadcast v1, $0x0;
	_ =	sdelay $0x1  }
0x116: {  	v2 =	vmul.f32 v3, v2;
	_ =	sdelay $0x1  }
0x117: {  	[tilespmem:s30+$0xFFFFFFC0] =	vst v2  }
0x118: {  	v2 =	vld [tilespmem:s31+$0xFFFFFFD0];
	_ =	sdelay $0x4  }
0x119: {  	v2 =	vmul.f32 v3, v2;
	_ =	sdelay $0x1  }
0x11a: {  	[tilespmem:s30+$0xFFFFFFD0] =	vst v2  }
0x11b: {  	v2 =	vld [tilespmem:s31+$0xFFFFFFE0];
	_ =	sdelay $0x4  }
0x11c: {  	v2 =	vmul.f32 v3, v2;
	_ =	sdelay $0x1  }
0x11d: {  	[tilespmem:s30+$0xFFFFFFE0] =	vst v2  }
0x11e: {  	v2 =	vld [tilespmem:s31+$0xFFFFFFF0];
	_ =	sdelay $0x4  }
0x11f: {  	v2 =	vmul.f32 v2, v3;
	_ =	sdelay $0x1  }
0x120: {  	[tilespmem:s30+$0xFFFFFFF0] =	vst v2  }
0x121: {  	v2 =	vld [tilespmem:s31+$0x0];
	_ =	sdelay $0x2  }
0x122: {  	v1 =	vbroadcast v1, $0x1;
	_ =	sdelay $0x1  }
0x123: {  	v2 =	vmul.f32 v2, v1;
	_ =	sdelay $0x1  }
0x124: {  	[tilespmem:s30+$0x0] =	vst v2  }
0x125: {  	v2 =	vld [tilespmem:s31+$0x10];
	_ =	sdelay $0x4  }
0x126: {  	v2 =	vmul.f32 v2, v1;
	_ =	sdelay $0x1  }
0x127: {  	[tilespmem:s30+$0x10] =	vst v2  }
0x128: {  	v2 =	vld [tilespmem:s31+$0x20];
	_ =	sdelay $0x4  }
0x129: {  	v2 =	vmul.f32 v2, v1;
	_ =	sdelay $0x1  }
0x12a: {  	[tilespmem:s30+$0x20] =	vst v2  }
0x12b: {  	v2 =	vld [tilespmem:s31+$0x30];
	_ =	sdelay $0x3  }
.Ltmp7:
0x12c: {  	(pc) =	sbr.rel @p1 .LBB2_5-.Ltmp7, $3  }
0x12d: {  	v1 =	vmul.f32 v2, v1;
	_ =	sdelay $0x1  }
0x12e: {  	s1 =	sshra.s32 s0, $0x2;
	[tilespmem:s30+$0x30] =	vst v1  }
0x12f: {  	s0 =	sadd.s32 $0x40, s0;
	v1 =	vld [tilespmem:s1+$0xC0]  }
0x130: {  	v2 =	vld [tilespmem:s1+$0x6C0];
	_ =	sdelay $0x4  }
0x131: {  	v1 =	vadd.f32 v2, v1;
	_ =	sdelay $0x1  }
0x132: {  	v2 =	vmul.f32 $2.000000030e-01, v1;
	_ =	sdelay $0x1  }
0x133: {  	v1 =	vmax.f32 v1, v2  }
0x134: {  	v1 =	vmul.f32 $1.442695020e+00, v1;
	_ =	sdelay $0x1  }
0x135: {  	(erf) = vpow2.f32 v1;
	_ =	sdelay $0x8  }
0x136: {  	s0 =	sadd.s32 $0x90, s30;
	v1 =	vpop (erf)  }
0x137: {  	s31 =	sadd.s32 $0x80, s31;
	[tilespmem:s0+$0x40] =	vst v1  }
0x138: {  	v2 =	vld [tilespmem:s31+$0xFFFFFFC0];
	_ =	sdelay $0x2  }
0x139: {  	v3 =	vbroadcast v1, $0x0;
	_ =	sdelay $0x1  }
0x13a: {  	v2 =	vmul.f32 v3, v2;
	_ =	sdelay $0x1  }
0x13b: {  	[tilespmem:s0+$0xFFFFFFC0] =	vst v2  }
0x13c: {  	v2 =	vld [tilespmem:s31+$0xFFFFFFD0];
	_ =	sdelay $0x4  }
0x13d: {  	v2 =	vmul.f32 v3, v2;
	_ =	sdelay $0x1  }
0x13e: {  	[tilespmem:s0+$0xFFFFFFD0] =	vst v2  }
0x13f: {  	v2 =	vld [tilespmem:s31+$0xFFFFFFE0];
	_ =	sdelay $0x4  }
0x140: {  	v2 =	vmul.f32 v3, v2;
	_ =	sdelay $0x1  }
0x141: {  	[tilespmem:s0+$0xFFFFFFE0] =	vst v2  }
0x142: {  	v2 =	vld [tilespmem:s31+$0xFFFFFFF0];
	_ =	sdelay $0x4  }
0x143: {  	v2 =	vmul.f32 v2, v3;
	_ =	sdelay $0x1  }
0x144: {  	[tilespmem:s0+$0xFFFFFFF0] =	vst v2  }
0x145: {  	v2 =	vld [tilespmem:s31+$0x0];
	_ =	sdelay $0x2  }
0x146: {  	v1 =	vbroadcast v1, $0x1;
	_ =	sdelay $0x1  }
0x147: {  	v2 =	vmul.f32 v2, v1;
	_ =	sdelay $0x1  }
0x148: {  	[tilespmem:s0+$0x0] =	vst v2  }
0x149: {  	v2 =	vld [tilespmem:s31+$0x10];
	_ =	sdelay $0x4  }
0x14a: {  	v2 =	vmul.f32 v2, v1;
	_ =	sdelay $0x1  }
0x14b: {  	[tilespmem:s0+$0x10] =	vst v2  }
0x14c: {  	v2 =	vld [tilespmem:s31+$0x20];
	_ =	sdelay $0x4  }
0x14d: {  	v2 =	vmul.f32 v2, v1;
	_ =	sdelay $0x1  }
0x14e: {  	[tilespmem:s0+$0x20] =	vst v2  }
0x14f: {  	v2 =	vld [tilespmem:s31+$0x30];
	_ =	sdelay $0x4  }
0x150: {  	v1 =	vmul.f32 v2, v1  }
0x151: {  	s29 =	sadd.s32 $0x1, s29  }
0x152: {  	p1 =	seq.s32 s29, $0xD8;
	[tilespmem:s0+$0x30] =	vst v1  }
0x153: {  	[spmem:s2] =	stream.indirect.scatter.add.f32 [tilespmem:s20], [sflag:$0x1], $0x90, s22, s22, $0xb8;
	[tilespmem:$0x1DAC0] =	vst v63  }
.Ltmp8:
0x154: {  	_ = 	snop;
	(pc) =	sbr.rel @!p1 .LBB2_4-.Ltmp8, $4  }
.Ltmp9:
0x155: {  	_ = 	snop;
	(pc) =	sbr.rel @p1 .LBB2_10-.Ltmp9, $4  }
0x156: {  	_ =	swait.ge [sflag:s24], $0x3600  }
0x157: {  	[sflag:s24] =	ssyncset.done $0x0  }
0x158: {  	[sflag:s24] =	ssyncadd.s32 $0xFFFFCA00  }
0x159: {  	_ = 	snop  }
.LBB2_11:
0x15a: {  	_ =	sfence.sel $0x180000  }
0x15b: {  	[bflag:$0x0] =	sbarrier.arrive $0xFFFF  }
0x15c: {  	_ =	strace $0x90000047  }
0x15d: {  	s0 =	stileid.u32;
	[bflag:$0x2] =	sbarrier.arrive $0xFFFF  }
0x15e: {  	p0 =	sne.s32 s0, $0x0;
	s0 =	rddreg [dreg:$0x2]  }
0x15f: {  	s0 =	sadd.s32 @!p0 $0x100000, s0  }
0x160: {  	[sflag:s0] =	ssyncadd.tile.s32 @!p0 $0x1;
	_ =	shalt  }
.Lfunc_end2:
_tile_overlayer_lowered:
.L_overlay_start_2:
0x161: {  	(tag) =	ssettag $0x2  }
0x162: {  	s0 =	rddreg [dreg:$0x0];
	s2 =	stileid.u32  }
0x163: {  	s1 =	rddreg [dreg:$0x1];
	p0 =	sne.s32 s2, $0x0  }
0x164: {  	s3 =	rddreg [dreg:$0x2];
	[bflag:$0x3] =	sbarrier.arrive $0xFFFF;
	s2 =	simm.s32 @!p0 $0x1C02  }
0x165: {  	[timem:s3], [sflag:s2] =	dma.local @!p0 [hbm:s0], s1  }
0x166: {  	s0 =	simm.s32 @!p0 $0x2  }
0x167: {  	_ =	swait.ge @!p0 [sflag:s0], s1  }
0x168: {  	s1 =	ssub.s32 @!p0 $0x0, s1;
	[sflag:s0] =	ssyncset.done @!p0 $0x0  }
0x169: {  	[sflag:s0] =	ssyncadd.s32 @!p0 s1  }
0x16a: {  	[bflag:$0x3] =	sbarrier.arrive $0xFFFF  }
0x16b: {  	_ =	shalt  }

</sc_bundles>
